<compile_context>
chip_gen: v7x
topology: tpu7x:2x2x1
jax: 0.10.2.dev20260603
libtpu: 0.0.44.dev20260713+nightly
codegen_flags: <defaults>
</compile_context>

<pallas_src>
import jax
import jax.numpy as jnp
from jax import lax
from jax.experimental import pallas as pl
from jax.experimental.pallas import tpu as pltpu
from jax.experimental.pallas import tpu_sc as plsc

BATCH = 16384
SUBTOK = 8
PRETRAINED_DIM = 1024
D_MODEL = 512

NC = 2
NS = 16
L = 16
NW = NC * NS

T = 1
CH = SUBTOK * T
NBUF = 8
NFB = 2


def _make_sc_body(num_chunks, tok_per_w):
    def _sc_body(ids_hbm, table_hbm, out_hbm, idx_v,
                 rows0, rows1, rows2, rows3, rows4, rows5, rows6, rows7,
                 fused0, fused1,
                 sem0, sem1, sem2, sem3, sem4, sem5, sem6, sem7,
                 osem0, osem1):
        cid = lax.axis_index("c")
        sid = lax.axis_index("s")
        wid = sid * NC + cid

        pltpu.sync_copy(ids_hbm.at[wid], idx_v)

        rows = (rows0, rows1, rows2, rows3, rows4, rows5, rows6, rows7)
        sems = (sem0, sem1, sem2, sem3, sem4, sem5, sem6, sem7)
        fused = (fused0, fused1)
        osems = (osem0, osem1)

        def issue(g, b):
            pltpu.async_copy(table_hbm.at[idx_v.at[pl.ds(g * CH, CH)]],
                             rows[b], sems[b])

        for b in range(NBUF):
            issue(b, b)

        def accumulate(rows_b, fused_f):
            @plsc.parallel_loop(0, PRETRAINED_DIM // L, step=1, unroll=8)
            def col_body(kk):
                col = pl.ds(kk * L, L)
                for t in range(T):
                    v = [rows_b[SUBTOK * t + j, col] for j in range(SUBTOK)]
                    while len(v) > 1:
                        v = [v[2 * i] + v[2 * i + 1]
                             for i in range(len(v) // 2)]
                    fused_f[t, col] = v[0]

        def chunk(gc, b, f):
            pltpu.make_async_copy(
                table_hbm.at[idx_v.at[pl.ds(gc * CH, CH)]], rows[b],
                sems[b]).wait()

            @pl.when(gc >= NFB)
            def _():
                pltpu.make_async_copy(fused[f], out_hbm.at[pl.ds(0, T)],
                                      osems[f]).wait()

            accumulate(rows[b], fused[f])
            base = wid * tok_per_w + gc * T
            pltpu.async_copy(fused[f], out_hbm.at[pl.ds(base, T)], osems[f])

            @pl.when(gc + NBUF < num_chunks)
            def _():
                issue(gc + NBUF, b)

        def chunk_quad(g, _):
            for b in range(NBUF):
                chunk(g + b, b, b % NFB)
            return 0

        lax.fori_loop(0, num_chunks // NBUF,
                      lambda i, c: chunk_quad(i * NBUF, c), 0)

        for f in range(NFB):
            pltpu.make_async_copy(fused[f], out_hbm.at[pl.ds(0, T)],
                                  osems[f]).wait()

    return _sc_body


def _sc_gather_sum(ids, table):
    num_chunks = ids.shape[1] // CH
    tok_per_w = num_chunks * T
    batch_s = tok_per_w * NW
    mesh = plsc.VectorSubcoreMesh(core_axis_name="c", subcore_axis_name="s")
    kern = pl.kernel(
        _make_sc_body(num_chunks, tok_per_w),
        out_type=jax.ShapeDtypeStruct((batch_s, PRETRAINED_DIM),
                                      jnp.float32),
        mesh=mesh,
        scratch_types=(
            [pltpu.VMEM((num_chunks * CH,), jnp.int32)]
            + [pltpu.VMEM((CH, PRETRAINED_DIM), jnp.float32)
               for _ in range(NBUF)]
            + [pltpu.VMEM((T, PRETRAINED_DIM), jnp.float32)
               for _ in range(NFB)]
            + [pltpu.SemaphoreType.DMA for _ in range(NBUF + NFB)]
        ),
    )
    return kern(ids, table)


def _tc_body(fused_ref, w_ref, b_ref, g_ref, beta_ref, out_ref):
    x = jnp.dot(fused_ref[...], w_ref[...],
                preferred_element_type=jnp.float32)
    x = x * (1.0 / SUBTOK) + b_ref[...]
    mu = jnp.mean(x, axis=-1, keepdims=True)
    xc = x - mu
    var = jnp.mean(xc * xc, axis=-1, keepdims=True)
    out_ref[...] = g_ref[...] * (xc * lax.rsqrt(var + 1e-5)) + beta_ref[...]


def _tc_proj_ln(fused, W_proj, b_proj, ln_gamma, ln_beta):
    BM = 2048
    batch_s = fused.shape[0]
    grid = (batch_s // BM,)
    return pl.pallas_call(
        _tc_body,
        grid=grid,
        in_specs=[
            pl.BlockSpec((BM, PRETRAINED_DIM), lambda i: (i, 0)),
            pl.BlockSpec((PRETRAINED_DIM, D_MODEL), lambda i: (0, 0)),
            pl.BlockSpec((1, D_MODEL), lambda i: (0, 0)),
            pl.BlockSpec((1, D_MODEL), lambda i: (0, 0)),
            pl.BlockSpec((1, D_MODEL), lambda i: (0, 0)),
        ],
        out_specs=pl.BlockSpec((BM, D_MODEL), lambda i: (i, 0)),
        out_shape=jax.ShapeDtypeStruct((batch_s, D_MODEL), jnp.float32),
    )(fused, W_proj, b_proj.reshape(1, D_MODEL),
      ln_gamma.reshape(1, D_MODEL), ln_beta.reshape(1, D_MODEL))


NSLICE = 1


def kernel(bpe_token_ids, table, W_proj, b_proj, ln_gamma, ln_beta):
    batch_s = BATCH // NSLICE
    ids = bpe_token_ids.astype(jnp.int32).reshape(
        NSLICE, NW, batch_s // NW * SUBTOK)
    b2 = b_proj.reshape(1, D_MODEL)
    g2 = ln_gamma.reshape(1, D_MODEL)
    be2 = ln_beta.reshape(1, D_MODEL)
    fused = [_sc_gather_sum(ids[s], table) for s in range(NSLICE)]
    outs = [_tc_proj_ln(f, W_proj, b2, g2, be2) for f in fused]
    return jnp.concatenate(outs, axis=0)

# --- scband reference (transcript-rebuilt; emitter-appended) ---
"""Pipeline reference for scband-input-penman-graph-word-embedding-encoder-output-graph-v0-36215164240851 (READ-ONLY COPY).

The authoritative reference and input builder live on the scoring server;
editing this copy changes nothing except your own understanding.
"""

import jax, jax.numpy as jnp
import numpy as np

BATCH = 16384
SUBTOK = 8
VOCAB = 100000
PRETRAINED_DIM = 1024
D_MODEL = 512


def setup_inputs(seed: int = 0) -> dict:
    key = jax.random.key(seed)
    k1, k2, k3 = jax.random.split(key, 3)
    bpe_token_ids = jax.random.randint(k1, (BATCH, SUBTOK), 0, VOCAB, dtype=jnp.int64 if jax.config.jax_enable_x64 else jnp.int32)
    table = jax.random.normal(k2, (VOCAB, PRETRAINED_DIM), dtype=jnp.float32) * 0.02
    W_proj = jax.random.normal(k3, (PRETRAINED_DIM, D_MODEL), dtype=jnp.float32) * (1.0 / np.sqrt(PRETRAINED_DIM))
    b_proj = jnp.zeros((D_MODEL,), dtype=jnp.float32)
    ln_gamma = jnp.ones((D_MODEL,), dtype=jnp.float32)
    ln_beta = jnp.zeros((D_MODEL,), dtype=jnp.float32)
    return {
        'bpe_token_ids': bpe_token_ids,
        'table': table,
        'W_proj': W_proj,
        'b_proj': b_proj,
        'ln_gamma': ln_gamma,
        'ln_beta': ln_beta,
    }


def reference(bpe_token_ids, table, W_proj, b_proj, ln_gamma, ln_beta):
    # word_embedding lookup: concept_embed = self.word_embedding(bpe_token_ids)
    emb = jnp.take(table, bpe_token_ids, axis=0)  # [B, SUBTOK, PRETRAINED_DIM]
    # fuse_subtoken == 'mean': concept_embed = concept_embed.mean(dim=0) per concept
    fused = jnp.mean(emb, axis=1)  # [B, PRETRAINED_DIM]
    # FeatureResizer: Linear(pretrained_dim -> d_model) followed by LayerNorm (do_ln=True, dropout=0.0)
    x = fused @ W_proj + b_proj  # [B, D_MODEL]
    mu = jnp.mean(x, axis=-1, keepdims=True)
    var = jnp.mean(jnp.square(x - mu), axis=-1, keepdims=True)
    out = ln_gamma * (x - mu) / jnp.sqrt(var + 1e-5) + ln_beta
    return out

if __name__ == "__main__":
    import jax
    _d = setup_inputs()
    print(jax.jit(kernel)(*tuple(_d.values())))

</pallas_src>

<mosaic_0001>
#map = affine_map<(d0, d1) -> (0, 0)>
module attributes {stable_mosaic.version = 14 : i64} {
  func.func @_sc_body(%arg0: i32, %arg1: i32, %arg2: memref<32x4096xi32, #tpu.memory_space<hbm>>, %arg3: memref<100000x1024xf32, #tpu.memory_space<hbm>>, %arg4: memref<16384x1024xf32, #tpu.memory_space<hbm>>, %arg5: memref<4096xi32, #tpu.memory_space<vmem>>, %arg6: memref<8x1024xf32, #tpu.memory_space<vmem>>, %arg7: memref<8x1024xf32, #tpu.memory_space<vmem>>, %arg8: memref<8x1024xf32, #tpu.memory_space<vmem>>, %arg9: memref<8x1024xf32, #tpu.memory_space<vmem>>, %arg10: memref<8x1024xf32, #tpu.memory_space<vmem>>, %arg11: memref<8x1024xf32, #tpu.memory_space<vmem>>, %arg12: memref<8x1024xf32, #tpu.memory_space<vmem>>, %arg13: memref<8x1024xf32, #tpu.memory_space<vmem>>, %arg14: memref<1x1024xf32, #tpu.memory_space<vmem>>, %arg15: memref<1x1024xf32, #tpu.memory_space<vmem>>, %arg16: memref<!tpu.dma_semaphore, #tpu.memory_space<semaphore_mem>>, %arg17: memref<!tpu.dma_semaphore, #tpu.memory_space<semaphore_mem>>, %arg18: memref<!tpu.dma_semaphore, #tpu.memory_space<semaphore_mem>>, %arg19: memref<!tpu.dma_semaphore, #tpu.memory_space<semaphore_mem>>, %arg20: memref<!tpu.dma_semaphore, #tpu.memory_space<semaphore_mem>>, %arg21: memref<!tpu.dma_semaphore, #tpu.memory_space<semaphore_mem>>, %arg22: memref<!tpu.dma_semaphore, #tpu.memory_space<semaphore_mem>>, %arg23: memref<!tpu.dma_semaphore, #tpu.memory_space<semaphore_mem>>, %arg24: memref<!tpu.dma_semaphore, #tpu.memory_space<semaphore_mem>>, %arg25: memref<!tpu.dma_semaphore, #tpu.memory_space<semaphore_mem>>) attributes {dimension_semantics = [#tpu.dimension_semantics<core_parallel>, #tpu.dimension_semantics<subcore_parallel>], iteration_bounds = array<i64: 2, 16>, scalar_prefetch = 0 : i64, scratch_operands = 21 : i64, tpu.core_type = #tpu.core_type<sc_vector_subcore>, window_params = [{transform_indices = #map}, {transform_indices = #map}, {transform_indices = #map}]} {
    %mul3A = arith.constant 2 : i32
    %mul3A_0 = arith.muli %arg1, %mul3A : i32
    %add3A = arith.addi %mul3A_0, %arg0 : i32
    "tpu.region"() ({
      %run_scoped3A = tpu.sem_alloc : memref<!tpu.dma_semaphore, #tpu.memory_space<semaphore_mem>>
      %dma_start3A_57 = arith.constant 0 : i32
      %dma_start3A_58 = tpu.memref_slice %arg2[%add3A, %dma_start3A_57] : memref<32x4096xi32, #tpu.memory_space<hbm>> -> memref<1x4096xi32, #tpu.memory_space<hbm>>
      %dma_start3A_59 = tpu.memref_squeeze %dma_start3A_58 : memref<1x4096xi32, #tpu.memory_space<hbm>> -> memref<4096xi32, #tpu.memory_space<hbm>>
      %dma_start3A_60 = arith.constant 0 : i32
      %dma_start3A_61 = tpu.memref_slice %arg2[%add3A, %dma_start3A_60] : memref<32x4096xi32, #tpu.memory_space<hbm>> -> memref<1x4096xi32, #tpu.memory_space<hbm>>
      %dma_start3A_62 = tpu.memref_squeeze %dma_start3A_61 : memref<1x4096xi32, #tpu.memory_space<hbm>> -> memref<4096xi32, #tpu.memory_space<hbm>>
      tpu.enqueue_dma source(%dma_start3A_62 : memref<4096xi32, #tpu.memory_space<hbm>>) target(%arg5 : memref<4096xi32, #tpu.memory_space<vmem>>) target_semaphore(%run_scoped3A : memref<!tpu.dma_semaphore, #tpu.memory_space<semaphore_mem>>)
      %dma_wait3A_63 = arith.constant 0 : i32
      %dma_wait3A_64 = tpu.memref_slice %arg2[%add3A, %dma_wait3A_63] : memref<32x4096xi32, #tpu.memory_space<hbm>> -> memref<1x4096xi32, #tpu.memory_space<hbm>>
      %dma_wait3A_65 = tpu.memref_squeeze %dma_wait3A_64 : memref<1x4096xi32, #tpu.memory_space<hbm>> -> memref<4096xi32, #tpu.memory_space<hbm>>
      %dma_wait3A_66 = arith.constant 0 : i32
      %dma_wait3A_67 = tpu.memref_slice %arg2[%add3A, %dma_wait3A_66] : memref<32x4096xi32, #tpu.memory_space<hbm>> -> memref<1x4096xi32, #tpu.memory_space<hbm>>
      %dma_wait3A_68 = tpu.memref_squeeze %dma_wait3A_67 : memref<1x4096xi32, #tpu.memory_space<hbm>> -> memref<4096xi32, #tpu.memory_space<hbm>>
      tpu.wait_dma2 semaphore(%run_scoped3A : memref<!tpu.dma_semaphore, #tpu.memory_space<semaphore_mem>>) src(%dma_wait3A_68 : memref<4096xi32, #tpu.memory_space<hbm>>) dst(%arg5 : memref<4096xi32, #tpu.memory_space<vmem>>)
      tpu.yield
    }) : () -> ()
    %dma_start3A = arith.constant 0 : i32
    %dma_start3A_1 = tpu.memref_slice %arg5[%dma_start3A] : memref<4096xi32, #tpu.memory_space<vmem>> -> memref<8xi32, #tpu.memory_space<vmem>>
    %dma_start3A_2 = arith.constant 0 : i32
    %dma_start3A_3 = arith.constant 0 : i32
    %dma_start3A_4 = tpu.memref_slice %arg3[%dma_start3A_2, %dma_start3A_3] : memref<100000x1024xf32, #tpu.memory_space<hbm>> -> memref<100000x1024xf32, #tpu.memory_space<hbm>>
    tpu.enqueue_indirect_dma source(%dma_start3A_4 : memref<100000x1024xf32, #tpu.memory_space<hbm>>) target(%arg6 : memref<8x1024xf32, #tpu.memory_space<vmem>>) offsets(%dma_start3A_1 : memref<8xi32, #tpu.memory_space<vmem>>) semaphore(%arg16 : memref<!tpu.dma_semaphore, #tpu.memory_space<semaphore_mem>>)
    %dma_start3A_5 = arith.constant 8 : i32
    %dma_start3A_6 = tpu.memref_slice %arg5[%dma_start3A_5] : memref<4096xi32, #tpu.memory_space<vmem>> -> memref<8xi32, #tpu.memory_space<vmem>>
    %dma_start3A_7 = arith.constant 0 : i32
    %dma_start3A_8 = arith.constant 0 : i32
    %dma_start3A_9 = tpu.memref_slice %arg3[%dma_start3A_7, %dma_start3A_8] : memref<100000x1024xf32, #tpu.memory_space<hbm>> -> memref<100000x1024xf32, #tpu.memory_space<hbm>>
    tpu.enqueue_indirect_dma source(%dma_start3A_9 : memref<100000x1024xf32, #tpu.memory_space<hbm>>) target(%arg7 : memref<8x1024xf32, #tpu.memory_space<vmem>>) offsets(%dma_start3A_6 : memref<8xi32, #tpu.memory_space<vmem>>) semaphore(%arg17 : memref<!tpu.dma_semaphore, #tpu.memory_space<semaphore_mem>>)
    %dma_start3A_10 = arith.constant 16 : i32
    %dma_start3A_11 = tpu.memref_slice %arg5[%dma_start3A_10] : memref<4096xi32, #tpu.memory_space<vmem>> -> memref<8xi32, #tpu.memory_space<vmem>>
    %dma_start3A_12 = arith.constant 0 : i32
    %dma_start3A_13 = arith.constant 0 : i32
    %dma_start3A_14 = tpu.memref_slice %arg3[%dma_start3A_12, %dma_start3A_13] : memref<100000x1024xf32, #tpu.memory_space<hbm>> -> memref<100000x1024xf32, #tpu.memory_space<hbm>>
    tpu.enqueue_indirect_dma source(%dma_start3A_14 : memref<100000x1024xf32, #tpu.memory_space<hbm>>) target(%arg8 : memref<8x1024xf32, #tpu.memory_space<vmem>>) offsets(%dma_start3A_11 : memref<8xi32, #tpu.memory_space<vmem>>) semaphore(%arg18 : memref<!tpu.dma_semaphore, #tpu.memory_space<semaphore_mem>>)
    %dma_start3A_15 = arith.constant 24 : i32
    %dma_start3A_16 = tpu.memref_slice %arg5[%dma_start3A_15] : memref<4096xi32, #tpu.memory_space<vmem>> -> memref<8xi32, #tpu.memory_space<vmem>>
    %dma_start3A_17 = arith.constant 0 : i32
    %dma_start3A_18 = arith.constant 0 : i32
    %dma_start3A_19 = tpu.memref_slice %arg3[%dma_start3A_17, %dma_start3A_18] : memref<100000x1024xf32, #tpu.memory_space<hbm>> -> memref<100000x1024xf32, #tpu.memory_space<hbm>>
    tpu.enqueue_indirect_dma source(%dma_start3A_19 : memref<100000x1024xf32, #tpu.memory_space<hbm>>) target(%arg9 : memref<8x1024xf32, #tpu.memory_space<vmem>>) offsets(%dma_start3A_16 : memref<8xi32, #tpu.memory_space<vmem>>) semaphore(%arg19 : memref<!tpu.dma_semaphore, #tpu.memory_space<semaphore_mem>>)
    %dma_start3A_20 = arith.constant 32 : i32
    %dma_start3A_21 = tpu.memref_slice %arg5[%dma_start3A_20] : memref<4096xi32, #tpu.memory_space<vmem>> -> memref<8xi32, #tpu.memory_space<vmem>>
    %dma_start3A_22 = arith.constant 0 : i32
    %dma_start3A_23 = arith.constant 0 : i32
    %dma_start3A_24 = tpu.memref_slice %arg3[%dma_start3A_22, %dma_start3A_23] : memref<100000x1024xf32, #tpu.memory_space<hbm>> -> memref<100000x1024xf32, #tpu.memory_space<hbm>>
    tpu.enqueue_indirect_dma source(%dma_start3A_24 : memref<100000x1024xf32, #tpu.memory_space<hbm>>) target(%arg10 : memref<8x1024xf32, #tpu.memory_space<vmem>>) offsets(%dma_start3A_21 : memref<8xi32, #tpu.memory_space<vmem>>) semaphore(%arg20 : memref<!tpu.dma_semaphore, #tpu.memory_space<semaphore_mem>>)
    %dma_start3A_25 = arith.constant 40 : i32
    %dma_start3A_26 = tpu.memref_slice %arg5[%dma_start3A_25] : memref<4096xi32, #tpu.memory_space<vmem>> -> memref<8xi32, #tpu.memory_space<vmem>>
    %dma_start3A_27 = arith.constant 0 : i32
    %dma_start3A_28 = arith.constant 0 : i32
    %dma_start3A_29 = tpu.memref_slice %arg3[%dma_start3A_27, %dma_start3A_28] : memref<100000x1024xf32, #tpu.memory_space<hbm>> -> memref<100000x1024xf32, #tpu.memory_space<hbm>>
    tpu.enqueue_indirect_dma source(%dma_start3A_29 : memref<100000x1024xf32, #tpu.memory_space<hbm>>) target(%arg11 : memref<8x1024xf32, #tpu.memory_space<vmem>>) offsets(%dma_start3A_26 : memref<8xi32, #tpu.memory_space<vmem>>) semaphore(%arg21 : memref<!tpu.dma_semaphore, #tpu.memory_space<semaphore_mem>>)
    %dma_start3A_30 = arith.constant 48 : i32
    %dma_start3A_31 = tpu.memref_slice %arg5[%dma_start3A_30] : memref<4096xi32, #tpu.memory_space<vmem>> -> memref<8xi32, #tpu.memory_space<vmem>>
    %dma_start3A_32 = arith.constant 0 : i32
    %dma_start3A_33 = arith.constant 0 : i32
    %dma_start3A_34 = tpu.memref_slice %arg3[%dma_start3A_32, %dma_start3A_33] : memref<100000x1024xf32, #tpu.memory_space<hbm>> -> memref<100000x1024xf32, #tpu.memory_space<hbm>>
    tpu.enqueue_indirect_dma source(%dma_start3A_34 : memref<100000x1024xf32, #tpu.memory_space<hbm>>) target(%arg12 : memref<8x1024xf32, #tpu.memory_space<vmem>>) offsets(%dma_start3A_31 : memref<8xi32, #tpu.memory_space<vmem>>) semaphore(%arg22 : memref<!tpu.dma_semaphore, #tpu.memory_space<semaphore_mem>>)
    %dma_start3A_35 = arith.constant 56 : i32
    %dma_start3A_36 = tpu.memref_slice %arg5[%dma_start3A_35] : memref<4096xi32, #tpu.memory_space<vmem>> -> memref<8xi32, #tpu.memory_space<vmem>>
    %dma_start3A_37 = arith.constant 0 : i32
    %dma_start3A_38 = arith.constant 0 : i32
    %dma_start3A_39 = tpu.memref_slice %arg3[%dma_start3A_37, %dma_start3A_38] : memref<100000x1024xf32, #tpu.memory_space<hbm>> -> memref<100000x1024xf32, #tpu.memory_space<hbm>>
    tpu.enqueue_indirect_dma source(%dma_start3A_39 : memref<100000x1024xf32, #tpu.memory_space<hbm>>) target(%arg13 : memref<8x1024xf32, #tpu.memory_space<vmem>>) offsets(%dma_start3A_36 : memref<8xi32, #tpu.memory_space<vmem>>) semaphore(%arg23 : memref<!tpu.dma_semaphore, #tpu.memory_space<semaphore_mem>>)
    %scan3A = arith.constant 0 : i32
    %scan3A_40 = arith.constant 0 : i32
    %scan3A_41 = arith.constant 64 : i32
    %scan3A_42 = arith.addi %scan3A_40, %scan3A_41 : i32
    %scan3A_43 = arith.constant 1 : i32
    %scan3A_44 = scf.for %scan3A_57 = %scan3A_40 to %scan3A_42 step %scan3A_43 iter_args(%scan3A_58 = %scan3A) -> (i32)  : i32 {
      %mul3A_59 = arith.constant 8 : i32
      %mul3A_60 = arith.muli %scan3A_57, %mul3A_59 : i32
      %add3A_61 = arith.constant 0 : i32
      %add3A_62 = arith.addi %mul3A_60, %add3A_61 : i32
      %mul3A_63 = arith.constant 8 : i32
      %mul3A_64 = arith.muli %add3A_62, %mul3A_63 : i32
      %dma_wait3A_65 = tpu.memref_slice %arg5[%mul3A_64] : memref<4096xi32, #tpu.memory_space<vmem>> -> memref<8xi32, #tpu.memory_space<vmem>>
      %dma_wait3A_66 = arith.constant 0 : i32
      %dma_wait3A_67 = arith.constant 0 : i32
      %dma_wait3A_68 = tpu.memref_slice %arg3[%dma_wait3A_66, %dma_wait3A_67] : memref<100000x1024xf32, #tpu.memory_space<hbm>> -> memref<100000x1024xf32, #tpu.memory_space<hbm>>
      tpu.wait_indirect_dma semaphore(%arg16 : memref<!tpu.dma_semaphore, #tpu.memory_space<semaphore_mem>>) src(%dma_wait3A_68 : memref<100000x1024xf32, #tpu.memory_space<hbm>>) dst(%arg6 : memref<8x1024xf32, #tpu.memory_space<vmem>>)
      %ge3A = arith.constant 2 : i32
      %ge3A_69 = arith.cmpi sge, %add3A_62, %ge3A : i32
      %convert_element_type3A = arith.extui %ge3A_69 : i1 to i32
      %cond3A = arith.constant 0 : i32
      %cond3A_70 = arith.cmpi ne, %convert_element_type3A, %cond3A : i32
      scf.if %cond3A_70 {
        %dma_wait3A_313 = arith.constant 0 : i32
        %dma_wait3A_314 = arith.constant 0 : i32
        %dma_wait3A_315 = tpu.memref_slice %arg4[%dma_wait3A_313, %dma_wait3A_314] : memref<16384x1024xf32, #tpu.memory_space<hbm>> -> memref<1x1024xf32, #tpu.memory_space<hbm>>
        %dma_wait3A_316 = arith.constant 0 : i32
        %dma_wait3A_317 = arith.constant 0 : i32
        %dma_wait3A_318 = tpu.memref_slice %arg4[%dma_wait3A_316, %dma_wait3A_317] : memref<16384x1024xf32, #tpu.memory_space<hbm>> -> memref<1x1024xf32, #tpu.memory_space<hbm>>
        tpu.wait_dma2 semaphore(%arg24 : memref<!tpu.dma_semaphore, #tpu.memory_space<semaphore_mem>>) src(%arg14 : memref<1x1024xf32, #tpu.memory_space<vmem>>) dst(%dma_wait3A_318 : memref<1x1024xf32, #tpu.memory_space<hbm>>)
      } else {
      }
      %parallel_loop3A = arith.constant 0 : i32
      %parallel_loop3A_71 = arith.constant 64 : i32
      %parallel_loop3A_72 = arith.constant 1 : i32
      scf.for %parallel_loop3A_313 = %parallel_loop3A to %parallel_loop3A_71 step %parallel_loop3A_72  : i32 {
        %parallel_loop3A_314 = arith.constant 16 : i32
        %parallel_loop3A_315 = arith.muli %parallel_loop3A_313, %parallel_loop3A_314 : i32
        %parallel_loop3A_316 = arith.constant 0 : i32
        %parallel_loop3A_317 = arith.index_cast %parallel_loop3A_316 : i32 to index
        %parallel_loop3A_318 = arith.index_cast %parallel_loop3A_315 : i32 to index
        %parallel_loop3A_319 = tpu.vector_load %arg6[%parallel_loop3A_317, %parallel_loop3A_318] {strides = array<i32>} : memref<8x1024xf32, #tpu.memory_space<vmem>>, vector<1x16xf32>,
        %parallel_loop3A_320 = vector.shape_cast %parallel_loop3A_319 : vector<1x16xf32> to vector<16xf32>
        %parallel_loop3A_321 = arith.constant 1 : i32
        %parallel_loop3A_322 = arith.index_cast %parallel_loop3A_321 : i32 to index
        %parallel_loop3A_323 = arith.index_cast %parallel_loop3A_315 : i32 to index
        %parallel_loop3A_324 = tpu.vector_load %arg6[%parallel_loop3A_322, %parallel_loop3A_323] {strides = array<i32>} : memref<8x1024xf32, #tpu.memory_space<vmem>>, vector<1x16xf32>,
        %parallel_loop3A_325 = vector.shape_cast %parallel_loop3A_324 : vector<1x16xf32> to vector<16xf32>
        %parallel_loop3A_326 = arith.constant 2 : i32
        %parallel_loop3A_327 = arith.index_cast %parallel_loop3A_326 : i32 to index
        %parallel_loop3A_328 = arith.index_cast %parallel_loop3A_315 : i32 to index
        %parallel_loop3A_329 = tpu.vector_load %arg6[%parallel_loop3A_327, %parallel_loop3A_328] {strides = array<i32>} : memref<8x1024xf32, #tpu.memory_space<vmem>>, vector<1x16xf32>,
        %parallel_loop3A_330 = vector.shape_cast %parallel_loop3A_329 : vector<1x16xf32> to vector<16xf32>
        %parallel_loop3A_331 = arith.constant 3 : i32
        %parallel_loop3A_332 = arith.index_cast %parallel_loop3A_331 : i32 to index
        %parallel_loop3A_333 = arith.index_cast %parallel_loop3A_315 : i32 to index
        %parallel_loop3A_334 = tpu.vector_load %arg6[%parallel_loop3A_332, %parallel_loop3A_333] {strides = array<i32>} : memref<8x1024xf32, #tpu.memory_space<vmem>>, vector<1x16xf32>,
        %parallel_loop3A_335 = vector.shape_cast %parallel_loop3A_334 : vector<1x16xf32> to vector<16xf32>
        %parallel_loop3A_336 = arith.constant 4 : i32
        %parallel_loop3A_337 = arith.index_cast %parallel_loop3A_336 : i32 to index
        %parallel_loop3A_338 = arith.index_cast %parallel_loop3A_315 : i32 to index
        %parallel_loop3A_339 = tpu.vector_load %arg6[%parallel_loop3A_337, %parallel_loop3A_338] {strides = array<i32>} : memref<8x1024xf32, #tpu.memory_space<vmem>>, vector<1x16xf32>,
        %parallel_loop3A_340 = vector.shape_cast %parallel_loop3A_339 : vector<1x16xf32> to vector<16xf32>
        %parallel_loop3A_341 = arith.constant 5 : i32
        %parallel_loop3A_342 = arith.index_cast %parallel_loop3A_341 : i32 to index
        %parallel_loop3A_343 = arith.index_cast %parallel_loop3A_315 : i32 to index
        %parallel_loop3A_344 = tpu.vector_load %arg6[%parallel_loop3A_342, %parallel_loop3A_343] {strides = array<i32>} : memref<8x1024xf32, #tpu.memory_space<vmem>>, vector<1x16xf32>,
        %parallel_loop3A_345 = vector.shape_cast %parallel_loop3A_344 : vector<1x16xf32> to vector<16xf32>
        %parallel_loop3A_346 = arith.constant 6 : i32
        %parallel_loop3A_347 = arith.index_cast %parallel_loop3A_346 : i32 to index
        %parallel_loop3A_348 = arith.index_cast %parallel_loop3A_315 : i32 to index
        %parallel_loop3A_349 = tpu.vector_load %arg6[%parallel_loop3A_347, %parallel_loop3A_348] {strides = array<i32>} : memref<8x1024xf32, #tpu.memory_space<vmem>>, vector<1x16xf32>,
        %parallel_loop3A_350 = vector.shape_cast %parallel_loop3A_349 : vector<1x16xf32> to vector<16xf32>
        %parallel_loop3A_351 = arith.constant 7 : i32
        %parallel_loop3A_352 = arith.index_cast %parallel_loop3A_351 : i32 to index
        %parallel_loop3A_353 = arith.index_cast %parallel_loop3A_315 : i32 to index
        %parallel_loop3A_354 = tpu.vector_load %arg6[%parallel_loop3A_352, %parallel_loop3A_353] {strides = array<i32>} : memref<8x1024xf32, #tpu.memory_space<vmem>>, vector<1x16xf32>,
        %parallel_loop3A_355 = vector.shape_cast %parallel_loop3A_354 : vector<1x16xf32> to vector<16xf32>
        %parallel_loop3A_356 = arith.addf %parallel_loop3A_320, %parallel_loop3A_325 : vector<16xf32>
        %parallel_loop3A_357 = arith.addf %parallel_loop3A_330, %parallel_loop3A_335 : vector<16xf32>
        %parallel_loop3A_358 = arith.addf %parallel_loop3A_340, %parallel_loop3A_345 : vector<16xf32>
        %parallel_loop3A_359 = arith.addf %parallel_loop3A_350, %parallel_loop3A_355 : vector<16xf32>
        %parallel_loop3A_360 = arith.addf %parallel_loop3A_356, %parallel_loop3A_357 : vector<16xf32>
        %parallel_loop3A_361 = arith.addf %parallel_loop3A_358, %parallel_loop3A_359 : vector<16xf32>
        %parallel_loop3A_362 = arith.addf %parallel_loop3A_360, %parallel_loop3A_361 : vector<16xf32>
        %parallel_loop3A_363 = arith.constant 0 : i32
        %parallel_loop3A_364 = arith.index_cast %parallel_loop3A_363 : i32 to index
        %parallel_loop3A_365 = arith.index_cast %parallel_loop3A_315 : i32 to index
        %parallel_loop3A_366 = tpu.vector_load %arg14[%parallel_loop3A_364, %parallel_loop3A_365] {strides = array<i32>} : memref<1x1024xf32, #tpu.memory_space<vmem>>, vector<1x16xf32>,
        %parallel_loop3A_367 = vector.shape_cast %parallel_loop3A_366 : vector<1x16xf32> to vector<16xf32>
        %parallel_loop3A_368 = vector.shape_cast %parallel_loop3A_362 : vector<16xf32> to vector<1x16xf32>
        tpu.vector_store %arg14[%parallel_loop3A_364, %parallel_loop3A_365], %parallel_loop3A_368 {strides = array<i32>} : memref<1x1024xf32, #tpu.memory_space<vmem>>, vector<1x16xf32>,
      } {sc.loop_unroll_factor = 8 : i64, sc.parallel_access}
      %mul3A_73 = arith.constant 512 : i32
      %mul3A_74 = arith.muli %add3A, %mul3A_73 : i32
      %mul3A_75 = arith.constant 1 : i32
      %mul3A_76 = arith.muli %add3A_62, %mul3A_75 : i32
      %add3A_77 = arith.addi %mul3A_74, %mul3A_76 : i32
      %dma_start3A_78 = arith.constant 0 : i32
      %dma_start3A_79 = tpu.memref_slice %arg4[%add3A_77, %dma_start3A_78] : memref<16384x1024xf32, #tpu.memory_space<hbm>> -> memref<1x1024xf32, #tpu.memory_space<hbm>>
      %dma_start3A_80 = arith.constant 0 : i32
      %dma_start3A_81 = tpu.memref_slice %arg4[%add3A_77, %dma_start3A_80] : memref<16384x1024xf32, #tpu.memory_space<hbm>> -> memref<1x1024xf32, #tpu.memory_space<hbm>>
      tpu.enqueue_dma source(%arg14 : memref<1x1024xf32, #tpu.memory_space<vmem>>) target(%dma_start3A_81 : memref<1x1024xf32, #tpu.memory_space<hbm>>) target_semaphore(%arg24 : memref<!tpu.dma_semaphore, #tpu.memory_space<semaphore_mem>>)
      %add3A_82 = arith.constant 8 : i32
      %add3A_83 = arith.addi %add3A_62, %add3A_82 : i32
      %lt3A = arith.constant 512 : i32
      %lt3A_84 = arith.cmpi slt, %add3A_83, %lt3A : i32
      %convert_element_type3A_85 = arith.extui %lt3A_84 : i1 to i32
      %cond3A_86 = arith.constant 0 : i32
      %cond3A_87 = arith.cmpi ne, %convert_element_type3A_85, %cond3A_86 : i32
      scf.if %cond3A_87 {
        %add3A_313 = arith.constant 8 : i32
        %add3A_314 = arith.addi %add3A_62, %add3A_313 : i32
        %mul3A_315 = arith.constant 8 : i32
        %mul3A_316 = arith.muli %add3A_314, %mul3A_315 : i32
        %dma_start3A_317 = tpu.memref_slice %arg5[%mul3A_316] : memref<4096xi32, #tpu.memory_space<vmem>> -> memref<8xi32, #tpu.memory_space<vmem>>
        %dma_start3A_318 = arith.constant 0 : i32
        %dma_start3A_319 = arith.constant 0 : i32
        %dma_start3A_320 = tpu.memref_slice %arg3[%dma_start3A_318, %dma_start3A_319] : memref<100000x1024xf32, #tpu.memory_space<hbm>> -> memref<100000x1024xf32, #tpu.memory_space<hbm>>
        tpu.enqueue_indirect_dma source(%dma_start3A_320 : memref<100000x1024xf32, #tpu.memory_space<hbm>>) target(%arg6 : memref<8x1024xf32, #tpu.memory_space<vmem>>) offsets(%dma_start3A_317 : memref<8xi32, #tpu.memory_space<vmem>>) semaphore(%arg16 : memref<!tpu.dma_semaphore, #tpu.memory_space<semaphore_mem>>)
      } else {
      }
      %add3A_88 = arith.constant 1 : i32
      %add3A_89 = arith.addi %mul3A_60, %add3A_88 : i32
      %mul3A_90 = arith.constant 8 : i32
      %mul3A_91 = arith.muli %add3A_89, %mul3A_90 : i32
      %dma_wait3A_92 = tpu.memref_slice %arg5[%mul3A_91] : memref<4096xi32, #tpu.memory_space<vmem>> -> memref<8xi32, #tpu.memory_space<vmem>>
      %dma_wait3A_93 = arith.constant 0 : i32
      %dma_wait3A_94 = arith.constant 0 : i32
      %dma_wait3A_95 = tpu.memref_slice %arg3[%dma_wait3A_93, %dma_wait3A_94] : memref<100000x1024xf32, #tpu.memory_space<hbm>> -> memref<100000x1024xf32, #tpu.memory_space<hbm>>
      tpu.wait_indirect_dma semaphore(%arg17 : memref<!tpu.dma_semaphore, #tpu.memory_space<semaphore_mem>>) src(%dma_wait3A_95 : memref<100000x1024xf32, #tpu.memory_space<hbm>>) dst(%arg7 : memref<8x1024xf32, #tpu.memory_space<vmem>>)
      %ge3A_96 = arith.constant 2 : i32
      %ge3A_97 = arith.cmpi sge, %add3A_89, %ge3A_96 : i32
      %convert_element_type3A_98 = arith.extui %ge3A_97 : i1 to i32
      %cond3A_99 = arith.constant 0 : i32
      %cond3A_100 = arith.cmpi ne, %convert_element_type3A_98, %cond3A_99 : i32
      scf.if %cond3A_100 {
        %dma_wait3A_313 = arith.constant 0 : i32
        %dma_wait3A_314 = arith.constant 0 : i32
        %dma_wait3A_315 = tpu.memref_slice %arg4[%dma_wait3A_313, %dma_wait3A_314] : memref<16384x1024xf32, #tpu.memory_space<hbm>> -> memref<1x1024xf32, #tpu.memory_space<hbm>>
        %dma_wait3A_316 = arith.constant 0 : i32
        %dma_wait3A_317 = arith.constant 0 : i32
        %dma_wait3A_318 = tpu.memref_slice %arg4[%dma_wait3A_316, %dma_wait3A_317] : memref<16384x1024xf32, #tpu.memory_space<hbm>> -> memref<1x1024xf32, #tpu.memory_space<hbm>>
        tpu.wait_dma2 semaphore(%arg25 : memref<!tpu.dma_semaphore, #tpu.memory_space<semaphore_mem>>) src(%arg15 : memref<1x1024xf32, #tpu.memory_space<vmem>>) dst(%dma_wait3A_318 : memref<1x1024xf32, #tpu.memory_space<hbm>>)
      } else {
      }
      %parallel_loop3A_101 = arith.constant 0 : i32
      %parallel_loop3A_102 = arith.constant 64 : i32
      %parallel_loop3A_103 = arith.constant 1 : i32
      scf.for %parallel_loop3A_313 = %parallel_loop3A_101 to %parallel_loop3A_102 step %parallel_loop3A_103  : i32 {
        %parallel_loop3A_314 = arith.constant 16 : i32
        %parallel_loop3A_315 = arith.muli %parallel_loop3A_313, %parallel_loop3A_314 : i32
        %parallel_loop3A_316 = arith.constant 0 : i32
        %parallel_loop3A_317 = arith.index_cast %parallel_loop3A_316 : i32 to index
        %parallel_loop3A_318 = arith.index_cast %parallel_loop3A_315 : i32 to index
        %parallel_loop3A_319 = tpu.vector_load %arg7[%parallel_loop3A_317, %parallel_loop3A_318] {strides = array<i32>} : memref<8x1024xf32, #tpu.memory_space<vmem>>, vector<1x16xf32>,
        %parallel_loop3A_320 = vector.shape_cast %parallel_loop3A_319 : vector<1x16xf32> to vector<16xf32>
        %parallel_loop3A_321 = arith.constant 1 : i32
        %parallel_loop3A_322 = arith.index_cast %parallel_loop3A_321 : i32 to index
        %parallel_loop3A_323 = arith.index_cast %parallel_loop3A_315 : i32 to index
        %parallel_loop3A_324 = tpu.vector_load %arg7[%parallel_loop3A_322, %parallel_loop3A_323] {strides = array<i32>} : memref<8x1024xf32, #tpu.memory_space<vmem>>, vector<1x16xf32>,
        %parallel_loop3A_325 = vector.shape_cast %parallel_loop3A_324 : vector<1x16xf32> to vector<16xf32>
        %parallel_loop3A_326 = arith.constant 2 : i32
        %parallel_loop3A_327 = arith.index_cast %parallel_loop3A_326 : i32 to index
        %parallel_loop3A_328 = arith.index_cast %parallel_loop3A_315 : i32 to index
        %parallel_loop3A_329 = tpu.vector_load %arg7[%parallel_loop3A_327, %parallel_loop3A_328] {strides = array<i32>} : memref<8x1024xf32, #tpu.memory_space<vmem>>, vector<1x16xf32>,
        %parallel_loop3A_330 = vector.shape_cast %parallel_loop3A_329 : vector<1x16xf32> to vector<16xf32>
        %parallel_loop3A_331 = arith.constant 3 : i32
        %parallel_loop3A_332 = arith.index_cast %parallel_loop3A_331 : i32 to index
        %parallel_loop3A_333 = arith.index_cast %parallel_loop3A_315 : i32 to index
        %parallel_loop3A_334 = tpu.vector_load %arg7[%parallel_loop3A_332, %parallel_loop3A_333] {strides = array<i32>} : memref<8x1024xf32, #tpu.memory_space<vmem>>, vector<1x16xf32>,
        %parallel_loop3A_335 = vector.shape_cast %parallel_loop3A_334 : vector<1x16xf32> to vector<16xf32>
        %parallel_loop3A_336 = arith.constant 4 : i32
        %parallel_loop3A_337 = arith.index_cast %parallel_loop3A_336 : i32 to index
        %parallel_loop3A_338 = arith.index_cast %parallel_loop3A_315 : i32 to index
        %parallel_loop3A_339 = tpu.vector_load %arg7[%parallel_loop3A_337, %parallel_loop3A_338] {strides = array<i32>} : memref<8x1024xf32, #tpu.memory_space<vmem>>, vector<1x16xf32>,
        %parallel_loop3A_340 = vector.shape_cast %parallel_loop3A_339 : vector<1x16xf32> to vector<16xf32>
        %parallel_loop3A_341 = arith.constant 5 : i32
        %parallel_loop3A_342 = arith.index_cast %parallel_loop3A_341 : i32 to index
        %parallel_loop3A_343 = arith.index_cast %parallel_loop3A_315 : i32 to index
        %parallel_loop3A_344 = tpu.vector_load %arg7[%parallel_loop3A_342, %parallel_loop3A_343] {strides = array<i32>} : memref<8x1024xf32, #tpu.memory_space<vmem>>, vector<1x16xf32>,
        %parallel_loop3A_345 = vector.shape_cast %parallel_loop3A_344 : vector<1x16xf32> to vector<16xf32>
        %parallel_loop3A_346 = arith.constant 6 : i32
        %parallel_loop3A_347 = arith.index_cast %parallel_loop3A_346 : i32 to index
        %parallel_loop3A_348 = arith.index_cast %parallel_loop3A_315 : i32 to index
        %parallel_loop3A_349 = tpu.vector_load %arg7[%parallel_loop3A_347, %parallel_loop3A_348] {strides = array<i32>} : memref<8x1024xf32, #tpu.memory_space<vmem>>, vector<1x16xf32>,
        %parallel_loop3A_350 = vector.shape_cast %parallel_loop3A_349 : vector<1x16xf32> to vector<16xf32>
        %parallel_loop3A_351 = arith.constant 7 : i32
        %parallel_loop3A_352 = arith.index_cast %parallel_loop3A_351 : i32 to index
        %parallel_loop3A_353 = arith.index_cast %parallel_loop3A_315 : i32 to index
        %parallel_loop3A_354 = tpu.vector_load %arg7[%parallel_loop3A_352, %parallel_loop3A_353] {strides = array<i32>} : memref<8x1024xf32, #tpu.memory_space<vmem>>, vector<1x16xf32>,
        %parallel_loop3A_355 = vector.shape_cast %parallel_loop3A_354 : vector<1x16xf32> to vector<16xf32>
        %parallel_loop3A_356 = arith.addf %parallel_loop3A_320, %parallel_loop3A_325 : vector<16xf32>
        %parallel_loop3A_357 = arith.addf %parallel_loop3A_330, %parallel_loop3A_335 : vector<16xf32>
        %parallel_loop3A_358 = arith.addf %parallel_loop3A_340, %parallel_loop3A_345 : vector<16xf32>
        %parallel_loop3A_359 = arith.addf %parallel_loop3A_350, %parallel_loop3A_355 : vector<16xf32>
        %parallel_loop3A_360 = arith.addf %parallel_loop3A_356, %parallel_loop3A_357 : vector<16xf32>
        %parallel_loop3A_361 = arith.addf %parallel_loop3A_358, %parallel_loop3A_359 : vector<16xf32>
        %parallel_loop3A_362 = arith.addf %parallel_loop3A_360, %parallel_loop3A_361 : vector<16xf32>
        %parallel_loop3A_363 = arith.constant 0 : i32
        %parallel_loop3A_364 = arith.index_cast %parallel_loop3A_363 : i32 to index
        %parallel_loop3A_365 = arith.index_cast %parallel_loop3A_315 : i32 to index
        %parallel_loop3A_366 = tpu.vector_load %arg15[%parallel_loop3A_364, %parallel_loop3A_365] {strides = array<i32>} : memref<1x1024xf32, #tpu.memory_space<vmem>>, vector<1x16xf32>,
        %parallel_loop3A_367 = vector.shape_cast %parallel_loop3A_366 : vector<1x16xf32> to vector<16xf32>
        %parallel_loop3A_368 = vector.shape_cast %parallel_loop3A_362 : vector<16xf32> to vector<1x16xf32>
        tpu.vector_store %arg15[%parallel_loop3A_364, %parallel_loop3A_365], %parallel_loop3A_368 {strides = array<i32>} : memref<1x1024xf32, #tpu.memory_space<vmem>>, vector<1x16xf32>,
      } {sc.loop_unroll_factor = 8 : i64, sc.parallel_access}
      %mul3A_104 = arith.constant 512 : i32
      %mul3A_105 = arith.muli %add3A, %mul3A_104 : i32
      %mul3A_106 = arith.constant 1 : i32
      %mul3A_107 = arith.muli %add3A_89, %mul3A_106 : i32
      %add3A_108 = arith.addi %mul3A_105, %mul3A_107 : i32
      %dma_start3A_109 = arith.constant 0 : i32
      %dma_start3A_110 = tpu.memref_slice %arg4[%add3A_108, %dma_start3A_109] : memref<16384x1024xf32, #tpu.memory_space<hbm>> -> memref<1x1024xf32, #tpu.memory_space<hbm>>
      %dma_start3A_111 = arith.constant 0 : i32
      %dma_start3A_112 = tpu.memref_slice %arg4[%add3A_108, %dma_start3A_111] : memref<16384x1024xf32, #tpu.memory_space<hbm>> -> memref<1x1024xf32, #tpu.memory_space<hbm>>
      tpu.enqueue_dma source(%arg15 : memref<1x1024xf32, #tpu.memory_space<vmem>>) target(%dma_start3A_112 : memref<1x1024xf32, #tpu.memory_space<hbm>>) target_semaphore(%arg25 : memref<!tpu.dma_semaphore, #tpu.memory_space<semaphore_mem>>)
      %add3A_113 = arith.constant 8 : i32
      %add3A_114 = arith.addi %add3A_89, %add3A_113 : i32
      %lt3A_115 = arith.constant 512 : i32
      %lt3A_116 = arith.cmpi slt, %add3A_114, %lt3A_115 : i32
      %convert_element_type3A_117 = arith.extui %lt3A_116 : i1 to i32
      %cond3A_118 = arith.constant 0 : i32
      %cond3A_119 = arith.cmpi ne, %convert_element_type3A_117, %cond3A_118 : i32
      scf.if %cond3A_119 {
        %add3A_313 = arith.constant 8 : i32
        %add3A_314 = arith.addi %add3A_89, %add3A_313 : i32
        %mul3A_315 = arith.constant 8 : i32
        %mul3A_316 = arith.muli %add3A_314, %mul3A_315 : i32
        %dma_start3A_317 = tpu.memref_slice %arg5[%mul3A_316] : memref<4096xi32, #tpu.memory_space<vmem>> -> memref<8xi32, #tpu.memory_space<vmem>>
        %dma_start3A_318 = arith.constant 0 : i32
        %dma_start3A_319 = arith.constant 0 : i32
        %dma_start3A_320 = tpu.memref_slice %arg3[%dma_start3A_318, %dma_start3A_319] : memref<100000x1024xf32, #tpu.memory_space<hbm>> -> memref<100000x1024xf32, #tpu.memory_space<hbm>>
        tpu.enqueue_indirect_dma source(%dma_start3A_320 : memref<100000x1024xf32, #tpu.memory_space<hbm>>) target(%arg7 : memref<8x1024xf32, #tpu.memory_space<vmem>>) offsets(%dma_start3A_317 : memref<8xi32, #tpu.memory_space<vmem>>) semaphore(%arg17 : memref<!tpu.dma_semaphore, #tpu.memory_space<semaphore_mem>>)
      } else {
      }
      %add3A_120 = arith.constant 2 : i32
      %add3A_121 = arith.addi %mul3A_60, %add3A_120 : i32
      %mul3A_122 = arith.constant 8 : i32
      %mul3A_123 = arith.muli %add3A_121, %mul3A_122 : i32
      %dma_wait3A_124 = tpu.memref_slice %arg5[%mul3A_123] : memref<4096xi32, #tpu.memory_space<vmem>> -> memref<8xi32, #tpu.memory_space<vmem>>
      %dma_wait3A_125 = arith.constant 0 : i32
      %dma_wait3A_126 = arith.constant 0 : i32
      %dma_wait3A_127 = tpu.memref_slice %arg3[%dma_wait3A_125, %dma_wait3A_126] : memref<100000x1024xf32, #tpu.memory_space<hbm>> -> memref<100000x1024xf32, #tpu.memory_space<hbm>>
      tpu.wait_indirect_dma semaphore(%arg18 : memref<!tpu.dma_semaphore, #tpu.memory_space<semaphore_mem>>) src(%dma_wait3A_127 : memref<100000x1024xf32, #tpu.memory_space<hbm>>) dst(%arg8 : memref<8x1024xf32, #tpu.memory_space<vmem>>)
      %ge3A_128 = arith.constant 2 : i32
      %ge3A_129 = arith.cmpi sge, %add3A_121, %ge3A_128 : i32
      %convert_element_type3A_130 = arith.extui %ge3A_129 : i1 to i32
      %cond3A_131 = arith.constant 0 : i32
      %cond3A_132 = arith.cmpi ne, %convert_element_type3A_130, %cond3A_131 : i32
      scf.if %cond3A_132 {
        %dma_wait3A_313 = arith.constant 0 : i32
        %dma_wait3A_314 = arith.constant 0 : i32
        %dma_wait3A_315 = tpu.memref_slice %arg4[%dma_wait3A_313, %dma_wait3A_314] : memref<16384x1024xf32, #tpu.memory_space<hbm>> -> memref<1x1024xf32, #tpu.memory_space<hbm>>
        %dma_wait3A_316 = arith.constant 0 : i32
        %dma_wait3A_317 = arith.constant 0 : i32
        %dma_wait3A_318 = tpu.memref_slice %arg4[%dma_wait3A_316, %dma_wait3A_317] : memref<16384x1024xf32, #tpu.memory_space<hbm>> -> memref<1x1024xf32, #tpu.memory_space<hbm>>
        tpu.wait_dma2 semaphore(%arg24 : memref<!tpu.dma_semaphore, #tpu.memory_space<semaphore_mem>>) src(%arg14 : memref<1x1024xf32, #tpu.memory_space<vmem>>) dst(%dma_wait3A_318 : memref<1x1024xf32, #tpu.memory_space<hbm>>)
      } else {
      }
      %parallel_loop3A_133 = arith.constant 0 : i32
      %parallel_loop3A_134 = arith.constant 64 : i32
      %parallel_loop3A_135 = arith.constant 1 : i32
      scf.for %parallel_loop3A_313 = %parallel_loop3A_133 to %parallel_loop3A_134 step %parallel_loop3A_135  : i32 {
        %parallel_loop3A_314 = arith.constant 16 : i32
        %parallel_loop3A_315 = arith.muli %parallel_loop3A_313, %parallel_loop3A_314 : i32
        %parallel_loop3A_316 = arith.constant 0 : i32
        %parallel_loop3A_317 = arith.index_cast %parallel_loop3A_316 : i32 to index
        %parallel_loop3A_318 = arith.index_cast %parallel_loop3A_315 : i32 to index
        %parallel_loop3A_319 = tpu.vector_load %arg8[%parallel_loop3A_317, %parallel_loop3A_318] {strides = array<i32>} : memref<8x1024xf32, #tpu.memory_space<vmem>>, vector<1x16xf32>,
        %parallel_loop3A_320 = vector.shape_cast %parallel_loop3A_319 : vector<1x16xf32> to vector<16xf32>
        %parallel_loop3A_321 = arith.constant 1 : i32
        %parallel_loop3A_322 = arith.index_cast %parallel_loop3A_321 : i32 to index
        %parallel_loop3A_323 = arith.index_cast %parallel_loop3A_315 : i32 to index
        %parallel_loop3A_324 = tpu.vector_load %arg8[%parallel_loop3A_322, %parallel_loop3A_323] {strides = array<i32>} : memref<8x1024xf32, #tpu.memory_space<vmem>>, vector<1x16xf32>,
        %parallel_loop3A_325 = vector.shape_cast %parallel_loop3A_324 : vector<1x16xf32> to vector<16xf32>
        %parallel_loop3A_326 = arith.constant 2 : i32
        %parallel_loop3A_327 = arith.index_cast %parallel_loop3A_326 : i32 to index
        %parallel_loop3A_328 = arith.index_cast %parallel_loop3A_315 : i32 to index
        %parallel_loop3A_329 = tpu.vector_load %arg8[%parallel_loop3A_327, %parallel_loop3A_328] {strides = array<i32>} : memref<8x1024xf32, #tpu.memory_space<vmem>>, vector<1x16xf32>,
        %parallel_loop3A_330 = vector.shape_cast %parallel_loop3A_329 : vector<1x16xf32> to vector<16xf32>
        %parallel_loop3A_331 = arith.constant 3 : i32
        %parallel_loop3A_332 = arith.index_cast %parallel_loop3A_331 : i32 to index
        %parallel_loop3A_333 = arith.index_cast %parallel_loop3A_315 : i32 to index
        %parallel_loop3A_334 = tpu.vector_load %arg8[%parallel_loop3A_332, %parallel_loop3A_333] {strides = array<i32>} : memref<8x1024xf32, #tpu.memory_space<vmem>>, vector<1x16xf32>,
        %parallel_loop3A_335 = vector.shape_cast %parallel_loop3A_334 : vector<1x16xf32> to vector<16xf32>
        %parallel_loop3A_336 = arith.constant 4 : i32
        %parallel_loop3A_337 = arith.index_cast %parallel_loop3A_336 : i32 to index
        %parallel_loop3A_338 = arith.index_cast %parallel_loop3A_315 : i32 to index
        %parallel_loop3A_339 = tpu.vector_load %arg8[%parallel_loop3A_337, %parallel_loop3A_338] {strides = array<i32>} : memref<8x1024xf32, #tpu.memory_space<vmem>>, vector<1x16xf32>,
        %parallel_loop3A_340 = vector.shape_cast %parallel_loop3A_339 : vector<1x16xf32> to vector<16xf32>
        %parallel_loop3A_341 = arith.constant 5 : i32
        %parallel_loop3A_342 = arith.index_cast %parallel_loop3A_341 : i32 to index
        %parallel_loop3A_343 = arith.index_cast %parallel_loop3A_315 : i32 to index
        %parallel_loop3A_344 = tpu.vector_load %arg8[%parallel_loop3A_342, %parallel_loop3A_343] {strides = array<i32>} : memref<8x1024xf32, #tpu.memory_space<vmem>>, vector<1x16xf32>,
        %parallel_loop3A_345 = vector.shape_cast %parallel_loop3A_344 : vector<1x16xf32> to vector<16xf32>
        %parallel_loop3A_346 = arith.constant 6 : i32
        %parallel_loop3A_347 = arith.index_cast %parallel_loop3A_346 : i32 to index
        %parallel_loop3A_348 = arith.index_cast %parallel_loop3A_315 : i32 to index
        %parallel_loop3A_349 = tpu.vector_load %arg8[%parallel_loop3A_347, %parallel_loop3A_348] {strides = array<i32>} : memref<8x1024xf32, #tpu.memory_space<vmem>>, vector<1x16xf32>,
        %parallel_loop3A_350 = vector.shape_cast %parallel_loop3A_349 : vector<1x16xf32> to vector<16xf32>
        %parallel_loop3A_351 = arith.constant 7 : i32
        %parallel_loop3A_352 = arith.index_cast %parallel_loop3A_351 : i32 to index
        %parallel_loop3A_353 = arith.index_cast %parallel_loop3A_315 : i32 to index
        %parallel_loop3A_354 = tpu.vector_load %arg8[%parallel_loop3A_352, %parallel_loop3A_353] {strides = array<i32>} : memref<8x1024xf32, #tpu.memory_space<vmem>>, vector<1x16xf32>,
        %parallel_loop3A_355 = vector.shape_cast %parallel_loop3A_354 : vector<1x16xf32> to vector<16xf32>
        %parallel_loop3A_356 = arith.addf %parallel_loop3A_320, %parallel_loop3A_325 : vector<16xf32>
        %parallel_loop3A_357 = arith.addf %parallel_loop3A_330, %parallel_loop3A_335 : vector<16xf32>
        %parallel_loop3A_358 = arith.addf %parallel_loop3A_340, %parallel_loop3A_345 : vector<16xf32>
        %parallel_loop3A_359 = arith.addf %parallel_loop3A_350, %parallel_loop3A_355 : vector<16xf32>
        %parallel_loop3A_360 = arith.addf %parallel_loop3A_356, %parallel_loop3A_357 : vector<16xf32>
        %parallel_loop3A_361 = arith.addf %parallel_loop3A_358, %parallel_loop3A_359 : vector<16xf32>
        %parallel_loop3A_362 = arith.addf %parallel_loop3A_360, %parallel_loop3A_361 : vector<16xf32>
        %parallel_loop3A_363 = arith.constant 0 : i32
        %parallel_loop3A_364 = arith.index_cast %parallel_loop3A_363 : i32 to index
        %parallel_loop3A_365 = arith.index_cast %parallel_loop3A_315 : i32 to index
        %parallel_loop3A_366 = tpu.vector_load %arg14[%parallel_loop3A_364, %parallel_loop3A_365] {strides = array<i32>} : memref<1x1024xf32, #tpu.memory_space<vmem>>, vector<1x16xf32>,
        %parallel_loop3A_367 = vector.shape_cast %parallel_loop3A_366 : vector<1x16xf32> to vector<16xf32>
        %parallel_loop3A_368 = vector.shape_cast %parallel_loop3A_362 : vector<16xf32> to vector<1x16xf32>
        tpu.vector_store %arg14[%parallel_loop3A_364, %parallel_loop3A_365], %parallel_loop3A_368 {strides = array<i32>} : memref<1x1024xf32, #tpu.memory_space<vmem>>, vector<1x16xf32>,
      } {sc.loop_unroll_factor = 8 : i64, sc.parallel_access}
      %mul3A_136 = arith.constant 512 : i32
      %mul3A_137 = arith.muli %add3A, %mul3A_136 : i32
      %mul3A_138 = arith.constant 1 : i32
      %mul3A_139 = arith.muli %add3A_121, %mul3A_138 : i32
      %add3A_140 = arith.addi %mul3A_137, %mul3A_139 : i32
      %dma_start3A_141 = arith.constant 0 : i32
      %dma_start3A_142 = tpu.memref_slice %arg4[%add3A_140, %dma_start3A_141] : memref<16384x1024xf32, #tpu.memory_space<hbm>> -> memref<1x1024xf32, #tpu.memory_space<hbm>>
      %dma_start3A_143 = arith.constant 0 : i32
      %dma_start3A_144 = tpu.memref_slice %arg4[%add3A_140, %dma_start3A_143] : memref<16384x1024xf32, #tpu.memory_space<hbm>> -> memref<1x1024xf32, #tpu.memory_space<hbm>>
      tpu.enqueue_dma source(%arg14 : memref<1x1024xf32, #tpu.memory_space<vmem>>) target(%dma_start3A_144 : memref<1x1024xf32, #tpu.memory_space<hbm>>) target_semaphore(%arg24 : memref<!tpu.dma_semaphore, #tpu.memory_space<semaphore_mem>>)
      %add3A_145 = arith.constant 8 : i32
      %add3A_146 = arith.addi %add3A_121, %add3A_145 : i32
      %lt3A_147 = arith.constant 512 : i32
      %lt3A_148 = arith.cmpi slt, %add3A_146, %lt3A_147 : i32
      %convert_element_type3A_149 = arith.extui %lt3A_148 : i1 to i32
      %cond3A_150 = arith.constant 0 : i32
      %cond3A_151 = arith.cmpi ne, %convert_element_type3A_149, %cond3A_150 : i32
      scf.if %cond3A_151 {
        %add3A_313 = arith.constant 8 : i32
        %add3A_314 = arith.addi %add3A_121, %add3A_313 : i32
        %mul3A_315 = arith.constant 8 : i32
        %mul3A_316 = arith.muli %add3A_314, %mul3A_315 : i32
        %dma_start3A_317 = tpu.memref_slice %arg5[%mul3A_316] : memref<4096xi32, #tpu.memory_space<vmem>> -> memref<8xi32, #tpu.memory_space<vmem>>
        %dma_start3A_318 = arith.constant 0 : i32
        %dma_start3A_319 = arith.constant 0 : i32
        %dma_start3A_320 = tpu.memref_slice %arg3[%dma_start3A_318, %dma_start3A_319] : memref<100000x1024xf32, #tpu.memory_space<hbm>> -> memref<100000x1024xf32, #tpu.memory_space<hbm>>
        tpu.enqueue_indirect_dma source(%dma_start3A_320 : memref<100000x1024xf32, #tpu.memory_space<hbm>>) target(%arg8 : memref<8x1024xf32, #tpu.memory_space<vmem>>) offsets(%dma_start3A_317 : memref<8xi32, #tpu.memory_space<vmem>>) semaphore(%arg18 : memref<!tpu.dma_semaphore, #tpu.memory_space<semaphore_mem>>)
      } else {
      }
      %add3A_152 = arith.constant 3 : i32
      %add3A_153 = arith.addi %mul3A_60, %add3A_152 : i32
      %mul3A_154 = arith.constant 8 : i32
      %mul3A_155 = arith.muli %add3A_153, %mul3A_154 : i32
      %dma_wait3A_156 = tpu.memref_slice %arg5[%mul3A_155] : memref<4096xi32, #tpu.memory_space<vmem>> -> memref<8xi32, #tpu.memory_space<vmem>>
      %dma_wait3A_157 = arith.constant 0 : i32
      %dma_wait3A_158 = arith.constant 0 : i32
      %dma_wait3A_159 = tpu.memref_slice %arg3[%dma_wait3A_157, %dma_wait3A_158] : memref<100000x1024xf32, #tpu.memory_space<hbm>> -> memref<100000x1024xf32, #tpu.memory_space<hbm>>
      tpu.wait_indirect_dma semaphore(%arg19 : memref<!tpu.dma_semaphore, #tpu.memory_space<semaphore_mem>>) src(%dma_wait3A_159 : memref<100000x1024xf32, #tpu.memory_space<hbm>>) dst(%arg9 : memref<8x1024xf32, #tpu.memory_space<vmem>>)
      %ge3A_160 = arith.constant 2 : i32
      %ge3A_161 = arith.cmpi sge, %add3A_153, %ge3A_160 : i32
      %convert_element_type3A_162 = arith.extui %ge3A_161 : i1 to i32
      %cond3A_163 = arith.constant 0 : i32
      %cond3A_164 = arith.cmpi ne, %convert_element_type3A_162, %cond3A_163 : i32
      scf.if %cond3A_164 {
        %dma_wait3A_313 = arith.constant 0 : i32
        %dma_wait3A_314 = arith.constant 0 : i32
        %dma_wait3A_315 = tpu.memref_slice %arg4[%dma_wait3A_313, %dma_wait3A_314] : memref<16384x1024xf32, #tpu.memory_space<hbm>> -> memref<1x1024xf32, #tpu.memory_space<hbm>>
        %dma_wait3A_316 = arith.constant 0 : i32
        %dma_wait3A_317 = arith.constant 0 : i32
        %dma_wait3A_318 = tpu.memref_slice %arg4[%dma_wait3A_316, %dma_wait3A_317] : memref<16384x1024xf32, #tpu.memory_space<hbm>> -> memref<1x1024xf32, #tpu.memory_space<hbm>>
        tpu.wait_dma2 semaphore(%arg25 : memref<!tpu.dma_semaphore, #tpu.memory_space<semaphore_mem>>) src(%arg15 : memref<1x1024xf32, #tpu.memory_space<vmem>>) dst(%dma_wait3A_318 : memref<1x1024xf32, #tpu.memory_space<hbm>>)
      } else {
      }
      %parallel_loop3A_165 = arith.constant 0 : i32
      %parallel_loop3A_166 = arith.constant 64 : i32
      %parallel_loop3A_167 = arith.constant 1 : i32
      scf.for %parallel_loop3A_313 = %parallel_loop3A_165 to %parallel_loop3A_166 step %parallel_loop3A_167  : i32 {
        %parallel_loop3A_314 = arith.constant 16 : i32
        %parallel_loop3A_315 = arith.muli %parallel_loop3A_313, %parallel_loop3A_314 : i32
        %parallel_loop3A_316 = arith.constant 0 : i32
        %parallel_loop3A_317 = arith.index_cast %parallel_loop3A_316 : i32 to index
        %parallel_loop3A_318 = arith.index_cast %parallel_loop3A_315 : i32 to index
        %parallel_loop3A_319 = tpu.vector_load %arg9[%parallel_loop3A_317, %parallel_loop3A_318] {strides = array<i32>} : memref<8x1024xf32, #tpu.memory_space<vmem>>, vector<1x16xf32>,
        %parallel_loop3A_320 = vector.shape_cast %parallel_loop3A_319 : vector<1x16xf32> to vector<16xf32>
        %parallel_loop3A_321 = arith.constant 1 : i32
        %parallel_loop3A_322 = arith.index_cast %parallel_loop3A_321 : i32 to index
        %parallel_loop3A_323 = arith.index_cast %parallel_loop3A_315 : i32 to index
        %parallel_loop3A_324 = tpu.vector_load %arg9[%parallel_loop3A_322, %parallel_loop3A_323] {strides = array<i32>} : memref<8x1024xf32, #tpu.memory_space<vmem>>, vector<1x16xf32>,
        %parallel_loop3A_325 = vector.shape_cast %parallel_loop3A_324 : vector<1x16xf32> to vector<16xf32>
        %parallel_loop3A_326 = arith.constant 2 : i32
        %parallel_loop3A_327 = arith.index_cast %parallel_loop3A_326 : i32 to index
        %parallel_loop3A_328 = arith.index_cast %parallel_loop3A_315 : i32 to index
        %parallel_loop3A_329 = tpu.vector_load %arg9[%parallel_loop3A_327, %parallel_loop3A_328] {strides = array<i32>} : memref<8x1024xf32, #tpu.memory_space<vmem>>, vector<1x16xf32>,
        %parallel_loop3A_330 = vector.shape_cast %parallel_loop3A_329 : vector<1x16xf32> to vector<16xf32>
        %parallel_loop3A_331 = arith.constant 3 : i32
        %parallel_loop3A_332 = arith.index_cast %parallel_loop3A_331 : i32 to index
        %parallel_loop3A_333 = arith.index_cast %parallel_loop3A_315 : i32 to index
        %parallel_loop3A_334 = tpu.vector_load %arg9[%parallel_loop3A_332, %parallel_loop3A_333] {strides = array<i32>} : memref<8x1024xf32, #tpu.memory_space<vmem>>, vector<1x16xf32>,
        %parallel_loop3A_335 = vector.shape_cast %parallel_loop3A_334 : vector<1x16xf32> to vector<16xf32>
        %parallel_loop3A_336 = arith.constant 4 : i32
        %parallel_loop3A_337 = arith.index_cast %parallel_loop3A_336 : i32 to index
        %parallel_loop3A_338 = arith.index_cast %parallel_loop3A_315 : i32 to index
        %parallel_loop3A_339 = tpu.vector_load %arg9[%parallel_loop3A_337, %parallel_loop3A_338] {strides = array<i32>} : memref<8x1024xf32, #tpu.memory_space<vmem>>, vector<1x16xf32>,
        %parallel_loop3A_340 = vector.shape_cast %parallel_loop3A_339 : vector<1x16xf32> to vector<16xf32>
        %parallel_loop3A_341 = arith.constant 5 : i32
        %parallel_loop3A_342 = arith.index_cast %parallel_loop3A_341 : i32 to index
        %parallel_loop3A_343 = arith.index_cast %parallel_loop3A_315 : i32 to index
        %parallel_loop3A_344 = tpu.vector_load %arg9[%parallel_loop3A_342, %parallel_loop3A_343] {strides = array<i32>} : memref<8x1024xf32, #tpu.memory_space<vmem>>, vector<1x16xf32>,
        %parallel_loop3A_345 = vector.shape_cast %parallel_loop3A_344 : vector<1x16xf32> to vector<16xf32>
        %parallel_loop3A_346 = arith.constant 6 : i32
        %parallel_loop3A_347 = arith.index_cast %parallel_loop3A_346 : i32 to index
        %parallel_loop3A_348 = arith.index_cast %parallel_loop3A_315 : i32 to index
        %parallel_loop3A_349 = tpu.vector_load %arg9[%parallel_loop3A_347, %parallel_loop3A_348] {strides = array<i32>} : memref<8x1024xf32, #tpu.memory_space<vmem>>, vector<1x16xf32>,
        %parallel_loop3A_350 = vector.shape_cast %parallel_loop3A_349 : vector<1x16xf32> to vector<16xf32>
        %parallel_loop3A_351 = arith.constant 7 : i32
        %parallel_loop3A_352 = arith.index_cast %parallel_loop3A_351 : i32 to index
        %parallel_loop3A_353 = arith.index_cast %parallel_loop3A_315 : i32 to index
        %parallel_loop3A_354 = tpu.vector_load %arg9[%parallel_loop3A_352, %parallel_loop3A_353] {strides = array<i32>} : memref<8x1024xf32, #tpu.memory_space<vmem>>, vector<1x16xf32>,
        %parallel_loop3A_355 = vector.shape_cast %parallel_loop3A_354 : vector<1x16xf32> to vector<16xf32>
        %parallel_loop3A_356 = arith.addf %parallel_loop3A_320, %parallel_loop3A_325 : vector<16xf32>
        %parallel_loop3A_357 = arith.addf %parallel_loop3A_330, %parallel_loop3A_335 : vector<16xf32>
        %parallel_loop3A_358 = arith.addf %parallel_loop3A_340, %parallel_loop3A_345 : vector<16xf32>
        %parallel_loop3A_359 = arith.addf %parallel_loop3A_350, %parallel_loop3A_355 : vector<16xf32>
        %parallel_loop3A_360 = arith.addf %parallel_loop3A_356, %parallel_loop3A_357 : vector<16xf32>
        %parallel_loop3A_361 = arith.addf %parallel_loop3A_358, %parallel_loop3A_359 : vector<16xf32>
        %parallel_loop3A_362 = arith.addf %parallel_loop3A_360, %parallel_loop3A_361 : vector<16xf32>
        %parallel_loop3A_363 = arith.constant 0 : i32
        %parallel_loop3A_364 = arith.index_cast %parallel_loop3A_363 : i32 to index
        %parallel_loop3A_365 = arith.index_cast %parallel_loop3A_315 : i32 to index
        %parallel_loop3A_366 = tpu.vector_load %arg15[%parallel_loop3A_364, %parallel_loop3A_365] {strides = array<i32>} : memref<1x1024xf32, #tpu.memory_space<vmem>>, vector<1x16xf32>,
        %parallel_loop3A_367 = vector.shape_cast %parallel_loop3A_366 : vector<1x16xf32> to vector<16xf32>
        %parallel_loop3A_368 = vector.shape_cast %parallel_loop3A_362 : vector<16xf32> to vector<1x16xf32>
        tpu.vector_store %arg15[%parallel_loop3A_364, %parallel_loop3A_365], %parallel_loop3A_368 {strides = array<i32>} : memref<1x1024xf32, #tpu.memory_space<vmem>>, vector<1x16xf32>,
      } {sc.loop_unroll_factor = 8 : i64, sc.parallel_access}
      %mul3A_168 = arith.constant 512 : i32
      %mul3A_169 = arith.muli %add3A, %mul3A_168 : i32
      %mul3A_170 = arith.constant 1 : i32
      %mul3A_171 = arith.muli %add3A_153, %mul3A_170 : i32
      %add3A_172 = arith.addi %mul3A_169, %mul3A_171 : i32
      %dma_start3A_173 = arith.constant 0 : i32
      %dma_start3A_174 = tpu.memref_slice %arg4[%add3A_172, %dma_start3A_173] : memref<16384x1024xf32, #tpu.memory_space<hbm>> -> memref<1x1024xf32, #tpu.memory_space<hbm>>
      %dma_start3A_175 = arith.constant 0 : i32
      %dma_start3A_176 = tpu.memref_slice %arg4[%add3A_172, %dma_start3A_175] : memref<16384x1024xf32, #tpu.memory_space<hbm>> -> memref<1x1024xf32, #tpu.memory_space<hbm>>
      tpu.enqueue_dma source(%arg15 : memref<1x1024xf32, #tpu.memory_space<vmem>>) target(%dma_start3A_176 : memref<1x1024xf32, #tpu.memory_space<hbm>>) target_semaphore(%arg25 : memref<!tpu.dma_semaphore, #tpu.memory_space<semaphore_mem>>)
      %add3A_177 = arith.constant 8 : i32
      %add3A_178 = arith.addi %add3A_153, %add3A_177 : i32
      %lt3A_179 = arith.constant 512 : i32
      %lt3A_180 = arith.cmpi slt, %add3A_178, %lt3A_179 : i32
      %convert_element_type3A_181 = arith.extui %lt3A_180 : i1 to i32
      %cond3A_182 = arith.constant 0 : i32
      %cond3A_183 = arith.cmpi ne, %convert_element_type3A_181, %cond3A_182 : i32
      scf.if %cond3A_183 {
        %add3A_313 = arith.constant 8 : i32
        %add3A_314 = arith.addi %add3A_153, %add3A_313 : i32
        %mul3A_315 = arith.constant 8 : i32
        %mul3A_316 = arith.muli %add3A_314, %mul3A_315 : i32
        %dma_start3A_317 = tpu.memref_slice %arg5[%mul3A_316] : memref<4096xi32, #tpu.memory_space<vmem>> -> memref<8xi32, #tpu.memory_space<vmem>>
        %dma_start3A_318 = arith.constant 0 : i32
        %dma_start3A_319 = arith.constant 0 : i32
        %dma_start3A_320 = tpu.memref_slice %arg3[%dma_start3A_318, %dma_start3A_319] : memref<100000x1024xf32, #tpu.memory_space<hbm>> -> memref<100000x1024xf32, #tpu.memory_space<hbm>>
        tpu.enqueue_indirect_dma source(%dma_start3A_320 : memref<100000x1024xf32, #tpu.memory_space<hbm>>) target(%arg9 : memref<8x1024xf32, #tpu.memory_space<vmem>>) offsets(%dma_start3A_317 : memref<8xi32, #tpu.memory_space<vmem>>) semaphore(%arg19 : memref<!tpu.dma_semaphore, #tpu.memory_space<semaphore_mem>>)
      } else {
      }
      %add3A_184 = arith.constant 4 : i32
      %add3A_185 = arith.addi %mul3A_60, %add3A_184 : i32
      %mul3A_186 = arith.constant 8 : i32
      %mul3A_187 = arith.muli %add3A_185, %mul3A_186 : i32
      %dma_wait3A_188 = tpu.memref_slice %arg5[%mul3A_187] : memref<4096xi32, #tpu.memory_space<vmem>> -> memref<8xi32, #tpu.memory_space<vmem>>
      %dma_wait3A_189 = arith.constant 0 : i32
      %dma_wait3A_190 = arith.constant 0 : i32
      %dma_wait3A_191 = tpu.memref_slice %arg3[%dma_wait3A_189, %dma_wait3A_190] : memref<100000x1024xf32, #tpu.memory_space<hbm>> -> memref<100000x1024xf32, #tpu.memory_space<hbm>>
      tpu.wait_indirect_dma semaphore(%arg20 : memref<!tpu.dma_semaphore, #tpu.memory_space<semaphore_mem>>) src(%dma_wait3A_191 : memref<100000x1024xf32, #tpu.memory_space<hbm>>) dst(%arg10 : memref<8x1024xf32, #tpu.memory_space<vmem>>)
      %ge3A_192 = arith.constant 2 : i32
      %ge3A_193 = arith.cmpi sge, %add3A_185, %ge3A_192 : i32
      %convert_element_type3A_194 = arith.extui %ge3A_193 : i1 to i32
      %cond3A_195 = arith.constant 0 : i32
      %cond3A_196 = arith.cmpi ne, %convert_element_type3A_194, %cond3A_195 : i32
      scf.if %cond3A_196 {
        %dma_wait3A_313 = arith.constant 0 : i32
        %dma_wait3A_314 = arith.constant 0 : i32
        %dma_wait3A_315 = tpu.memref_slice %arg4[%dma_wait3A_313, %dma_wait3A_314] : memref<16384x1024xf32, #tpu.memory_space<hbm>> -> memref<1x1024xf32, #tpu.memory_space<hbm>>
        %dma_wait3A_316 = arith.constant 0 : i32
        %dma_wait3A_317 = arith.constant 0 : i32
        %dma_wait3A_318 = tpu.memref_slice %arg4[%dma_wait3A_316, %dma_wait3A_317] : memref<16384x1024xf32, #tpu.memory_space<hbm>> -> memref<1x1024xf32, #tpu.memory_space<hbm>>
        tpu.wait_dma2 semaphore(%arg24 : memref<!tpu.dma_semaphore, #tpu.memory_space<semaphore_mem>>) src(%arg14 : memref<1x1024xf32, #tpu.memory_space<vmem>>) dst(%dma_wait3A_318 : memref<1x1024xf32, #tpu.memory_space<hbm>>)
      } else {
      }
      %parallel_loop3A_197 = arith.constant 0 : i32
      %parallel_loop3A_198 = arith.constant 64 : i32
      %parallel_loop3A_199 = arith.constant 1 : i32
      scf.for %parallel_loop3A_313 = %parallel_loop3A_197 to %parallel_loop3A_198 step %parallel_loop3A_199  : i32 {
        %parallel_loop3A_314 = arith.constant 16 : i32
        %parallel_loop3A_315 = arith.muli %parallel_loop3A_313, %parallel_loop3A_314 : i32
        %parallel_loop3A_316 = arith.constant 0 : i32
        %parallel_loop3A_317 = arith.index_cast %parallel_loop3A_316 : i32 to index
        %parallel_loop3A_318 = arith.index_cast %parallel_loop3A_315 : i32 to index
        %parallel_loop3A_319 = tpu.vector_load %arg10[%parallel_loop3A_317, %parallel_loop3A_318] {strides = array<i32>} : memref<8x1024xf32, #tpu.memory_space<vmem>>, vector<1x16xf32>,
        %parallel_loop3A_320 = vector.shape_cast %parallel_loop3A_319 : vector<1x16xf32> to vector<16xf32>
        %parallel_loop3A_321 = arith.constant 1 : i32
        %parallel_loop3A_322 = arith.index_cast %parallel_loop3A_321 : i32 to index
        %parallel_loop3A_323 = arith.index_cast %parallel_loop3A_315 : i32 to index
        %parallel_loop3A_324 = tpu.vector_load %arg10[%parallel_loop3A_322, %parallel_loop3A_323] {strides = array<i32>} : memref<8x1024xf32, #tpu.memory_space<vmem>>, vector<1x16xf32>,
        %parallel_loop3A_325 = vector.shape_cast %parallel_loop3A_324 : vector<1x16xf32> to vector<16xf32>
        %parallel_loop3A_326 = arith.constant 2 : i32
        %parallel_loop3A_327 = arith.index_cast %parallel_loop3A_326 : i32 to index
        %parallel_loop3A_328 = arith.index_cast %parallel_loop3A_315 : i32 to index
        %parallel_loop3A_329 = tpu.vector_load %arg10[%parallel_loop3A_327, %parallel_loop3A_328] {strides = array<i32>} : memref<8x1024xf32, #tpu.memory_space<vmem>>, vector<1x16xf32>,
        %parallel_loop3A_330 = vector.shape_cast %parallel_loop3A_329 : vector<1x16xf32> to vector<16xf32>
        %parallel_loop3A_331 = arith.constant 3 : i32
        %parallel_loop3A_332 = arith.index_cast %parallel_loop3A_331 : i32 to index
        %parallel_loop3A_333 = arith.index_cast %parallel_loop3A_315 : i32 to index
        %parallel_loop3A_334 = tpu.vector_load %arg10[%parallel_loop3A_332, %parallel_loop3A_333] {strides = array<i32>} : memref<8x1024xf32, #tpu.memory_space<vmem>>, vector<1x16xf32>,
        %parallel_loop3A_335 = vector.shape_cast %parallel_loop3A_334 : vector<1x16xf32> to vector<16xf32>
        %parallel_loop3A_336 = arith.constant 4 : i32
        %parallel_loop3A_337 = arith.index_cast %parallel_loop3A_336 : i32 to index
        %parallel_loop3A_338 = arith.index_cast %parallel_loop3A_315 : i32 to index
        %parallel_loop3A_339 = tpu.vector_load %arg10[%parallel_loop3A_337, %parallel_loop3A_338] {strides = array<i32>} : memref<8x1024xf32, #tpu.memory_space<vmem>>, vector<1x16xf32>,
        %parallel_loop3A_340 = vector.shape_cast %parallel_loop3A_339 : vector<1x16xf32> to vector<16xf32>
        %parallel_loop3A_341 = arith.constant 5 : i32
        %parallel_loop3A_342 = arith.index_cast %parallel_loop3A_341 : i32 to index
        %parallel_loop3A_343 = arith.index_cast %parallel_loop3A_315 : i32 to index
        %parallel_loop3A_344 = tpu.vector_load %arg10[%parallel_loop3A_342, %parallel_loop3A_343] {strides = array<i32>} : memref<8x1024xf32, #tpu.memory_space<vmem>>, vector<1x16xf32>,
        %parallel_loop3A_345 = vector.shape_cast %parallel_loop3A_344 : vector<1x16xf32> to vector<16xf32>
        %parallel_loop3A_346 = arith.constant 6 : i32
        %parallel_loop3A_347 = arith.index_cast %parallel_loop3A_346 : i32 to index
        %parallel_loop3A_348 = arith.index_cast %parallel_loop3A_315 : i32 to index
        %parallel_loop3A_349 = tpu.vector_load %arg10[%parallel_loop3A_347, %parallel_loop3A_348] {strides = array<i32>} : memref<8x1024xf32, #tpu.memory_space<vmem>>, vector<1x16xf32>,
        %parallel_loop3A_350 = vector.shape_cast %parallel_loop3A_349 : vector<1x16xf32> to vector<16xf32>
        %parallel_loop3A_351 = arith.constant 7 : i32
        %parallel_loop3A_352 = arith.index_cast %parallel_loop3A_351 : i32 to index
        %parallel_loop3A_353 = arith.index_cast %parallel_loop3A_315 : i32 to index
        %parallel_loop3A_354 = tpu.vector_load %arg10[%parallel_loop3A_352, %parallel_loop3A_353] {strides = array<i32>} : memref<8x1024xf32, #tpu.memory_space<vmem>>, vector<1x16xf32>,
        %parallel_loop3A_355 = vector.shape_cast %parallel_loop3A_354 : vector<1x16xf32> to vector<16xf32>
        %parallel_loop3A_356 = arith.addf %parallel_loop3A_320, %parallel_loop3A_325 : vector<16xf32>
        %parallel_loop3A_357 = arith.addf %parallel_loop3A_330, %parallel_loop3A_335 : vector<16xf32>
        %parallel_loop3A_358 = arith.addf %parallel_loop3A_340, %parallel_loop3A_345 : vector<16xf32>
        %parallel_loop3A_359 = arith.addf %parallel_loop3A_350, %parallel_loop3A_355 : vector<16xf32>
        %parallel_loop3A_360 = arith.addf %parallel_loop3A_356, %parallel_loop3A_357 : vector<16xf32>
        %parallel_loop3A_361 = arith.addf %parallel_loop3A_358, %parallel_loop3A_359 : vector<16xf32>
        %parallel_loop3A_362 = arith.addf %parallel_loop3A_360, %parallel_loop3A_361 : vector<16xf32>
        %parallel_loop3A_363 = arith.constant 0 : i32
        %parallel_loop3A_364 = arith.index_cast %parallel_loop3A_363 : i32 to index
        %parallel_loop3A_365 = arith.index_cast %parallel_loop3A_315 : i32 to index
        %parallel_loop3A_366 = tpu.vector_load %arg14[%parallel_loop3A_364, %parallel_loop3A_365] {strides = array<i32>} : memref<1x1024xf32, #tpu.memory_space<vmem>>, vector<1x16xf32>,
        %parallel_loop3A_367 = vector.shape_cast %parallel_loop3A_366 : vector<1x16xf32> to vector<16xf32>
        %parallel_loop3A_368 = vector.shape_cast %parallel_loop3A_362 : vector<16xf32> to vector<1x16xf32>
        tpu.vector_store %arg14[%parallel_loop3A_364, %parallel_loop3A_365], %parallel_loop3A_368 {strides = array<i32>} : memref<1x1024xf32, #tpu.memory_space<vmem>>, vector<1x16xf32>,
      } {sc.loop_unroll_factor = 8 : i64, sc.parallel_access}
      %mul3A_200 = arith.constant 512 : i32
      %mul3A_201 = arith.muli %add3A, %mul3A_200 : i32
      %mul3A_202 = arith.constant 1 : i32
      %mul3A_203 = arith.muli %add3A_185, %mul3A_202 : i32
      %add3A_204 = arith.addi %mul3A_201, %mul3A_203 : i32
      %dma_start3A_205 = arith.constant 0 : i32
      %dma_start3A_206 = tpu.memref_slice %arg4[%add3A_204, %dma_start3A_205] : memref<16384x1024xf32, #tpu.memory_space<hbm>> -> memref<1x1024xf32, #tpu.memory_space<hbm>>
      %dma_start3A_207 = arith.constant 0 : i32
      %dma_start3A_208 = tpu.memref_slice %arg4[%add3A_204, %dma_start3A_207] : memref<16384x1024xf32, #tpu.memory_space<hbm>> -> memref<1x1024xf32, #tpu.memory_space<hbm>>
      tpu.enqueue_dma source(%arg14 : memref<1x1024xf32, #tpu.memory_space<vmem>>) target(%dma_start3A_208 : memref<1x1024xf32, #tpu.memory_space<hbm>>) target_semaphore(%arg24 : memref<!tpu.dma_semaphore, #tpu.memory_space<semaphore_mem>>)
      %add3A_209 = arith.constant 8 : i32
      %add3A_210 = arith.addi %add3A_185, %add3A_209 : i32
      %lt3A_211 = arith.constant 512 : i32
      %lt3A_212 = arith.cmpi slt, %add3A_210, %lt3A_211 : i32
      %convert_element_type3A_213 = arith.extui %lt3A_212 : i1 to i32
      %cond3A_214 = arith.constant 0 : i32
      %cond3A_215 = arith.cmpi ne, %convert_element_type3A_213, %cond3A_214 : i32
      scf.if %cond3A_215 {
        %add3A_313 = arith.constant 8 : i32
        %add3A_314 = arith.addi %add3A_185, %add3A_313 : i32
        %mul3A_315 = arith.constant 8 : i32
        %mul3A_316 = arith.muli %add3A_314, %mul3A_315 : i32
        %dma_start3A_317 = tpu.memref_slice %arg5[%mul3A_316] : memref<4096xi32, #tpu.memory_space<vmem>> -> memref<8xi32, #tpu.memory_space<vmem>>
        %dma_start3A_318 = arith.constant 0 : i32
        %dma_start3A_319 = arith.constant 0 : i32
        %dma_start3A_320 = tpu.memref_slice %arg3[%dma_start3A_318, %dma_start3A_319] : memref<100000x1024xf32, #tpu.memory_space<hbm>> -> memref<100000x1024xf32, #tpu.memory_space<hbm>>
        tpu.enqueue_indirect_dma source(%dma_start3A_320 : memref<100000x1024xf32, #tpu.memory_space<hbm>>) target(%arg10 : memref<8x1024xf32, #tpu.memory_space<vmem>>) offsets(%dma_start3A_317 : memref<8xi32, #tpu.memory_space<vmem>>) semaphore(%arg20 : memref<!tpu.dma_semaphore, #tpu.memory_space<semaphore_mem>>)
      } else {
      }
      %add3A_216 = arith.constant 5 : i32
      %add3A_217 = arith.addi %mul3A_60, %add3A_216 : i32
      %mul3A_218 = arith.constant 8 : i32
      %mul3A_219 = arith.muli %add3A_217, %mul3A_218 : i32
      %dma_wait3A_220 = tpu.memref_slice %arg5[%mul3A_219] : memref<4096xi32, #tpu.memory_space<vmem>> -> memref<8xi32, #tpu.memory_space<vmem>>
      %dma_wait3A_221 = arith.constant 0 : i32
      %dma_wait3A_222 = arith.constant 0 : i32
      %dma_wait3A_223 = tpu.memref_slice %arg3[%dma_wait3A_221, %dma_wait3A_222] : memref<100000x1024xf32, #tpu.memory_space<hbm>> -> memref<100000x1024xf32, #tpu.memory_space<hbm>>
      tpu.wait_indirect_dma semaphore(%arg21 : memref<!tpu.dma_semaphore, #tpu.memory_space<semaphore_mem>>) src(%dma_wait3A_223 : memref<100000x1024xf32, #tpu.memory_space<hbm>>) dst(%arg11 : memref<8x1024xf32, #tpu.memory_space<vmem>>)
      %ge3A_224 = arith.constant 2 : i32
      %ge3A_225 = arith.cmpi sge, %add3A_217, %ge3A_224 : i32
      %convert_element_type3A_226 = arith.extui %ge3A_225 : i1 to i32
      %cond3A_227 = arith.constant 0 : i32
      %cond3A_228 = arith.cmpi ne, %convert_element_type3A_226, %cond3A_227 : i32
      scf.if %cond3A_228 {
        %dma_wait3A_313 = arith.constant 0 : i32
        %dma_wait3A_314 = arith.constant 0 : i32
        %dma_wait3A_315 = tpu.memref_slice %arg4[%dma_wait3A_313, %dma_wait3A_314] : memref<16384x1024xf32, #tpu.memory_space<hbm>> -> memref<1x1024xf32, #tpu.memory_space<hbm>>
        %dma_wait3A_316 = arith.constant 0 : i32
        %dma_wait3A_317 = arith.constant 0 : i32
        %dma_wait3A_318 = tpu.memref_slice %arg4[%dma_wait3A_316, %dma_wait3A_317] : memref<16384x1024xf32, #tpu.memory_space<hbm>> -> memref<1x1024xf32, #tpu.memory_space<hbm>>
        tpu.wait_dma2 semaphore(%arg25 : memref<!tpu.dma_semaphore, #tpu.memory_space<semaphore_mem>>) src(%arg15 : memref<1x1024xf32, #tpu.memory_space<vmem>>) dst(%dma_wait3A_318 : memref<1x1024xf32, #tpu.memory_space<hbm>>)
      } else {
      }
      %parallel_loop3A_229 = arith.constant 0 : i32
      %parallel_loop3A_230 = arith.constant 64 : i32
      %parallel_loop3A_231 = arith.constant 1 : i32
      scf.for %parallel_loop3A_313 = %parallel_loop3A_229 to %parallel_loop3A_230 step %parallel_loop3A_231  : i32 {
        %parallel_loop3A_314 = arith.constant 16 : i32
        %parallel_loop3A_315 = arith.muli %parallel_loop3A_313, %parallel_loop3A_314 : i32
        %parallel_loop3A_316 = arith.constant 0 : i32
        %parallel_loop3A_317 = arith.index_cast %parallel_loop3A_316 : i32 to index
        %parallel_loop3A_318 = arith.index_cast %parallel_loop3A_315 : i32 to index
        %parallel_loop3A_319 = tpu.vector_load %arg11[%parallel_loop3A_317, %parallel_loop3A_318] {strides = array<i32>} : memref<8x1024xf32, #tpu.memory_space<vmem>>, vector<1x16xf32>,
        %parallel_loop3A_320 = vector.shape_cast %parallel_loop3A_319 : vector<1x16xf32> to vector<16xf32>
        %parallel_loop3A_321 = arith.constant 1 : i32
        %parallel_loop3A_322 = arith.index_cast %parallel_loop3A_321 : i32 to index
        %parallel_loop3A_323 = arith.index_cast %parallel_loop3A_315 : i32 to index
        %parallel_loop3A_324 = tpu.vector_load %arg11[%parallel_loop3A_322, %parallel_loop3A_323] {strides = array<i32>} : memref<8x1024xf32, #tpu.memory_space<vmem>>, vector<1x16xf32>,
        %parallel_loop3A_325 = vector.shape_cast %parallel_loop3A_324 : vector<1x16xf32> to vector<16xf32>
        %parallel_loop3A_326 = arith.constant 2 : i32
        %parallel_loop3A_327 = arith.index_cast %parallel_loop3A_326 : i32 to index
        %parallel_loop3A_328 = arith.index_cast %parallel_loop3A_315 : i32 to index
        %parallel_loop3A_329 = tpu.vector_load %arg11[%parallel_loop3A_327, %parallel_loop3A_328] {strides = array<i32>} : memref<8x1024xf32, #tpu.memory_space<vmem>>, vector<1x16xf32>,
        %parallel_loop3A_330 = vector.shape_cast %parallel_loop3A_329 : vector<1x16xf32> to vector<16xf32>
        %parallel_loop3A_331 = arith.constant 3 : i32
        %parallel_loop3A_332 = arith.index_cast %parallel_loop3A_331 : i32 to index
        %parallel_loop3A_333 = arith.index_cast %parallel_loop3A_315 : i32 to index
        %parallel_loop3A_334 = tpu.vector_load %arg11[%parallel_loop3A_332, %parallel_loop3A_333] {strides = array<i32>} : memref<8x1024xf32, #tpu.memory_space<vmem>>, vector<1x16xf32>,
        %parallel_loop3A_335 = vector.shape_cast %parallel_loop3A_334 : vector<1x16xf32> to vector<16xf32>
        %parallel_loop3A_336 = arith.constant 4 : i32
        %parallel_loop3A_337 = arith.index_cast %parallel_loop3A_336 : i32 to index
        %parallel_loop3A_338 = arith.index_cast %parallel_loop3A_315 : i32 to index
        %parallel_loop3A_339 = tpu.vector_load %arg11[%parallel_loop3A_337, %parallel_loop3A_338] {strides = array<i32>} : memref<8x1024xf32, #tpu.memory_space<vmem>>, vector<1x16xf32>,
        %parallel_loop3A_340 = vector.shape_cast %parallel_loop3A_339 : vector<1x16xf32> to vector<16xf32>
        %parallel_loop3A_341 = arith.constant 5 : i32
        %parallel_loop3A_342 = arith.index_cast %parallel_loop3A_341 : i32 to index
        %parallel_loop3A_343 = arith.index_cast %parallel_loop3A_315 : i32 to index
        %parallel_loop3A_344 = tpu.vector_load %arg11[%parallel_loop3A_342, %parallel_loop3A_343] {strides = array<i32>} : memref<8x1024xf32, #tpu.memory_space<vmem>>, vector<1x16xf32>,
        %parallel_loop3A_345 = vector.shape_cast %parallel_loop3A_344 : vector<1x16xf32> to vector<16xf32>
        %parallel_loop3A_346 = arith.constant 6 : i32
        %parallel_loop3A_347 = arith.index_cast %parallel_loop3A_346 : i32 to index
        %parallel_loop3A_348 = arith.index_cast %parallel_loop3A_315 : i32 to index
        %parallel_loop3A_349 = tpu.vector_load %arg11[%parallel_loop3A_347, %parallel_loop3A_348] {strides = array<i32>} : memref<8x1024xf32, #tpu.memory_space<vmem>>, vector<1x16xf32>,
        %parallel_loop3A_350 = vector.shape_cast %parallel_loop3A_349 : vector<1x16xf32> to vector<16xf32>
        %parallel_loop3A_351 = arith.constant 7 : i32
        %parallel_loop3A_352 = arith.index_cast %parallel_loop3A_351 : i32 to index
        %parallel_loop3A_353 = arith.index_cast %parallel_loop3A_315 : i32 to index
        %parallel_loop3A_354 = tpu.vector_load %arg11[%parallel_loop3A_352, %parallel_loop3A_353] {strides = array<i32>} : memref<8x1024xf32, #tpu.memory_space<vmem>>, vector<1x16xf32>,
        %parallel_loop3A_355 = vector.shape_cast %parallel_loop3A_354 : vector<1x16xf32> to vector<16xf32>
        %parallel_loop3A_356 = arith.addf %parallel_loop3A_320, %parallel_loop3A_325 : vector<16xf32>
        %parallel_loop3A_357 = arith.addf %parallel_loop3A_330, %parallel_loop3A_335 : vector<16xf32>
        %parallel_loop3A_358 = arith.addf %parallel_loop3A_340, %parallel_loop3A_345 : vector<16xf32>
        %parallel_loop3A_359 = arith.addf %parallel_loop3A_350, %parallel_loop3A_355 : vector<16xf32>
        %parallel_loop3A_360 = arith.addf %parallel_loop3A_356, %parallel_loop3A_357 : vector<16xf32>
        %parallel_loop3A_361 = arith.addf %parallel_loop3A_358, %parallel_loop3A_359 : vector<16xf32>
        %parallel_loop3A_362 = arith.addf %parallel_loop3A_360, %parallel_loop3A_361 : vector<16xf32>
        %parallel_loop3A_363 = arith.constant 0 : i32
        %parallel_loop3A_364 = arith.index_cast %parallel_loop3A_363 : i32 to index
        %parallel_loop3A_365 = arith.index_cast %parallel_loop3A_315 : i32 to index
        %parallel_loop3A_366 = tpu.vector_load %arg15[%parallel_loop3A_364, %parallel_loop3A_365] {strides = array<i32>} : memref<1x1024xf32, #tpu.memory_space<vmem>>, vector<1x16xf32>,
        %parallel_loop3A_367 = vector.shape_cast %parallel_loop3A_366 : vector<1x16xf32> to vector<16xf32>
        %parallel_loop3A_368 = vector.shape_cast %parallel_loop3A_362 : vector<16xf32> to vector<1x16xf32>
        tpu.vector_store %arg15[%parallel_loop3A_364, %parallel_loop3A_365], %parallel_loop3A_368 {strides = array<i32>} : memref<1x1024xf32, #tpu.memory_space<vmem>>, vector<1x16xf32>,
      } {sc.loop_unroll_factor = 8 : i64, sc.parallel_access}
      %mul3A_232 = arith.constant 512 : i32
      %mul3A_233 = arith.muli %add3A, %mul3A_232 : i32
      %mul3A_234 = arith.constant 1 : i32
      %mul3A_235 = arith.muli %add3A_217, %mul3A_234 : i32
      %add3A_236 = arith.addi %mul3A_233, %mul3A_235 : i32
      %dma_start3A_237 = arith.constant 0 : i32
      %dma_start3A_238 = tpu.memref_slice %arg4[%add3A_236, %dma_start3A_237] : memref<16384x1024xf32, #tpu.memory_space<hbm>> -> memref<1x1024xf32, #tpu.memory_space<hbm>>
      %dma_start3A_239 = arith.constant 0 : i32
      %dma_start3A_240 = tpu.memref_slice %arg4[%add3A_236, %dma_start3A_239] : memref<16384x1024xf32, #tpu.memory_space<hbm>> -> memref<1x1024xf32, #tpu.memory_space<hbm>>
      tpu.enqueue_dma source(%arg15 : memref<1x1024xf32, #tpu.memory_space<vmem>>) target(%dma_start3A_240 : memref<1x1024xf32, #tpu.memory_space<hbm>>) target_semaphore(%arg25 : memref<!tpu.dma_semaphore, #tpu.memory_space<semaphore_mem>>)
      %add3A_241 = arith.constant 8 : i32
      %add3A_242 = arith.addi %add3A_217, %add3A_241 : i32
      %lt3A_243 = arith.constant 512 : i32
      %lt3A_244 = arith.cmpi slt, %add3A_242, %lt3A_243 : i32
      %convert_element_type3A_245 = arith.extui %lt3A_244 : i1 to i32
      %cond3A_246 = arith.constant 0 : i32
      %cond3A_247 = arith.cmpi ne, %convert_element_type3A_245, %cond3A_246 : i32
      scf.if %cond3A_247 {
        %add3A_313 = arith.constant 8 : i32
        %add3A_314 = arith.addi %add3A_217, %add3A_313 : i32
        %mul3A_315 = arith.constant 8 : i32
        %mul3A_316 = arith.muli %add3A_314, %mul3A_315 : i32
        %dma_start3A_317 = tpu.memref_slice %arg5[%mul3A_316] : memref<4096xi32, #tpu.memory_space<vmem>> -> memref<8xi32, #tpu.memory_space<vmem>>
        %dma_start3A_318 = arith.constant 0 : i32
        %dma_start3A_319 = arith.constant 0 : i32
        %dma_start3A_320 = tpu.memref_slice %arg3[%dma_start3A_318, %dma_start3A_319] : memref<100000x1024xf32, #tpu.memory_space<hbm>> -> memref<100000x1024xf32, #tpu.memory_space<hbm>>
        tpu.enqueue_indirect_dma source(%dma_start3A_320 : memref<100000x1024xf32, #tpu.memory_space<hbm>>) target(%arg11 : memref<8x1024xf32, #tpu.memory_space<vmem>>) offsets(%dma_start3A_317 : memref<8xi32, #tpu.memory_space<vmem>>) semaphore(%arg21 : memref<!tpu.dma_semaphore, #tpu.memory_space<semaphore_mem>>)
      } else {
      }
      %add3A_248 = arith.constant 6 : i32
      %add3A_249 = arith.addi %mul3A_60, %add3A_248 : i32
      %mul3A_250 = arith.constant 8 : i32
      %mul3A_251 = arith.muli %add3A_249, %mul3A_250 : i32
      %dma_wait3A_252 = tpu.memref_slice %arg5[%mul3A_251] : memref<4096xi32, #tpu.memory_space<vmem>> -> memref<8xi32, #tpu.memory_space<vmem>>
      %dma_wait3A_253 = arith.constant 0 : i32
      %dma_wait3A_254 = arith.constant 0 : i32
      %dma_wait3A_255 = tpu.memref_slice %arg3[%dma_wait3A_253, %dma_wait3A_254] : memref<100000x1024xf32, #tpu.memory_space<hbm>> -> memref<100000x1024xf32, #tpu.memory_space<hbm>>
      tpu.wait_indirect_dma semaphore(%arg22 : memref<!tpu.dma_semaphore, #tpu.memory_space<semaphore_mem>>) src(%dma_wait3A_255 : memref<100000x1024xf32, #tpu.memory_space<hbm>>) dst(%arg12 : memref<8x1024xf32, #tpu.memory_space<vmem>>)
      %ge3A_256 = arith.constant 2 : i32
      %ge3A_257 = arith.cmpi sge, %add3A_249, %ge3A_256 : i32
      %convert_element_type3A_258 = arith.extui %ge3A_257 : i1 to i32
      %cond3A_259 = arith.constant 0 : i32
      %cond3A_260 = arith.cmpi ne, %convert_element_type3A_258, %cond3A_259 : i32
      scf.if %cond3A_260 {
        %dma_wait3A_313 = arith.constant 0 : i32
        %dma_wait3A_314 = arith.constant 0 : i32
        %dma_wait3A_315 = tpu.memref_slice %arg4[%dma_wait3A_313, %dma_wait3A_314] : memref<16384x1024xf32, #tpu.memory_space<hbm>> -> memref<1x1024xf32, #tpu.memory_space<hbm>>
        %dma_wait3A_316 = arith.constant 0 : i32
        %dma_wait3A_317 = arith.constant 0 : i32
        %dma_wait3A_318 = tpu.memref_slice %arg4[%dma_wait3A_316, %dma_wait3A_317] : memref<16384x1024xf32, #tpu.memory_space<hbm>> -> memref<1x1024xf32, #tpu.memory_space<hbm>>
        tpu.wait_dma2 semaphore(%arg24 : memref<!tpu.dma_semaphore, #tpu.memory_space<semaphore_mem>>) src(%arg14 : memref<1x1024xf32, #tpu.memory_space<vmem>>) dst(%dma_wait3A_318 : memref<1x1024xf32, #tpu.memory_space<hbm>>)
      } else {
      }
      %parallel_loop3A_261 = arith.constant 0 : i32
      %parallel_loop3A_262 = arith.constant 64 : i32
      %parallel_loop3A_263 = arith.constant 1 : i32
      scf.for %parallel_loop3A_313 = %parallel_loop3A_261 to %parallel_loop3A_262 step %parallel_loop3A_263  : i32 {
        %parallel_loop3A_314 = arith.constant 16 : i32
        %parallel_loop3A_315 = arith.muli %parallel_loop3A_313, %parallel_loop3A_314 : i32
        %parallel_loop3A_316 = arith.constant 0 : i32
        %parallel_loop3A_317 = arith.index_cast %parallel_loop3A_316 : i32 to index
        %parallel_loop3A_318 = arith.index_cast %parallel_loop3A_315 : i32 to index
        %parallel_loop3A_319 = tpu.vector_load %arg12[%parallel_loop3A_317, %parallel_loop3A_318] {strides = array<i32>} : memref<8x1024xf32, #tpu.memory_space<vmem>>, vector<1x16xf32>,
        %parallel_loop3A_320 = vector.shape_cast %parallel_loop3A_319 : vector<1x16xf32> to vector<16xf32>
        %parallel_loop3A_321 = arith.constant 1 : i32
        %parallel_loop3A_322 = arith.index_cast %parallel_loop3A_321 : i32 to index
        %parallel_loop3A_323 = arith.index_cast %parallel_loop3A_315 : i32 to index
        %parallel_loop3A_324 = tpu.vector_load %arg12[%parallel_loop3A_322, %parallel_loop3A_323] {strides = array<i32>} : memref<8x1024xf32, #tpu.memory_space<vmem>>, vector<1x16xf32>,
        %parallel_loop3A_325 = vector.shape_cast %parallel_loop3A_324 : vector<1x16xf32> to vector<16xf32>
        %parallel_loop3A_326 = arith.constant 2 : i32
        %parallel_loop3A_327 = arith.index_cast %parallel_loop3A_326 : i32 to index
        %parallel_loop3A_328 = arith.index_cast %parallel_loop3A_315 : i32 to index
        %parallel_loop3A_329 = tpu.vector_load %arg12[%parallel_loop3A_327, %parallel_loop3A_328] {strides = array<i32>} : memref<8x1024xf32, #tpu.memory_space<vmem>>, vector<1x16xf32>,
        %parallel_loop3A_330 = vector.shape_cast %parallel_loop3A_329 : vector<1x16xf32> to vector<16xf32>
        %parallel_loop3A_331 = arith.constant 3 : i32
        %parallel_loop3A_332 = arith.index_cast %parallel_loop3A_331 : i32 to index
        %parallel_loop3A_333 = arith.index_cast %parallel_loop3A_315 : i32 to index
        %parallel_loop3A_334 = tpu.vector_load %arg12[%parallel_loop3A_332, %parallel_loop3A_333] {strides = array<i32>} : memref<8x1024xf32, #tpu.memory_space<vmem>>, vector<1x16xf32>,
        %parallel_loop3A_335 = vector.shape_cast %parallel_loop3A_334 : vector<1x16xf32> to vector<16xf32>
        %parallel_loop3A_336 = arith.constant 4 : i32
        %parallel_loop3A_337 = arith.index_cast %parallel_loop3A_336 : i32 to index
        %parallel_loop3A_338 = arith.index_cast %parallel_loop3A_315 : i32 to index
        %parallel_loop3A_339 = tpu.vector_load %arg12[%parallel_loop3A_337, %parallel_loop3A_338] {strides = array<i32>} : memref<8x1024xf32, #tpu.memory_space<vmem>>, vector<1x16xf32>,
        %parallel_loop3A_340 = vector.shape_cast %parallel_loop3A_339 : vector<1x16xf32> to vector<16xf32>
        %parallel_loop3A_341 = arith.constant 5 : i32
        %parallel_loop3A_342 = arith.index_cast %parallel_loop3A_341 : i32 to index
        %parallel_loop3A_343 = arith.index_cast %parallel_loop3A_315 : i32 to index
        %parallel_loop3A_344 = tpu.vector_load %arg12[%parallel_loop3A_342, %parallel_loop3A_343] {strides = array<i32>} : memref<8x1024xf32, #tpu.memory_space<vmem>>, vector<1x16xf32>,
        %parallel_loop3A_345 = vector.shape_cast %parallel_loop3A_344 : vector<1x16xf32> to vector<16xf32>
        %parallel_loop3A_346 = arith.constant 6 : i32
        %parallel_loop3A_347 = arith.index_cast %parallel_loop3A_346 : i32 to index
        %parallel_loop3A_348 = arith.index_cast %parallel_loop3A_315 : i32 to index
        %parallel_loop3A_349 = tpu.vector_load %arg12[%parallel_loop3A_347, %parallel_loop3A_348] {strides = array<i32>} : memref<8x1024xf32, #tpu.memory_space<vmem>>, vector<1x16xf32>,
        %parallel_loop3A_350 = vector.shape_cast %parallel_loop3A_349 : vector<1x16xf32> to vector<16xf32>
        %parallel_loop3A_351 = arith.constant 7 : i32
        %parallel_loop3A_352 = arith.index_cast %parallel_loop3A_351 : i32 to index
        %parallel_loop3A_353 = arith.index_cast %parallel_loop3A_315 : i32 to index
        %parallel_loop3A_354 = tpu.vector_load %arg12[%parallel_loop3A_352, %parallel_loop3A_353] {strides = array<i32>} : memref<8x1024xf32, #tpu.memory_space<vmem>>, vector<1x16xf32>,
        %parallel_loop3A_355 = vector.shape_cast %parallel_loop3A_354 : vector<1x16xf32> to vector<16xf32>
        %parallel_loop3A_356 = arith.addf %parallel_loop3A_320, %parallel_loop3A_325 : vector<16xf32>
        %parallel_loop3A_357 = arith.addf %parallel_loop3A_330, %parallel_loop3A_335 : vector<16xf32>
        %parallel_loop3A_358 = arith.addf %parallel_loop3A_340, %parallel_loop3A_345 : vector<16xf32>
        %parallel_loop3A_359 = arith.addf %parallel_loop3A_350, %parallel_loop3A_355 : vector<16xf32>
        %parallel_loop3A_360 = arith.addf %parallel_loop3A_356, %parallel_loop3A_357 : vector<16xf32>
        %parallel_loop3A_361 = arith.addf %parallel_loop3A_358, %parallel_loop3A_359 : vector<16xf32>
        %parallel_loop3A_362 = arith.addf %parallel_loop3A_360, %parallel_loop3A_361 : vector<16xf32>
        %parallel_loop3A_363 = arith.constant 0 : i32
        %parallel_loop3A_364 = arith.index_cast %parallel_loop3A_363 : i32 to index
        %parallel_loop3A_365 = arith.index_cast %parallel_loop3A_315 : i32 to index
        %parallel_loop3A_366 = tpu.vector_load %arg14[%parallel_loop3A_364, %parallel_loop3A_365] {strides = array<i32>} : memref<1x1024xf32, #tpu.memory_space<vmem>>, vector<1x16xf32>,
        %parallel_loop3A_367 = vector.shape_cast %parallel_loop3A_366 : vector<1x16xf32> to vector<16xf32>
        %parallel_loop3A_368 = vector.shape_cast %parallel_loop3A_362 : vector<16xf32> to vector<1x16xf32>
        tpu.vector_store %arg14[%parallel_loop3A_364, %parallel_loop3A_365], %parallel_loop3A_368 {strides = array<i32>} : memref<1x1024xf32, #tpu.memory_space<vmem>>, vector<1x16xf32>,
      } {sc.loop_unroll_factor = 8 : i64, sc.parallel_access}
      %mul3A_264 = arith.constant 512 : i32
      %mul3A_265 = arith.muli %add3A, %mul3A_264 : i32
      %mul3A_266 = arith.constant 1 : i32
      %mul3A_267 = arith.muli %add3A_249, %mul3A_266 : i32
      %add3A_268 = arith.addi %mul3A_265, %mul3A_267 : i32
      %dma_start3A_269 = arith.constant 0 : i32
      %dma_start3A_270 = tpu.memref_slice %arg4[%add3A_268, %dma_start3A_269] : memref<16384x1024xf32, #tpu.memory_space<hbm>> -> memref<1x1024xf32, #tpu.memory_space<hbm>>
      %dma_start3A_271 = arith.constant 0 : i32
      %dma_start3A_272 = tpu.memref_slice %arg4[%add3A_268, %dma_start3A_271] : memref<16384x1024xf32, #tpu.memory_space<hbm>> -> memref<1x1024xf32, #tpu.memory_space<hbm>>
      tpu.enqueue_dma source(%arg14 : memref<1x1024xf32, #tpu.memory_space<vmem>>) target(%dma_start3A_272 : memref<1x1024xf32, #tpu.memory_space<hbm>>) target_semaphore(%arg24 : memref<!tpu.dma_semaphore, #tpu.memory_space<semaphore_mem>>)
      %add3A_273 = arith.constant 8 : i32
      %add3A_274 = arith.addi %add3A_249, %add3A_273 : i32
      %lt3A_275 = arith.constant 512 : i32
      %lt3A_276 = arith.cmpi slt, %add3A_274, %lt3A_275 : i32
      %convert_element_type3A_277 = arith.extui %lt3A_276 : i1 to i32
      %cond3A_278 = arith.constant 0 : i32
      %cond3A_279 = arith.cmpi ne, %convert_element_type3A_277, %cond3A_278 : i32
      scf.if %cond3A_279 {
        %add3A_313 = arith.constant 8 : i32
        %add3A_314 = arith.addi %add3A_249, %add3A_313 : i32
        %mul3A_315 = arith.constant 8 : i32
        %mul3A_316 = arith.muli %add3A_314, %mul3A_315 : i32
        %dma_start3A_317 = tpu.memref_slice %arg5[%mul3A_316] : memref<4096xi32, #tpu.memory_space<vmem>> -> memref<8xi32, #tpu.memory_space<vmem>>
        %dma_start3A_318 = arith.constant 0 : i32
        %dma_start3A_319 = arith.constant 0 : i32
        %dma_start3A_320 = tpu.memref_slice %arg3[%dma_start3A_318, %dma_start3A_319] : memref<100000x1024xf32, #tpu.memory_space<hbm>> -> memref<100000x1024xf32, #tpu.memory_space<hbm>>
        tpu.enqueue_indirect_dma source(%dma_start3A_320 : memref<100000x1024xf32, #tpu.memory_space<hbm>>) target(%arg12 : memref<8x1024xf32, #tpu.memory_space<vmem>>) offsets(%dma_start3A_317 : memref<8xi32, #tpu.memory_space<vmem>>) semaphore(%arg22 : memref<!tpu.dma_semaphore, #tpu.memory_space<semaphore_mem>>)
      } else {
      }
      %add3A_280 = arith.constant 7 : i32
      %add3A_281 = arith.addi %mul3A_60, %add3A_280 : i32
      %mul3A_282 = arith.constant 8 : i32
      %mul3A_283 = arith.muli %add3A_281, %mul3A_282 : i32
      %dma_wait3A_284 = tpu.memref_slice %arg5[%mul3A_283] : memref<4096xi32, #tpu.memory_space<vmem>> -> memref<8xi32, #tpu.memory_space<vmem>>
      %dma_wait3A_285 = arith.constant 0 : i32
      %dma_wait3A_286 = arith.constant 0 : i32
      %dma_wait3A_287 = tpu.memref_slice %arg3[%dma_wait3A_285, %dma_wait3A_286] : memref<100000x1024xf32, #tpu.memory_space<hbm>> -> memref<100000x1024xf32, #tpu.memory_space<hbm>>
      tpu.wait_indirect_dma semaphore(%arg23 : memref<!tpu.dma_semaphore, #tpu.memory_space<semaphore_mem>>) src(%dma_wait3A_287 : memref<100000x1024xf32, #tpu.memory_space<hbm>>) dst(%arg13 : memref<8x1024xf32, #tpu.memory_space<vmem>>)
      %ge3A_288 = arith.constant 2 : i32
      %ge3A_289 = arith.cmpi sge, %add3A_281, %ge3A_288 : i32
      %convert_element_type3A_290 = arith.extui %ge3A_289 : i1 to i32
      %cond3A_291 = arith.constant 0 : i32
      %cond3A_292 = arith.cmpi ne, %convert_element_type3A_290, %cond3A_291 : i32
      scf.if %cond3A_292 {
        %dma_wait3A_313 = arith.constant 0 : i32
        %dma_wait3A_314 = arith.constant 0 : i32
        %dma_wait3A_315 = tpu.memref_slice %arg4[%dma_wait3A_313, %dma_wait3A_314] : memref<16384x1024xf32, #tpu.memory_space<hbm>> -> memref<1x1024xf32, #tpu.memory_space<hbm>>
        %dma_wait3A_316 = arith.constant 0 : i32
        %dma_wait3A_317 = arith.constant 0 : i32
        %dma_wait3A_318 = tpu.memref_slice %arg4[%dma_wait3A_316, %dma_wait3A_317] : memref<16384x1024xf32, #tpu.memory_space<hbm>> -> memref<1x1024xf32, #tpu.memory_space<hbm>>
        tpu.wait_dma2 semaphore(%arg25 : memref<!tpu.dma_semaphore, #tpu.memory_space<semaphore_mem>>) src(%arg15 : memref<1x1024xf32, #tpu.memory_space<vmem>>) dst(%dma_wait3A_318 : memref<1x1024xf32, #tpu.memory_space<hbm>>)
      } else {
      }
      %parallel_loop3A_293 = arith.constant 0 : i32
      %parallel_loop3A_294 = arith.constant 64 : i32
      %parallel_loop3A_295 = arith.constant 1 : i32
      scf.for %parallel_loop3A_313 = %parallel_loop3A_293 to %parallel_loop3A_294 step %parallel_loop3A_295  : i32 {
        %parallel_loop3A_314 = arith.constant 16 : i32
        %parallel_loop3A_315 = arith.muli %parallel_loop3A_313, %parallel_loop3A_314 : i32
        %parallel_loop3A_316 = arith.constant 0 : i32
        %parallel_loop3A_317 = arith.index_cast %parallel_loop3A_316 : i32 to index
        %parallel_loop3A_318 = arith.index_cast %parallel_loop3A_315 : i32 to index
        %parallel_loop3A_319 = tpu.vector_load %arg13[%parallel_loop3A_317, %parallel_loop3A_318] {strides = array<i32>} : memref<8x1024xf32, #tpu.memory_space<vmem>>, vector<1x16xf32>,
        %parallel_loop3A_320 = vector.shape_cast %parallel_loop3A_319 : vector<1x16xf32> to vector<16xf32>
        %parallel_loop3A_321 = arith.constant 1 : i32
        %parallel_loop3A_322 = arith.index_cast %parallel_loop3A_321 : i32 to index
        %parallel_loop3A_323 = arith.index_cast %parallel_loop3A_315 : i32 to index
        %parallel_loop3A_324 = tpu.vector_load %arg13[%parallel_loop3A_322, %parallel_loop3A_323] {strides = array<i32>} : memref<8x1024xf32, #tpu.memory_space<vmem>>, vector<1x16xf32>,
        %parallel_loop3A_325 = vector.shape_cast %parallel_loop3A_324 : vector<1x16xf32> to vector<16xf32>
        %parallel_loop3A_326 = arith.constant 2 : i32
        %parallel_loop3A_327 = arith.index_cast %parallel_loop3A_326 : i32 to index
        %parallel_loop3A_328 = arith.index_cast %parallel_loop3A_315 : i32 to index
        %parallel_loop3A_329 = tpu.vector_load %arg13[%parallel_loop3A_327, %parallel_loop3A_328] {strides = array<i32>} : memref<8x1024xf32, #tpu.memory_space<vmem>>, vector<1x16xf32>,
        %parallel_loop3A_330 = vector.shape_cast %parallel_loop3A_329 : vector<1x16xf32> to vector<16xf32>
        %parallel_loop3A_331 = arith.constant 3 : i32
        %parallel_loop3A_332 = arith.index_cast %parallel_loop3A_331 : i32 to index
        %parallel_loop3A_333 = arith.index_cast %parallel_loop3A_315 : i32 to index
        %parallel_loop3A_334 = tpu.vector_load %arg13[%parallel_loop3A_332, %parallel_loop3A_333] {strides = array<i32>} : memref<8x1024xf32, #tpu.memory_space<vmem>>, vector<1x16xf32>,
        %parallel_loop3A_335 = vector.shape_cast %parallel_loop3A_334 : vector<1x16xf32> to vector<16xf32>
        %parallel_loop3A_336 = arith.constant 4 : i32
        %parallel_loop3A_337 = arith.index_cast %parallel_loop3A_336 : i32 to index
        %parallel_loop3A_338 = arith.index_cast %parallel_loop3A_315 : i32 to index
        %parallel_loop3A_339 = tpu.vector_load %arg13[%parallel_loop3A_337, %parallel_loop3A_338] {strides = array<i32>} : memref<8x1024xf32, #tpu.memory_space<vmem>>, vector<1x16xf32>,
        %parallel_loop3A_340 = vector.shape_cast %parallel_loop3A_339 : vector<1x16xf32> to vector<16xf32>
        %parallel_loop3A_341 = arith.constant 5 : i32
        %parallel_loop3A_342 = arith.index_cast %parallel_loop3A_341 : i32 to index
        %parallel_loop3A_343 = arith.index_cast %parallel_loop3A_315 : i32 to index
        %parallel_loop3A_344 = tpu.vector_load %arg13[%parallel_loop3A_342, %parallel_loop3A_343] {strides = array<i32>} : memref<8x1024xf32, #tpu.memory_space<vmem>>, vector<1x16xf32>,
        %parallel_loop3A_345 = vector.shape_cast %parallel_loop3A_344 : vector<1x16xf32> to vector<16xf32>
        %parallel_loop3A_346 = arith.constant 6 : i32
        %parallel_loop3A_347 = arith.index_cast %parallel_loop3A_346 : i32 to index
        %parallel_loop3A_348 = arith.index_cast %parallel_loop3A_315 : i32 to index
        %parallel_loop3A_349 = tpu.vector_load %arg13[%parallel_loop3A_347, %parallel_loop3A_348] {strides = array<i32>} : memref<8x1024xf32, #tpu.memory_space<vmem>>, vector<1x16xf32>,
        %parallel_loop3A_350 = vector.shape_cast %parallel_loop3A_349 : vector<1x16xf32> to vector<16xf32>
        %parallel_loop3A_351 = arith.constant 7 : i32
        %parallel_loop3A_352 = arith.index_cast %parallel_loop3A_351 : i32 to index
        %parallel_loop3A_353 = arith.index_cast %parallel_loop3A_315 : i32 to index
        %parallel_loop3A_354 = tpu.vector_load %arg13[%parallel_loop3A_352, %parallel_loop3A_353] {strides = array<i32>} : memref<8x1024xf32, #tpu.memory_space<vmem>>, vector<1x16xf32>,
        %parallel_loop3A_355 = vector.shape_cast %parallel_loop3A_354 : vector<1x16xf32> to vector<16xf32>
        %parallel_loop3A_356 = arith.addf %parallel_loop3A_320, %parallel_loop3A_325 : vector<16xf32>
        %parallel_loop3A_357 = arith.addf %parallel_loop3A_330, %parallel_loop3A_335 : vector<16xf32>
        %parallel_loop3A_358 = arith.addf %parallel_loop3A_340, %parallel_loop3A_345 : vector<16xf32>
        %parallel_loop3A_359 = arith.addf %parallel_loop3A_350, %parallel_loop3A_355 : vector<16xf32>
        %parallel_loop3A_360 = arith.addf %parallel_loop3A_356, %parallel_loop3A_357 : vector<16xf32>
        %parallel_loop3A_361 = arith.addf %parallel_loop3A_358, %parallel_loop3A_359 : vector<16xf32>
        %parallel_loop3A_362 = arith.addf %parallel_loop3A_360, %parallel_loop3A_361 : vector<16xf32>
        %parallel_loop3A_363 = arith.constant 0 : i32
        %parallel_loop3A_364 = arith.index_cast %parallel_loop3A_363 : i32 to index
        %parallel_loop3A_365 = arith.index_cast %parallel_loop3A_315 : i32 to index
        %parallel_loop3A_366 = tpu.vector_load %arg15[%parallel_loop3A_364, %parallel_loop3A_365] {strides = array<i32>} : memref<1x1024xf32, #tpu.memory_space<vmem>>, vector<1x16xf32>,
        %parallel_loop3A_367 = vector.shape_cast %parallel_loop3A_366 : vector<1x16xf32> to vector<16xf32>
        %parallel_loop3A_368 = vector.shape_cast %parallel_loop3A_362 : vector<16xf32> to vector<1x16xf32>
        tpu.vector_store %arg15[%parallel_loop3A_364, %parallel_loop3A_365], %parallel_loop3A_368 {strides = array<i32>} : memref<1x1024xf32, #tpu.memory_space<vmem>>, vector<1x16xf32>,
      } {sc.loop_unroll_factor = 8 : i64, sc.parallel_access}
      %mul3A_296 = arith.constant 512 : i32
      %mul3A_297 = arith.muli %add3A, %mul3A_296 : i32
      %mul3A_298 = arith.constant 1 : i32
      %mul3A_299 = arith.muli %add3A_281, %mul3A_298 : i32
      %add3A_300 = arith.addi %mul3A_297, %mul3A_299 : i32
      %dma_start3A_301 = arith.constant 0 : i32
      %dma_start3A_302 = tpu.memref_slice %arg4[%add3A_300, %dma_start3A_301] : memref<16384x1024xf32, #tpu.memory_space<hbm>> -> memref<1x1024xf32, #tpu.memory_space<hbm>>
      %dma_start3A_303 = arith.constant 0 : i32
      %dma_start3A_304 = tpu.memref_slice %arg4[%add3A_300, %dma_start3A_303] : memref<16384x1024xf32, #tpu.memory_space<hbm>> -> memref<1x1024xf32, #tpu.memory_space<hbm>>
      tpu.enqueue_dma source(%arg15 : memref<1x1024xf32, #tpu.memory_space<vmem>>) target(%dma_start3A_304 : memref<1x1024xf32, #tpu.memory_space<hbm>>) target_semaphore(%arg25 : memref<!tpu.dma_semaphore, #tpu.memory_space<semaphore_mem>>)
      %add3A_305 = arith.constant 8 : i32
      %add3A_306 = arith.addi %add3A_281, %add3A_305 : i32
      %lt3A_307 = arith.constant 512 : i32
      %lt3A_308 = arith.cmpi slt, %add3A_306, %lt3A_307 : i32
      %convert_element_type3A_309 = arith.extui %lt3A_308 : i1 to i32
      %cond3A_310 = arith.constant 0 : i32
      %cond3A_311 = arith.cmpi ne, %convert_element_type3A_309, %cond3A_310 : i32
      scf.if %cond3A_311 {
        %add3A_313 = arith.constant 8 : i32
        %add3A_314 = arith.addi %add3A_281, %add3A_313 : i32
        %mul3A_315 = arith.constant 8 : i32
        %mul3A_316 = arith.muli %add3A_314, %mul3A_315 : i32
        %dma_start3A_317 = tpu.memref_slice %arg5[%mul3A_316] : memref<4096xi32, #tpu.memory_space<vmem>> -> memref<8xi32, #tpu.memory_space<vmem>>
        %dma_start3A_318 = arith.constant 0 : i32
        %dma_start3A_319 = arith.constant 0 : i32
        %dma_start3A_320 = tpu.memref_slice %arg3[%dma_start3A_318, %dma_start3A_319] : memref<100000x1024xf32, #tpu.memory_space<hbm>> -> memref<100000x1024xf32, #tpu.memory_space<hbm>>
        tpu.enqueue_indirect_dma source(%dma_start3A_320 : memref<100000x1024xf32, #tpu.memory_space<hbm>>) target(%arg13 : memref<8x1024xf32, #tpu.memory_space<vmem>>) offsets(%dma_start3A_317 : memref<8xi32, #tpu.memory_space<vmem>>) semaphore(%arg23 : memref<!tpu.dma_semaphore, #tpu.memory_space<semaphore_mem>>)
      } else {
      }
      %scan3A_312 = arith.constant 0 : i32
      scf.yield %scan3A_312 : i32
    }
    %scan3A_45 = arith.constant 64 : i32
    %dma_wait3A = arith.constant 0 : i32
    %dma_wait3A_46 = arith.constant 0 : i32
    %dma_wait3A_47 = tpu.memref_slice %arg4[%dma_wait3A, %dma_wait3A_46] : memref<16384x1024xf32, #tpu.memory_space<hbm>> -> memref<1x1024xf32, #tpu.memory_space<hbm>>
    %dma_wait3A_48 = arith.constant 0 : i32
    %dma_wait3A_49 = arith.constant 0 : i32
    %dma_wait3A_50 = tpu.memref_slice %arg4[%dma_wait3A_48, %dma_wait3A_49] : memref<16384x1024xf32, #tpu.memory_space<hbm>> -> memref<1x1024xf32, #tpu.memory_space<hbm>>
    tpu.wait_dma2 semaphore(%arg24 : memref<!tpu.dma_semaphore, #tpu.memory_space<semaphore_mem>>) src(%arg14 : memref<1x1024xf32, #tpu.memory_space<vmem>>) dst(%dma_wait3A_50 : memref<1x1024xf32, #tpu.memory_space<hbm>>)
    %dma_wait3A_51 = arith.constant 0 : i32
    %dma_wait3A_52 = arith.constant 0 : i32
    %dma_wait3A_53 = tpu.memref_slice %arg4[%dma_wait3A_51, %dma_wait3A_52] : memref<16384x1024xf32, #tpu.memory_space<hbm>> -> memref<1x1024xf32, #tpu.memory_space<hbm>>
    %dma_wait3A_54 = arith.constant 0 : i32
    %dma_wait3A_55 = arith.constant 0 : i32
    %dma_wait3A_56 = tpu.memref_slice %arg4[%dma_wait3A_54, %dma_wait3A_55] : memref<16384x1024xf32, #tpu.memory_space<hbm>> -> memref<1x1024xf32, #tpu.memory_space<hbm>>
    tpu.wait_dma2 semaphore(%arg25 : memref<!tpu.dma_semaphore, #tpu.memory_space<semaphore_mem>>) src(%arg15 : memref<1x1024xf32, #tpu.memory_space<vmem>>) dst(%dma_wait3A_56 : memref<1x1024xf32, #tpu.memory_space<hbm>>)
    return
  }
}

module attributes {stable_mosaic.version = 14 : i64} {
  func.func @_tc_body(%arg0: i32, %arg1: memref<2048x1024xf32, #tpu.memory_space<vmem>>, %arg2: memref<1024x512xf32, #tpu.memory_space<vmem>>, %arg3: memref<1x512xf32, #tpu.memory_space<vmem>>, %arg4: memref<1x512xf32, #tpu.memory_space<vmem>>, %arg5: memref<1x512xf32, #tpu.memory_space<vmem>>, %arg6: memref<2048x512xf32, #tpu.memory_space<vmem>>) attributes {dimension_semantics = [#tpu.dimension_semantics<arbitrary>], iteration_bounds = array<i64: 8>, scalar_prefetch = 0 : i64, scratch_operands = 0 : i64, tpu.core_type = #tpu.core_type<tc>, window_params = [{transform_indices = @transform_0, window_bounds = array<i64: 2048, 1024>}, {pipeline_mode = #tpu.pipeline_mode<synchronous>, transform_indices = @transform_1, window_bounds = array<i64: 1024, 512>}, {pipeline_mode = #tpu.pipeline_mode<synchronous>, transform_indices = @transform_2, window_bounds = array<i64: 1, 512>}, {pipeline_mode = #tpu.pipeline_mode<synchronous>, transform_indices = @transform_3, window_bounds = array<i64: 1, 512>}, {pipeline_mode = #tpu.pipeline_mode<synchronous>, transform_indices = @transform_4, window_bounds = array<i64: 1, 512>}, {transform_indices = @transform_5, window_bounds = array<i64: 2048, 512>}]} {
    %get3A = arith.constant 0 : index
    %get3A_0 = arith.constant 0 : index
    %get3A_1 = vector.load %arg1[%get3A, %get3A_0] : memref<2048x1024xf32, #tpu.memory_space<vmem>>, vector<2048x1024xf32>
    %get3A_2 = arith.constant 0 : index
    %get3A_3 = arith.constant 0 : index
    %get3A_4 = vector.load %arg2[%get3A_2, %get3A_3] : memref<1024x512xf32, #tpu.memory_space<vmem>>, vector<1024x512xf32>
    %dot_general3A = arith.constant dense<0.000000e+00> : vector<2048x512xf32>
    %dot_general3A_5 = tpu.matmul %get3A_1, %get3A_4, %dot_general3A {dimension_numbers = #tpu.dot_dimension_numbers<[1], [0], [0], [1], [0, 0, 1, 1], [], []>, transpose_lhs_hint = false} : vector<2048x1024xf32>, vector<1024x512xf32>, vector<2048x512xf32> -> vector<2048x512xf32>
    %mul3A = arith.constant 1.250000e-01 : f32
    %mul3A_6 = vector.broadcast %mul3A : f32 to vector<2048x512xf32>
    %mul3A_7 = arith.mulf %dot_general3A_5, %mul3A_6 : vector<2048x512xf32>
    %get3A_8 = arith.constant 0 : index
    %get3A_9 = arith.constant 0 : index
    %get3A_10 = vector.load %arg3[%get3A_8, %get3A_9] : memref<1x512xf32, #tpu.memory_space<vmem>>, vector<1x512xf32>
    %add3A = vector.broadcast %get3A_10 : vector<1x512xf32> to vector<2048x512xf32>
    %add3A_11 = arith.addf %mul3A_7, %add3A : vector<2048x512xf32>
    %reduce_sum3A = arith.constant dense<0.000000e+00> : vector<2048xf32>
    %reduce_sum3A_12 = vector.multi_reduction <add>, %add3A_11, %reduce_sum3A [1] : vector<2048x512xf32> to vector<2048xf32>
    %broadcast_in_dim3A = vector.shape_cast %reduce_sum3A_12 : vector<2048xf32> to vector<2048x1xf32>
    %div3A = arith.constant 5.120000e+02 : f32
    %div3A_13 = vector.broadcast %div3A : f32 to vector<2048x1xf32>
    %div3A_14 = arith.divf %broadcast_in_dim3A, %div3A_13 : vector<2048x1xf32>
    %sub3A = vector.broadcast %div3A_14 : vector<2048x1xf32> to vector<2048x512xf32>
    %sub3A_15 = arith.subf %add3A_11, %sub3A : vector<2048x512xf32>
    %mul3A_16 = arith.mulf %sub3A_15, %sub3A_15 : vector<2048x512xf32>
    %reduce_sum3A_17 = arith.constant dense<0.000000e+00> : vector<2048xf32>
    %reduce_sum3A_18 = vector.multi_reduction <add>, %mul3A_16, %reduce_sum3A_17 [1] : vector<2048x512xf32> to vector<2048xf32>
    %broadcast_in_dim3A_19 = vector.shape_cast %reduce_sum3A_18 : vector<2048xf32> to vector<2048x1xf32>
    %div3A_20 = arith.constant 5.120000e+02 : f32
    %div3A_21 = vector.broadcast %div3A_20 : f32 to vector<2048x1xf32>
    %div3A_22 = arith.divf %broadcast_in_dim3A_19, %div3A_21 : vector<2048x1xf32>
    %get3A_23 = arith.constant 0 : index
    %get3A_24 = arith.constant 0 : index
    %get3A_25 = vector.load %arg4[%get3A_23, %get3A_24] : memref<1x512xf32, #tpu.memory_space<vmem>>, vector<1x512xf32>
    %add3A_26 = arith.constant 9.99999974E-6 : f32
    %add3A_27 = vector.broadcast %add3A_26 : f32 to vector<2048x1xf32>
    %add3A_28 = arith.addf %div3A_22, %add3A_27 : vector<2048x1xf32>
    %rsqrt3A = math.rsqrt %add3A_28 : vector<2048x1xf32>
    %mul3A_29 = vector.broadcast %rsqrt3A : vector<2048x1xf32> to vector<2048x512xf32>
    %mul3A_30 = arith.mulf %sub3A_15, %mul3A_29 : vector<2048x512xf32>
    %mul3A_31 = vector.broadcast %get3A_25 : vector<1x512xf32> to vector<2048x512xf32>
    %mul3A_32 = arith.mulf %mul3A_31, %mul3A_30 : vector<2048x512xf32>
    %get3A_33 = arith.constant 0 : index
    %get3A_34 = arith.constant 0 : index
    %get3A_35 = vector.load %arg5[%get3A_33, %get3A_34] : memref<1x512xf32, #tpu.memory_space<vmem>>, vector<1x512xf32>
    %add3A_36 = vector.broadcast %get3A_35 : vector<1x512xf32> to vector<2048x512xf32>
    %add3A_37 = arith.addf %mul3A_32, %add3A_36 : vector<2048x512xf32>
    %swap3A = arith.constant 0 : index
    %swap3A_38 = arith.constant 0 : index
    %swap3A_39 = vector.load %arg6[%swap3A, %swap3A_38] : memref<2048x512xf32, #tpu.memory_space<vmem>>, vector<2048x512xf32>
    tpu.vector_store %arg6[%swap3A, %swap3A_38], %add3A_37 {strides = array<i32>} : memref<2048x512xf32, #tpu.memory_space<vmem>>, vector<2048x512xf32>,
    return
  }
  func.func @transform_0(%arg0: i32) -> (i32, i32) {
    %c0_i32 = arith.constant 0 : i32
    %c0_i32_0 = arith.constant 0 : i32
    return %arg0, %c0_i32 : i32, i32
  }
  func.func @transform_1(%arg0: i32) -> (i32, i32) {
    %c0_i32 = arith.constant 0 : i32
    %c0_i32_0 = arith.constant 0 : i32
    %c0_i32_1 = arith.constant 0 : i32
    return %c0_i32, %c0_i32_0 : i32, i32
  }
  func.func @transform_2(%arg0: i32) -> (i32, i32) {
    %c0_i32 = arith.constant 0 : i32
    %c0_i32_0 = arith.constant 0 : i32
    %c0_i32_1 = arith.constant 0 : i32
    return %c0_i32, %c0_i32_0 : i32, i32
  }
  func.func @transform_3(%arg0: i32) -> (i32, i32) {
    %c0_i32 = arith.constant 0 : i32
    %c0_i32_0 = arith.constant 0 : i32
    %c0_i32_1 = arith.constant 0 : i32
    return %c0_i32, %c0_i32_0 : i32, i32
  }
  func.func @transform_4(%arg0: i32) -> (i32, i32) {
    %c0_i32 = arith.constant 0 : i32
    %c0_i32_0 = arith.constant 0 : i32
    %c0_i32_1 = arith.constant 0 : i32
    return %c0_i32, %c0_i32_0 : i32, i32
  }
  func.func @transform_5(%arg0: i32) -> (i32, i32) {
    %c0_i32 = arith.constant 0 : i32
    %c0_i32_0 = arith.constant 0 : i32
    return %arg0, %c0_i32 : i32, i32
  }
}

</mosaic_0001>

<sc_bundles>
// kernel: kernel.4.cloned.1.call-start
scs
__scs_entry_jumppad:
0x0: {  	(pc) =	sbr.rel $0x88, $3  }
0x1: {  	(tag) =	ssettag $0x0;
	lr =	simm.s32 $0x1  }
0x2: {  	[smem:$0x3F9B] =	sst lr;
	_ =	strace $0xD0000000  }
0x3: {  	_ = 	snop  }
0x4: {  	_ = 	snop  }
0x5: {  	_ = 	snop  }
0x6: {  	_ = 	snop  }
0x7: {  	_ = 	snop  }
__scs_overlays_trampoline_lowered:
0x8: {  	[smem:$0x3FAA] =	sst s0  }
0x9: {  	[smem:$0x3FAB] =	sst s1  }
0xa: {  	[smem:$0x3FAC] =	sst s2  }
0xb: {  	[smem:$0x3FAD] =	sst s3  }
0xc: {  	[smem:$0x3FAE] =	sst s4  }
0xd: {  	[smem:$0x3FAF] =	sst s5  }
0xe: {  	[smem:$0x3FB0] =	sst s6  }
0xf: {  	[smem:$0x3FB1] =	sst s7  }
0x10: {  	[smem:$0x3FB2] =	sst s8  }
0x11: {  	[smem:$0x3FB3] =	sst s9;
	s0 =	simm.s32 @!p0 $0x0  }
0x12: {  	s1 =	sld [smem:$0x3F99];
	s0 =	simm.s32 @p0 $0x1  }
0x13: {  	[smem:$0x3FB4] =	sst s0;
	s0 =	simm.s32 @!p1 $0x0  }
0x14: {  	s2 =	sld [smem:$0x3F98];
	s0 =	simm.s32 @p1 $0x1  }
0x15: {  	[smem:$0x3FB5] =	sst s0;
	s0 =	simm.s32 @!p2 $0x0  }
0x16: {  	s3 =	sld [smem:$0x3FDB];
	s0 =	simm.s32 @p2 $0x1  }
0x17: {  	s4 =	simm.s32 $0x1BF5;
	[smem:$0x3FB7] =	sst s0  }
0x18: {  	s0 =	sld [smem:$0x3F9A];
	_ =	swait.ge [sflag:s4], $0x0  }
0x19: {  	s7 =	sld [smem:$0x3F9B]  }
0x1a: {  	s8 =	sadd.s32 $0xFFFFE003, lr  }
0x1b: {  	s9 =	sadd.s32 $0xFFFFFEF7, lr;
	s5 =	simm.s32 $0xFFFFFFFF;
	p2 =	slt.u32 s8, $0xFFFFF086  }
0x1c: {  	p1 =	slt.u32 s9, $0xF7A;
	s5 =	simm.s32 @!p2 $0x0  }
0x1d: {  	s5 =	simm.s32 @p1 $0x1;
	p0 =	seq.s32 s7, s2  }
0x1e: {  	s7 =	smul.u32 @!p0 $0xF7A, s2;
	p2 =	seq.s32 @!p0 s5, $0x0  }
0x1f: {  	s9 =	smul.u32 $0xF7A, s1;
	s8 =	simm.s32 @!p0 $0x1BF5;
	p2 =	por !p2, p0  }
0x20: {  	[sflag:s8] =	ssyncset.s32 @!p0 $0xFFFFF086;
	s6 =	sadd.s32 @!p0 s3, s7;
	s7 =	simm.s32 @!p0 $0x108  }
0x21: {  	s3 =	sadd.s32 s3, s9;
	s6 =	sadd.s32 @!p0 $0x88, s6;
	s7 =	simm.s32 @p2 $0x1082  }
0x22: {  	[simem:s7], [sflag:s8] =	dma.local @!p0 [hbm:s6], $0xF7A  }
0x23: {  	s9 =	sor.u32 $0xD0000000, s2;
	s6 =	simm.s32 $0x108;
	_ =	swait.ge @!p0 [sflag:s8], $0x0  }
0x24: {  	s3 =	sadd.s32 $0x88, s3;
	s6 =	simm.s32 @!p1 $0x1082;
	[sflag:s4] =	ssyncset.s32 $0xFFFFF086  }
0x25: {  	[simem:s6], [sflag:s4] =	dma.local [hbm:s3], $0xF7A  }
0x26: {  	[smem:$0x3F9B] =	sst s1;
	(tag) =	ssettag s2;
	_ =	strace s9  }
0x27: {  	s1 =	sld [smem:$0x3FAB]  }
0x28: {  	s2 =	sld [smem:$0x3FAC]  }
0x29: {  	s4 =	sld [smem:$0x3FAE]  }
0x2a: {  	p0 =	seq.s32 s5, $0x0;
	s5 =	sld [smem:$0x3FAF]  }
0x2b: {  	s6 =	sld [smem:$0x3FB0]  }
0x2c: {  	s7 =	sld [smem:$0x3FB1]  }
0x2d: {  	s3 =	simm.s32 $0x108;
	s8 =	sld [smem:$0x3FB2]  }
0x2e: {  	s3 =	simm.s32 @!p0 $0x1082;
	s9 =	sld [smem:$0x3FB3]  }
0x2f: {  	lr =	sadd.s32 s0, s3;
	s0 =	sld [smem:$0x3FAA]  }
0x30: {  	s3 =	sld [smem:$0x3FAD]  }
0x31: {  	[smem:$0x3FB6] =	sst s10  }
0x32: {  	s10 =	sld [smem:$0x3FB4];
	_ =	sdelay $0x3  }
0x33: {  	p0 =	seq.s32 s10, $0x1;
	s10 =	sld [smem:$0x3FB6];
	_ =	sdelay $0x3  }
0x34: {  	[smem:$0x3FB6] =	sst s10  }
0x35: {  	s10 =	sld [smem:$0x3FB5];
	_ =	sdelay $0x3  }
0x36: {  	p1 =	seq.s32 s10, $0x1;
	s10 =	sld [smem:$0x3FB6];
	_ =	sdelay $0x3  }
0x37: {  	[smem:$0x3FB6] =	sst s10  }
0x38: {  	s10 =	sld [smem:$0x3FB7]  }
0x39: {  	_ = 	snop;
	(pc) =	sbr.ind lr, $3  }
0x3a: {  	_ = 	snop  }
0x3b: {  	_ = 	snop  }
0x3c: {  	p2 =	seq.s32 s10, $0x1;
	s10 =	sld [smem:$0x3FB6]  }
0x3d: {  	_ =	shalt  }
0x3e: {  	_ =	shalt  }
0x3f: {  	_ =	shalt  }
0x40: {  	_ =	shalt  }
0x41: {  	_ =	shalt  }
0x42: {  	_ =	shalt  }
0x43: {  	_ =	shalt  }
0x44: {  	_ =	shalt  }
0x45: {  	_ =	shalt  }
0x46: {  	_ =	shalt  }
0x47: {  	_ =	shalt  }
0x48: {  	_ =	shalt  }
0x49: {  	_ =	shalt  }
0x4a: {  	_ =	shalt  }
0x4b: {  	_ =	shalt  }
0x4c: {  	_ =	shalt  }
0x4d: {  	_ =	shalt  }
0x4e: {  	_ =	shalt  }
0x4f: {  	_ =	shalt  }
0x50: {  	_ =	shalt  }
0x51: {  	_ =	shalt  }
0x52: {  	_ =	shalt  }
0x53: {  	_ =	shalt  }
0x54: {  	_ =	shalt  }
0x55: {  	_ =	shalt  }
0x56: {  	_ =	shalt  }
0x57: {  	_ =	shalt  }
0x58: {  	_ =	shalt  }
0x59: {  	_ =	shalt  }
0x5a: {  	_ =	shalt  }
0x5b: {  	_ =	shalt  }
0x5c: {  	_ =	shalt  }
0x5d: {  	_ =	shalt  }
0x5e: {  	_ =	shalt  }
0x5f: {  	_ =	shalt  }
0x60: {  	_ =	shalt  }
0x61: {  	_ =	shalt  }
0x62: {  	_ =	shalt  }
0x63: {  	_ =	shalt  }
0x64: {  	_ =	shalt  }
0x65: {  	_ =	shalt  }
0x66: {  	_ =	shalt  }
0x67: {  	_ =	shalt  }
0x68: {  	_ =	shalt  }
0x69: {  	_ =	shalt  }
0x6a: {  	_ =	shalt  }
0x6b: {  	_ =	shalt  }
0x6c: {  	_ =	shalt  }
0x6d: {  	_ =	shalt  }
0x6e: {  	_ =	shalt  }
0x6f: {  	_ =	shalt  }
0x70: {  	_ =	shalt  }
0x71: {  	_ =	shalt  }
0x72: {  	_ =	shalt  }
0x73: {  	_ =	shalt  }
0x74: {  	_ =	shalt  }
0x75: {  	_ =	shalt  }
0x76: {  	_ =	shalt  }
0x77: {  	_ =	shalt  }
0x78: {  	_ =	shalt  }
0x79: {  	_ =	shalt  }
0x7a: {  	_ =	shalt  }
0x7b: {  	_ =	shalt  }
0x7c: {  	_ =	shalt  }
0x7d: {  	_ =	shalt  }
0x7e: {  	_ =	shalt  }
0x7f: {  	_ =	shalt  }
0x80: {  	_ =	shalt  }
0x81: {  	_ =	shalt  }
0x82: {  	_ =	shalt  }
0x83: {  	_ =	shalt  }
0x84: {  	_ =	shalt  }
0x85: {  	_ =	shalt  }
0x86: {  	_ =	shalt  }
0x87: {  	_ =	shalt  }
.Lfunc_end0:
.L_simem_size_0:
called_computation_lowered:
.L_overlay_start_0:
0x88: {  	s2 =	sld [smem:$0x3FD9]  }
0x89: {  	s3 =	sld [smem:$0x3FFE];
	_ =	sdelay $0x1  }
0x8a: {  	s1 =	srdreg.scid  }
0x8b: {  	s0 =	sand.u32 $0x1, s1  }
0x8c: {  	s17 =	sshll.u32 s0, $0xA;
	s2 =	sadd.s32 s3, s2  }
0x8d: {  	s2 =	sadd.s32 s2, s17  }
0x8e: {  	[smem:$0x3FC2] =	sst s2  }
0x8f: {  	_ = 	snop  }
0x90: {  	s2 =	sld [smem:$0x3FC8]  }
0x91: {  	s18 =	sld [smem:$0x3FD0];
	(tm) =	ssettm $0x1  }
0x92: {  	s4 =	sld [smem:$0x3FFB];
	_ =	sdelay $0x3  }
0x93: {  	_ =	strace s4  }
0x94: {  	s4 =	sld [smem:$0x3FFC];
	_ =	sdelay $0x3  }
0x95: {  	_ =	strace s4  }
0x96: {  	s4 =	sld [smem:$0x3FFD];
	_ =	sdelay $0x3  }
0x97: {  	_ =	strace s4  }
0x98: {  	_ =	strace $0x8FFFFFFF  }
0x99: {  	s19 =	sld [smem:$0x3FDB];
	_ =	sdelay $0x1  }
0x9a: {  	s5 =	simm.s32 $_scs_section_size  }
0x9b: {  	s6 =	simm.s32 $_size__tile_overlayer_lowered;
	s7 =	simm.s32 $_tile_overlayer_lowered  }
0x9c: {  	s22 =	simm.s32 $0x1BFF;
	s21 =	sshll.u32 s7, $0x1;
	s4 =	sadd.s32 s5, s19  }
0x9d: {  	s8 =	simm.s32 $0x0;
	s20 =	sshll.u32 s6, $0x1;
	s6 =	sadd.s32 s21, s4  }
0x9e: {  	[timem:s8], [sflag:s22] =	dma.local [hbm:s6], s20  }
0x9f: {  	_ =	swait.ge [sflag:s22], s20  }
0xa0: {  	s5 =	ssub.s32 $0x0, s20;
	[sflag:s22] =	ssyncset.done $0x0  }
0xa1: {  	[sflag:s22] =	ssyncadd.s32 s5;
	_ =	sdelay $0x1  }
0xa2: {  	s23 =	simm.s32 $0x1B8B  }
0xa3: {  	_ =	swait.ge [sflag:s23], $0x1  }
0xa4: {  	[sflag:s23] =	ssyncset.done $0x0  }
0xa5: {  	s25 =	simm.s32 $0x1B8E;
	s24 =	sld [smem:$0x3FFE];
	[sflag:s23] =	ssyncadd.s32 $0xFFFFFFFF  }
0xa6: {  	s26 =	simm.s32 $execute0_lowered;
	[smem:$0x3FD2] =	sst s25  }
0xa7: {  	s6 =	sshll.u32 s26, $0x1;
	_ =	strace $0x80000046;
	[dreg:$0x1] =	wrdreg $0xFFFFFFFF  }
0xa8: {  	s28 =	simm.s32 $_size_execute0_lowered;
	s4 =	sadd.s32 s4, s6;
	[dreg:$0x0] =	wrdreg $0x0  }
0xa9: {  	s6 =	sshll.u32 s28, $0x1;
	[dreg:$0x2] =	wrdreg s4  }
0xaa: {  	[dreg:$0x3] =	wrdreg s6  }
0xab: {  	[dreg:$0x4] =	wrdreg $0xC0  }
0xac: {  	_ =	task [dreg:s8], $0x5FFFF  }
0xad: {  	[dreg:$0x1] =	wrdreg $0xFFFFFFFF  }
0xae: {  	[dreg:$0x0] =	wrdreg $0x60  }
0xaf: {  	[dreg:$0x2] =	wrdreg s18  }
0xb0: {  	[dreg:$0x3] =	wrdreg s2  }
0xb1: {  	[dreg:$0x4] =	wrdreg s24  }
0xb2: {  	[dreg:$0x5] =	wrdreg $0x9  }
0xb3: {  	_ =	task.clear_ibuf [dreg:s8], $0x6FFFF;
	_ =	strace $0x90000046  }
0xb4: {  	s29 =	simm.s32 $0x9;
	_ =	strace $0x80000048  }
0xb5: {  	_ =	swait.ge [sflag:s29], $0x1  }
0xb6: {  	[sflag:s29] =	ssyncadd.s32 $0xFFFFFFFF  }
0xb7: {  	_ =	strace $0x90000048  }
0xb8: {  	_ =	sfence  }
0xb9: {  	s30 =	sld [smem:$0x0];
	_ =	sdelay $0x2  }
0xba: {  	s31 =	sshll.u32 s1, $0xD;
	s1 =	sshrl.u32 s1, $0x2  }
0xbb: {  	s3 =	sand.u32 $0x4000, s31;
	s1 =	sadd.s32 s1, s30  }
0xbc: {  	s0 =	sor.u32 s3, s0;
	s1 =	sshll.u32 s1, $0x11  }
0xbd: {  	s0 =	sor.u32 s1, s0  }
0xbe: {  	s0 =	sadd.s32 $0x8F2B, s0  }
0xbf: {  	[sflag:s0] =	ssyncadd.remote.s32 $0x1  }
0xc0: {  	_ =	sfence.sel $0xFFFF  }
0xc1: {  	[dreg:$0x0] =	wrdreg $0xFFFFFFFF;
	(pc) =	sbr.abs _section_cstart, $3  }
0xc2: {  	[dreg:$0x1] =	wrdreg $0xFFFFFFFF  }
0xc3: {  	_ =	task.clear_ibuf [dreg:s8], $0x2FFFF;
	_ =	strace $0x9FFFFFFF  }
0xc4: {  	(tm) =	ssettm $0x7FFFFFFF  }
0xc5: {  	_ =	shalt  }
tec
execute0_lowered:
.L_overlay_start_1:
0x0: {  	(tag) =	ssettag $0x1  }
0x1: {  	s0 =	rddreg [dreg:$0x0]  }
0x2: {  	s1 =	rddreg [dreg:$0x1]  }
0x3: {  	s2 =	rddreg [dreg:$0x2]  }
0x4: {  	s3 =	simm.s32 $0x0;
	s4 =	srdreg.scid;
	s6 =	stileid.u32  }
0x5: {  	s18 =	simm.s32 $0x80;
	s19 =	simm.s32 $0x400;
	s30 =	simm.s32 $0x1  }
0x6: {  	s31 =	simm.s32 $0x11000;
	s17 =	simm.s32 $0x3;
	s20 =	simm.s32 $0x9  }
0x7: {  	s21 =	simm.s32 $0x4;
	s22 =	simm.s32 $0x5;
	s23 =	simm.s32 $0x6  }
0x8: {  	s24 =	simm.s32 $0x7;
	s9 =	simm.s32 $0x0;
	[smem:$0x7FF] =	sst s3  }
0x9: {  	s4 =	sand.u32 $0x1, s4;
	s5 =	sshll.u32 s6, $0x1;
	s6 =	sshll.u32 s6, $0xA  }
0xa: {  	s25 =	sadd.s32 $0xC00, s2;
	s28 =	sadd.s32 $0xC10, s2;
	s11 =	sadd.s32 $0xC20, s2  }
0xb: {  	s12 =	sadd.s32 $0xC30, s2;
	s13 =	sadd.s32 $0xC40, s2;
	s14 =	sadd.s32 $0xC50, s2  }
0xc: {  	s15 =	sadd.s32 $0xC60, s2;
	s16 =	sadd.s32 $0xC70, s2;
	s2 =	simm.s32 $0xA  }
0xd: {  	_ =	strace $0x80000047;
	s5 =	sor.u32 s4, s5;
	[dreg:$0x4] =	wrdreg s25  }
0xe: {  	s4 =	ssub.s32 $0x2, s4;
	s6 =	sand.u32 $0x3000, s6;
	[dreg:$0x7] =	wrdreg s28  }
0xf: {  	s25 =	simm.s32 $0x8;
	s7 =	sshll.u32 s5, $0x4;
	s8 =	sshrl.u32 s4, $0x1  }
.Ltmp0:
0x10: {  	s0 =	sadd.s32 s0, s6;
	s6 =	sadd.s32 $0x100, s1;
	(pc) =	sbr.rel .LBB2_1-.Ltmp0, $4  }
0x11: {  	s26 =	sshll.u32 s5, $0x10;
	s5 =	simm.s32 $0x11400;
	s7 =	sand.u32 $0x70, s7  }
0x12: {  	v0 =	vlaneseq.u32;
	s4 =	ssub.s32 s4, s8;
	[dreg:$0x6] =	wrdreg s26;
	s0 =	sadd.s32 s7, s0  }
0x13: {  	v1 =	vshrl.u32 v0, $0x3;
	s8 =	sadd.s32 $0x300, s1;
	s29 =	smax.u32 s4, $0x1;
	[dreg:$0x5] =	wrdreg s0  }
0x14: {  	vm0 =	vmmov $0xffff;
	v0 =	vand.u32 $0x7, v0;
	v1 =	vmul.u32 $0x8, v1;
	s7 =	sadd.s32 $0x200, s1;
	[dreg:$0x8] =	wrdreg s29;
	s0 =	simm.s32 $0x2  }
.LBB2_24:
0x15: {  	_ =	swait.ge [sflag:s20], $0x400  }
0x16: {  	[sflag:s20] =	ssyncset.done $0x0  }
0x17: {  	[sflag:s20] =	ssyncadd.s32 $0xFFFFFC00  }
0x18: {  	_ =	swait.ge [sflag:s2], $0x400  }
0x19: {  	s9 =	rddreg [dreg:$0x9]  }
0x1a: {  	s4 =	rddreg [dreg:$0x8];
	s9 =	sadd.s32 $0x1, s9  }
0x1b: {  	p0 =	sne.s32 s9, s4  }
.Ltmp1:
0x1c: {  	_ = 	snop;
	(pc) =	sbr.rel @!p0 .LBB2_25-.Ltmp1, $3  }
0x1d: {  	_ =	sdelay $0x1  }
0x1e: {  	[sflag:s2] =	ssyncset.done $0x0  }
0x1f: {  	[sflag:s2] =	ssyncadd.s32 $0xFFFFFC00  }
.LBB2_1:
0x20: {  	[dreg:$0x9] =	wrdreg s9  }
0x21: {  	s4 =	rddreg [dreg:$0x5];
	s26 =	simm.s32 $0xB  }
0x22: {  	[tilespmem:s3], [sflag:$0xB] =	stream.strided.gather [hbm4b:s4+s18], $0x1000, s19, s18, $0x38;
	[tilespmem:$0x11800] =	vst v63  }
0x23: {  	_ =	swait.ge [sflag:s26], $0x1000  }
0x24: {  	[sflag:s26] =	ssyncset.done $0x0  }
0x25: {  	[sflag:s26] =	ssyncadd.s32 $0xFFFFF000  }
0x26: {  	v2 =	vld.msk [tilespmem:$0x0], $0xff;
	_ =	sdelay $0x4  }
0x27: {  	v3 =	vshll.u32 v2, $0x3  }
0x28: {  	v2 =	vand.u32 $0x7, v2;
	v3 =	vand.u32 $0xFFFFFFC0, v3  }
0x29: {  	v2 =	vor.u32 v2, v3  }
0x2a: {  	v2 =	vperm.xlane v2, v0;
	_ =	sdelay $0x1  }
0x2b: {  	v2 =	vadd.s32 v1, v2;
	_ =	sdelay $0x3  }
0x2c: {  	s28 =	simm.s32 $0x1000  }
0x2d: {  	[tilespmem:s28], [sflag:$0x1] =	stream.indirect_vreg.gather [hbm4b:s1+s3], $0x80, v2, vm0, $0xb8;
	[tilespmem:$0x11800] =	vst v63  }
0x2e: {  	s29 =	simm.s32 $0x1800  }
0x2f: {  	[tilespmem:s29], [sflag:$0x1] =	stream.indirect_vreg.gather [hbm4b:s6+s3], $0x80, v2, vm0, $0xb8;
	[tilespmem:$0x11800] =	vst v63  }
0x30: {  	s9 =	simm.s32 $0x2000  }
0x31: {  	[tilespmem:s9], [sflag:$0x1] =	stream.indirect_vreg.gather [hbm4b:s7+s3], $0x80, v2, vm0, $0xb8;
	[tilespmem:$0x11800] =	vst v63  }
0x32: {  	s10 =	simm.s32 $0x2800  }
0x33: {  	[tilespmem:s10], [sflag:$0x1] =	stream.indirect_vreg.gather [hbm4b:s8+s3], $0x80, v2, vm0, $0xb8;
	[tilespmem:$0x11800] =	vst v63  }
0x34: {  	v2 =	vld.msk [tilespmem:$0x8], $0xff;
	_ =	sdelay $0x4  }
0x35: {  	v3 =	vshll.u32 v2, $0x3  }
0x36: {  	v2 =	vand.u32 $0x7, v2;
	v3 =	vand.u32 $0xFFFFFFC0, v3  }
0x37: {  	v2 =	vor.u32 v2, v3  }
0x38: {  	v2 =	vperm.xlane v2, v0;
	_ =	sdelay $0x1  }
0x39: {  	v2 =	vadd.s32 v1, v2;
	_ =	sdelay $0x3  }
0x3a: {  	s26 =	simm.s32 $0x3000  }
0x3b: {  	[tilespmem:s26], [sflag:$0x2] =	stream.indirect_vreg.gather [hbm4b:s1+s3], $0x80, v2, vm0, $0xb8;
	[tilespmem:$0x11800] =	vst v63  }
0x3c: {  	s28 =	simm.s32 $0x3800  }
0x3d: {  	[tilespmem:s28], [sflag:$0x2] =	stream.indirect_vreg.gather [hbm4b:s6+s3], $0x80, v2, vm0, $0xb8;
	[tilespmem:$0x11800] =	vst v63  }
0x3e: {  	s29 =	simm.s32 $0x4000  }
0x3f: {  	[tilespmem:s29], [sflag:$0x2] =	stream.indirect_vreg.gather [hbm4b:s7+s3], $0x80, v2, vm0, $0xb8;
	[tilespmem:$0x11800] =	vst v63  }
0x40: {  	s9 =	simm.s32 $0x4800  }
0x41: {  	[tilespmem:s9], [sflag:$0x2] =	stream.indirect_vreg.gather [hbm4b:s8+s3], $0x80, v2, vm0, $0xb8;
	[tilespmem:$0x11800] =	vst v63  }
0x42: {  	v2 =	vld.msk [tilespmem:$0x10], $0xff;
	_ =	sdelay $0x4  }
0x43: {  	v3 =	vshll.u32 v2, $0x3  }
0x44: {  	v2 =	vand.u32 $0x7, v2;
	v3 =	vand.u32 $0xFFFFFFC0, v3  }
0x45: {  	v2 =	vor.u32 v2, v3  }
0x46: {  	v2 =	vperm.xlane v2, v0;
	_ =	sdelay $0x1  }
0x47: {  	v2 =	vadd.s32 v1, v2;
	_ =	sdelay $0x3  }
0x48: {  	s10 =	simm.s32 $0x5000  }
0x49: {  	[tilespmem:s10], [sflag:$0x3] =	stream.indirect_vreg.gather [hbm4b:s1+s3], $0x80, v2, vm0, $0xb8;
	[tilespmem:$0x11800] =	vst v63  }
0x4a: {  	s26 =	simm.s32 $0x5800  }
0x4b: {  	[tilespmem:s26], [sflag:$0x3] =	stream.indirect_vreg.gather [hbm4b:s6+s3], $0x80, v2, vm0, $0xb8;
	[tilespmem:$0x11800] =	vst v63  }
0x4c: {  	s28 =	simm.s32 $0x6000  }
0x4d: {  	[tilespmem:s28], [sflag:$0x3] =	stream.indirect_vreg.gather [hbm4b:s7+s3], $0x80, v2, vm0, $0xb8;
	[tilespmem:$0x11800] =	vst v63  }
0x4e: {  	s29 =	simm.s32 $0x6800  }
0x4f: {  	[tilespmem:s29], [sflag:$0x3] =	stream.indirect_vreg.gather [hbm4b:s8+s3], $0x80, v2, vm0, $0xb8;
	[tilespmem:$0x11800] =	vst v63  }
0x50: {  	v2 =	vld.msk [tilespmem:$0x18], $0xff;
	_ =	sdelay $0x4  }
0x51: {  	v3 =	vshll.u32 v2, $0x3  }
0x52: {  	v2 =	vand.u32 $0x7, v2;
	v3 =	vand.u32 $0xFFFFFFC0, v3  }
0x53: {  	v2 =	vor.u32 v2, v3  }
0x54: {  	v2 =	vperm.xlane v2, v0;
	_ =	sdelay $0x1  }
0x55: {  	v2 =	vadd.s32 v1, v2;
	_ =	sdelay $0x3  }
0x56: {  	s9 =	simm.s32 $0x7000  }
0x57: {  	[tilespmem:s9], [sflag:$0x4] =	stream.indirect_vreg.gather [hbm4b:s1+s3], $0x80, v2, vm0, $0xb8;
	[tilespmem:$0x11800] =	vst v63  }
0x58: {  	s10 =	simm.s32 $0x7800  }
0x59: {  	[tilespmem:s10], [sflag:$0x4] =	stream.indirect_vreg.gather [hbm4b:s6+s3], $0x80, v2, vm0, $0xb8;
	[tilespmem:$0x11800] =	vst v63  }
0x5a: {  	s26 =	simm.s32 $0x8000  }
0x5b: {  	[tilespmem:s26], [sflag:$0x4] =	stream.indirect_vreg.gather [hbm4b:s7+s3], $0x80, v2, vm0, $0xb8;
	[tilespmem:$0x11800] =	vst v63  }
0x5c: {  	s28 =	simm.s32 $0x8800  }
0x5d: {  	[tilespmem:s28], [sflag:$0x4] =	stream.indirect_vreg.gather [hbm4b:s8+s3], $0x80, v2, vm0, $0xb8;
	[tilespmem:$0x11800] =	vst v63  }
0x5e: {  	v2 =	vld.msk [tilespmem:$0x20], $0xff;
	_ =	sdelay $0x4  }
0x5f: {  	v3 =	vshll.u32 v2, $0x3  }
0x60: {  	v2 =	vand.u32 $0x7, v2;
	v3 =	vand.u32 $0xFFFFFFC0, v3  }
0x61: {  	v2 =	vor.u32 v2, v3  }
0x62: {  	v2 =	vperm.xlane v2, v0;
	_ =	sdelay $0x1  }
0x63: {  	v2 =	vadd.s32 v1, v2;
	_ =	sdelay $0x3  }
0x64: {  	s29 =	simm.s32 $0x9000  }
0x65: {  	[tilespmem:s29], [sflag:$0x5] =	stream.indirect_vreg.gather [hbm4b:s1+s3], $0x80, v2, vm0, $0xb8;
	[tilespmem:$0x11800] =	vst v63  }
0x66: {  	s9 =	simm.s32 $0x9800  }
0x67: {  	[tilespmem:s9], [sflag:$0x5] =	stream.indirect_vreg.gather [hbm4b:s6+s3], $0x80, v2, vm0, $0xb8;
	[tilespmem:$0x11800] =	vst v63  }
0x68: {  	s10 =	simm.s32 $0xA000  }
0x69: {  	[tilespmem:s10], [sflag:$0x5] =	stream.indirect_vreg.gather [hbm4b:s7+s3], $0x80, v2, vm0, $0xb8;
	[tilespmem:$0x11800] =	vst v63  }
0x6a: {  	s26 =	simm.s32 $0xA800  }
0x6b: {  	[tilespmem:s26], [sflag:$0x5] =	stream.indirect_vreg.gather [hbm4b:s8+s3], $0x80, v2, vm0, $0xb8;
	[tilespmem:$0x11800] =	vst v63  }
0x6c: {  	v2 =	vld.msk [tilespmem:$0x28], $0xff;
	_ =	sdelay $0x4  }
0x6d: {  	v3 =	vshll.u32 v2, $0x3  }
0x6e: {  	v2 =	vand.u32 $0x7, v2;
	v3 =	vand.u32 $0xFFFFFFC0, v3  }
0x6f: {  	v2 =	vor.u32 v2, v3  }
0x70: {  	v2 =	vperm.xlane v2, v0;
	_ =	sdelay $0x1  }
0x71: {  	v2 =	vadd.s32 v1, v2;
	_ =	sdelay $0x3  }
0x72: {  	s28 =	simm.s32 $0xB000  }
0x73: {  	[tilespmem:s28], [sflag:$0x6] =	stream.indirect_vreg.gather [hbm4b:s1+s3], $0x80, v2, vm0, $0xb8;
	[tilespmem:$0x11800] =	vst v63  }
0x74: {  	s29 =	simm.s32 $0xB800  }
0x75: {  	[tilespmem:s29], [sflag:$0x6] =	stream.indirect_vreg.gather [hbm4b:s6+s3], $0x80, v2, vm0, $0xb8;
	[tilespmem:$0x11800] =	vst v63  }
0x76: {  	s9 =	simm.s32 $0xC000  }
0x77: {  	[tilespmem:s9], [sflag:$0x6] =	stream.indirect_vreg.gather [hbm4b:s7+s3], $0x80, v2, vm0, $0xb8;
	[tilespmem:$0x11800] =	vst v63  }
0x78: {  	s10 =	simm.s32 $0xC800  }
0x79: {  	[tilespmem:s10], [sflag:$0x6] =	stream.indirect_vreg.gather [hbm4b:s8+s3], $0x80, v2, vm0, $0xb8;
	[tilespmem:$0x11800] =	vst v63  }
0x7a: {  	v2 =	vld.msk [tilespmem:$0x30], $0xff;
	_ =	sdelay $0x4  }
0x7b: {  	v3 =	vshll.u32 v2, $0x3  }
0x7c: {  	v2 =	vand.u32 $0x7, v2;
	v3 =	vand.u32 $0xFFFFFFC0, v3  }
0x7d: {  	v2 =	vor.u32 v2, v3  }
0x7e: {  	v2 =	vperm.xlane v2, v0;
	_ =	sdelay $0x1  }
0x7f: {  	v2 =	vadd.s32 v1, v2;
	_ =	sdelay $0x3  }
0x80: {  	s26 =	simm.s32 $0xD000  }
0x81: {  	[tilespmem:s26], [sflag:$0x7] =	stream.indirect_vreg.gather [hbm4b:s1+s3], $0x80, v2, vm0, $0xb8;
	[tilespmem:$0x11800] =	vst v63  }
0x82: {  	s28 =	simm.s32 $0xD800  }
0x83: {  	[tilespmem:s28], [sflag:$0x7] =	stream.indirect_vreg.gather [hbm4b:s6+s3], $0x80, v2, vm0, $0xb8;
	[tilespmem:$0x11800] =	vst v63  }
0x84: {  	s29 =	simm.s32 $0xE000  }
0x85: {  	[tilespmem:s29], [sflag:$0x7] =	stream.indirect_vreg.gather [hbm4b:s7+s3], $0x80, v2, vm0, $0xb8;
	[tilespmem:$0x11800] =	vst v63  }
0x86: {  	s9 =	simm.s32 $0xE800  }
0x87: {  	[tilespmem:s9], [sflag:$0x7] =	stream.indirect_vreg.gather [hbm4b:s8+s3], $0x80, v2, vm0, $0xb8;
	[tilespmem:$0x11800] =	vst v63  }
0x88: {  	v2 =	vld.msk [tilespmem:$0x38], $0xff;
	_ =	sdelay $0x4  }
0x89: {  	v3 =	vshll.u32 v2, $0x3  }
0x8a: {  	v2 =	vand.u32 $0x7, v2;
	v3 =	vand.u32 $0xFFFFFFC0, v3  }
0x8b: {  	v2 =	vor.u32 v2, v3  }
0x8c: {  	v2 =	vperm.xlane v2, v0;
	_ =	sdelay $0x1  }
0x8d: {  	v2 =	vadd.s32 v1, v2;
	_ =	sdelay $0x3  }
0x8e: {  	s10 =	simm.s32 $0xF000  }
0x8f: {  	[tilespmem:s10], [sflag:$0x8] =	stream.indirect_vreg.gather [hbm4b:s1+s3], $0x80, v2, vm0, $0xb8;
	[tilespmem:$0x11800] =	vst v63  }
0x90: {  	s26 =	simm.s32 $0xF800  }
0x91: {  	[tilespmem:s26], [sflag:$0x8] =	stream.indirect_vreg.gather [hbm4b:s6+s3], $0x80, v2, vm0, $0xb8;
	[tilespmem:$0x11800] =	vst v63  }
0x92: {  	s28 =	simm.s32 $0x10000  }
0x93: {  	[tilespmem:s28], [sflag:$0x8] =	stream.indirect_vreg.gather [hbm4b:s7+s3], $0x80, v2, vm0, $0xb8;
	[tilespmem:$0x11800] =	vst v63  }
0x94: {  	s29 =	simm.s32 $0x10800;
	s26 =	simm.s32 $0x0  }
0x95: {  	[tilespmem:s29], [sflag:$0x8] =	stream.indirect_vreg.gather [hbm4b:s8+s3], $0x80, v2, vm0, $0xb8;
	[tilespmem:$0x11800] =	vst v63  }
.LBB2_2:
0x96: {  	_ =	swait.ge [sflag:s30], $0x2000  }
0x97: {  	p0 =	seq.s32 s26, $0x0;
	[sflag:s30] =	ssyncset.done $0x0  }
0x98: {  	s4 =	simm.s32 @!p0 $0x9;
	[sflag:s30] =	ssyncadd.s32 $0xFFFFE000  }
0x99: {  	_ =	swait.ge @!p0 [sflag:s4], $0x400  }
0x9a: {  	[sflag:s4] =	ssyncset.done @!p0 $0x0  }
0x9b: {  	s9 =	simm.s32 $0x1200;
	[sflag:s4] =	ssyncadd.s32 @!p0 $0xFFFFFC00  }
0x9c: {  	v3 =	vld [tilespmem:s9+$0xFFFFFE70]  }
0x9d: {  	v4 =	vld [tilespmem:s9+$0xFFFFFEF0]  }
0x9e: {  	v5 =	vld [tilespmem:s9+$0xFFFFFF70]  }
0x9f: {  	v6 =	vld [tilespmem:s9+$0xFFFFFFF0]  }
0xa0: {  	v7 =	vld [tilespmem:s9+$0x70]  }
0xa1: {  	v8 =	vld [tilespmem:s9+$0xF0]  }
0xa2: {  	v9 =	vld [tilespmem:s9+$0x170]  }
0xa3: {  	v10 =	vld [tilespmem:s9+$0x1F0]  }
0xa4: {  	v2 =	vld [tilespmem:s9+$0xFFFFFE80]  }
0xa5: {  	v11 =	vld [tilespmem:s9+$0xFFFFFF00]  }
0xa6: {  	v12 =	vld [tilespmem:s9+$0xFFFFFF80]  }
0xa7: {  	v13 =	vld [tilespmem:s9+$0x0]  }
0xa8: {  	v14 =	vld [tilespmem:s9+$0x80]  }
0xa9: {  	v15 =	vld [tilespmem:s9+$0x100]  }
0xaa: {  	v16 =	vld [tilespmem:s9+$0x180]  }
0xab: {  	v17 =	vld [tilespmem:s9+$0xFFFFFE10]  }
0xac: {  	v18 =	vld [tilespmem:s9+$0xFFFFFE90]  }
0xad: {  	v19 =	vld [tilespmem:s9+$0xFFFFFF10]  }
0xae: {  	v20 =	vld [tilespmem:s9+$0xFFFFFF90]  }
0xaf: {  	v21 =	vld [tilespmem:s9+$0x10]  }
0xb0: {  	v22 =	vld [tilespmem:s9+$0x90]  }
0xb1: {  	v23 =	vld [tilespmem:s9+$0x110]  }
0xb2: {  	v24 =	vld [tilespmem:s9+$0x190]  }
0xb3: {  	v25 =	vld [tilespmem:s9+$0xFFFFFE20]  }
0xb4: {  	v26 =	vld [tilespmem:s9+$0xFFFFFEA0]  }
0xb5: {  	v27 =	vld [tilespmem:s9+$0xFFFFFF20]  }
0xb6: {  	v28 =	vld [tilespmem:s9+$0xFFFFFFA0]  }
0xb7: {  	v29 =	vld [tilespmem:s9+$0x20]  }
0xb8: {  	v30 =	vld [tilespmem:s9+$0xA0]  }
0xb9: {  	v31 =	vld [tilespmem:s9+$0x120]  }
0xba: {  	v32 =	vld [tilespmem:s9+$0x1A0]  }
0xbb: {  	v33 =	vld [tilespmem:s9+$0xFFFFFE30]  }
0xbc: {  	v34 =	vld [tilespmem:s9+$0xFFFFFEB0]  }
0xbd: {  	v35 =	vld [tilespmem:s9+$0xFFFFFF30]  }
0xbe: {  	v36 =	vld [tilespmem:s9+$0xFFFFFFB0]  }
0xbf: {  	v37 =	vld [tilespmem:s9+$0x30]  }
0xc0: {  	v38 =	vld [tilespmem:s9+$0xB0]  }
0xc1: {  	v39 =	vld [tilespmem:s9+$0x130]  }
0xc2: {  	v63 =	vld [tilespmem:s9+$0x140]  }
0xc3: {  	v42 =	vld [tilespmem:s9+$0x1C0]  }
0xc4: {  	v45 =	vld [tilespmem:s9+$0xFFFFFE50];
	v3 =	vadd.f32 v4, v3;
	v4 =	vadd.f32 v6, v5  }
0xc5: {  	v48 =	vld [tilespmem:s9+$0xFFFFFED0];
	v6 =	vadd.f32 v8, v7;
	v7 =	vadd.f32 v10, v9  }
0xc6: {  	v49 =	vld [tilespmem:s9+$0xFFFFFF50];
	v40 =	vadd.f32 v22, v21;
	v41 =	vadd.f32 v24, v23  }
0xc7: {  	v53 =	vld [tilespmem:s9+$0x50];
	v43 =	vadd.f32 v26, v25;
	v44 =	vadd.f32 v28, v27  }
0xc8: {  	v55 =	vld [tilespmem:s9+$0xD0];
	v46 =	vadd.f32 v30, v29;
	v47 =	vadd.f32 v32, v31  }
0xc9: {  	v5 =	vld [tilespmem:s9+$0x1B0];
	v54 =	vadd.f32 v36, v35;
	v56 =	vadd.f32 v38, v37  }
0xca: {  	v8 =	vld [tilespmem:s9+$0xFFFFFE40];
	v4 =	vadd.f32 v4, v3;
	v6 =	vadd.f32 v7, v6  }
0xcb: {  	v9 =	vld [tilespmem:s9+$0xFFFFFEC0];
	v3 =	vadd.f32 v12, v11;
	v11 =	vadd.f32 v14, v13  }
0xcc: {  	v10 =	vld [tilespmem:s9+$0xFFFFFFC0];
	v12 =	vadd.f32 v16, v15;
	v14 =	vadd.f32 v18, v17  }
0xcd: {  	v7 =	vld [tilespmem:s9+$0xFFFFFF40];
	v15 =	vadd.f32 v20, v19;
	v50 =	vadd.f32 v44, v43  }
0xce: {  	v13 =	vld [tilespmem:s9+$0xC0];
	v51 =	vadd.f32 v47, v46;
	v4 =	vadd.f32 v6, v4  }
0xcf: {  	v6 =	vld [tilespmem:s9+$0x40];
	v14 =	vadd.f32 v15, v14;
	v15 =	vadd.f32 v41, v40  }
0xd0: {  	v52 =	vld [tilespmem:s9+$0xFFFFFFD0];
	v18 =	vadd.f32 v51, v50;
	v5 =	vadd.f32 v5, v39  }
0xd1: {  	s29 =	simm.s32 $0x11040;
	v57 =	vld [tilespmem:s9+$0x150];
	v8 =	vadd.f32 v9, v8;
	v14 =	vadd.f32 v15, v14  }
0xd2: {  	v9 =	vld [tilespmem:s9+$0x1D0];
	v15 =	vadd.f32 v34, v33;
	[tilespmem:s29+$0x30] =	vst v4;
	v4 =	vadd.f32 v55, v53  }
0xd3: {  	v59 =	vld [tilespmem:s9+$0xFFFFFEE0];
	v7 =	vadd.f32 v10, v7;
	v10 =	vadd.f32 v42, v63  }
0xd4: {  	v60 =	vld [tilespmem:s9+$0xFFFFFF60];
	v58 =	vadd.f32 v5, v56;
	v6 =	vadd.f32 v13, v6  }
0xd5: {  	v61 =	vld [tilespmem:s9+$0xFFFFFFE0];
	v15 =	vadd.f32 v54, v15;
	v7 =	vadd.f32 v7, v8  }
0xd6: {  	v13 =	vld [tilespmem:s9+$0xFFFFFE60];
	v8 =	vadd.f32 v48, v45;
	v6 =	vadd.f32 v10, v6  }
0xd7: {  	v5 =	vld [tilespmem:s9+$0x60];
	v9 =	vadd.f32 v9, v57;
	v10 =	vadd.f32 v52, v49  }
0xd8: {  	[tilespmem:s29+$0xFFFFFFD0] =	vst v14;
	v14 =	vadd.f32 v58, v15;
	v15 =	vadd.f32 v6, v7;
	v6 =	vld [tilespmem:s9+$0xE0]  }
0xd9: {  	[tilespmem:s29+$0xFFFFFFE0] =	vst v18;
	v63 =	vadd.f32 v9, v4;
	v9 =	vld [tilespmem:s9+$0x1E0];
	v62 =	vadd.f32 v10, v8  }
0xda: {  	v4 =	vadd.f32 v12, v11;
	[tilespmem:s29+$0xFFFFFFF0] =	vst v14;
	v12 =	vadd.f32 v61, v60;
	v7 =	vld [tilespmem:s9+$0x160]  }
0xdb: {  	s28 =	simm.s32 $0x0;
	s4 =	sshll.u32 s26, $0xA;
	v10 =	vld [tilespmem:s9+$0xFFFFFE00];
	s9 =	simm.s32 $0x1600;
	v8 =	vadd.f32 v59, v13;
	[tilespmem:s29+$0x0] =	vst v15;
	v11 =	vadd.f32 v63, v62  }
.LBB2_3:
0xdc: {  	v13 =	vld [tilespmem:s9+$0xFFFFFE70]  }
0xdd: {  	v14 =	vld [tilespmem:s9+$0xFFFFFEF0];
	[tilespmem:s29+$0x10] =	vst v11;
	v5 =	vadd.f32 v6, v5;
	v6 =	vadd.f32 v12, v8  }
0xde: {  	v8 =	vld [tilespmem:s9+$0xFFFFFF70]  }
0xdf: {  	v11 =	vld [tilespmem:s9+$0xFFFFFFF0];
	v7 =	vadd.f32 v9, v7  }
0xe0: {  	v9 =	vld [tilespmem:s9+$0x70];
	v2 =	vadd.f32 v2, v10  }
0xe1: {  	v10 =	vld [tilespmem:s9+$0xF0];
	v5 =	vadd.f32 v7, v5  }
0xe2: {  	v7 =	vld [tilespmem:s9+$0x170];
	v3 =	vadd.f32 v3, v2  }
0xe3: {  	s28 =	sadd.s32 $0x8, s28;
	v12 =	vld [tilespmem:s9+$0x1F0];
	v5 =	vadd.f32 v5, v6  }
0xe4: {  	p1 =	slt.u32 s28, $0x38;
	v2 =	vld [tilespmem:s9+$0xFFFFFE80];
	v3 =	vadd.f32 v4, v3  }
0xe5: {  	v4 =	vld [tilespmem:s9+$0xFFFFFF00];
	[tilespmem:s29+$0x20] =	vst v5  }
0xe6: {  	v5 =	vld [tilespmem:s9+$0xFFFFFF80];
	[tilespmem:s29+$0xFFFFFFC0] =	vst v3  }
0xe7: {  	v8 =	vadd.f32 v11, v8;
	v3 =	vadd.f32 v14, v13;
	v6 =	vld [tilespmem:s9+$0x0]  }
0xe8: {  	v9 =	vadd.f32 v10, v9;
	v11 =	vld [tilespmem:s9+$0x80];
	v7 =	vadd.f32 v12, v7  }
0xe9: {  	v10 =	vld [tilespmem:s9+$0x100]  }
0xea: {  	v8 =	vadd.f32 v8, v3;
	v12 =	vld [tilespmem:s9+$0x180];
	v7 =	vadd.f32 v7, v9  }
0xeb: {  	v3 =	vadd.f32 v5, v4;
	v5 =	vld [tilespmem:s9+$0xFFFFFE10]  }
0xec: {  	v9 =	vld [tilespmem:s9+$0xFFFFFE90];
	v4 =	vadd.f32 v7, v8  }
0xed: {  	s29 =	sadd.s32 $0x80, s29;
	v6 =	vadd.f32 v11, v6;
	v7 =	vld [tilespmem:s9+$0xFFFFFF10]  }
0xee: {  	v8 =	vld [tilespmem:s9+$0xFFFFFF90];
	[tilespmem:s29+$0x30] =	vst v4  }
0xef: {  	v4 =	vadd.f32 v12, v10;
	v10 =	vld [tilespmem:s9+$0x10]  }
0xf0: {  	v11 =	vld [tilespmem:s9+$0x90]  }
0xf1: {  	v4 =	vadd.f32 v4, v6;
	v6 =	vld [tilespmem:s9+$0x110];
	v5 =	vadd.f32 v9, v5  }
0xf2: {  	v9 =	vld [tilespmem:s9+$0x190]  }
0xf3: {  	v7 =	vadd.f32 v8, v7;
	v8 =	vld [tilespmem:s9+$0xFFFFFE20]  }
0xf4: {  	v12 =	vld [tilespmem:s9+$0xFFFFFEA0]  }
0xf5: {  	v10 =	vadd.f32 v11, v10;
	v5 =	vadd.f32 v7, v5;
	v7 =	vld [tilespmem:s9+$0xFFFFFF20]  }
0xf6: {  	v11 =	vld [tilespmem:s9+$0xFFFFFFA0]  }
0xf7: {  	v6 =	vadd.f32 v9, v6;
	v9 =	vld [tilespmem:s9+$0x20]  }
0xf8: {  	v13 =	vld [tilespmem:s9+$0xA0]  }
0xf9: {  	v6 =	vadd.f32 v6, v10;
	v10 =	vld [tilespmem:s9+$0x120];
	v8 =	vadd.f32 v12, v8  }
0xfa: {  	v12 =	vld [tilespmem:s9+$0x1A0]  }
0xfb: {  	v5 =	vadd.f32 v6, v5;
	v6 =	vadd.f32 v11, v7;
	v7 =	vld [tilespmem:s9+$0xFFFFFE30]  }
0xfc: {  	v11 =	vld [tilespmem:s9+$0xFFFFFEB0]  }
0xfd: {  	[tilespmem:s29+$0xFFFFFFD0] =	vst v5;
	v5 =	vadd.f32 v13, v9;
	v6 =	vadd.f32 v6, v8;
	v8 =	vld [tilespmem:s9+$0xFFFFFF30]  }
0xfe: {  	v9 =	vld [tilespmem:s9+$0xFFFFFFB0]  }
0xff: {  	v10 =	vadd.f32 v12, v10;
	v12 =	vld [tilespmem:s9+$0x30]  }
0x100: {  	v13 =	vld [tilespmem:s9+$0xB0]  }
0x101: {  	v5 =	vadd.f32 v10, v5;
	v10 =	vld [tilespmem:s9+$0x130];
	v7 =	vadd.f32 v11, v7  }
0x102: {  	v11 =	vld [tilespmem:s9+$0x1B0]  }
0x103: {  	v5 =	vadd.f32 v5, v6;
	v6 =	vadd.f32 v9, v8;
	v8 =	vld [tilespmem:s9+$0xFFFFFE40]  }
0x104: {  	v9 =	vld [tilespmem:s9+$0xFFFFFEC0]  }
0x105: {  	[tilespmem:s29+$0xFFFFFFE0] =	vst v5;
	v5 =	vadd.f32 v13, v12;
	v6 =	vadd.f32 v6, v7;
	v7 =	vld [tilespmem:s9+$0xFFFFFF40]  }
0x106: {  	v12 =	vld [tilespmem:s9+$0xFFFFFFC0]  }
0x107: {  	v10 =	vadd.f32 v11, v10;
	v11 =	vld [tilespmem:s9+$0x40]  }
0x108: {  	v13 =	vld [tilespmem:s9+$0xC0]  }
0x109: {  	v5 =	vadd.f32 v10, v5;
	v10 =	vld [tilespmem:s9+$0x140];
	v8 =	vadd.f32 v9, v8  }
0x10a: {  	v9 =	vld [tilespmem:s9+$0x1C0]  }
0x10b: {  	v5 =	vadd.f32 v5, v6;
	v6 =	vadd.f32 v12, v7;
	v7 =	vld [tilespmem:s9+$0xFFFFFE50]  }
0x10c: {  	v12 =	vld [tilespmem:s9+$0xFFFFFED0]  }
0x10d: {  	[tilespmem:s29+$0xFFFFFFF0] =	vst v5;
	v5 =	vadd.f32 v13, v11;
	v6 =	vadd.f32 v6, v8;
	v8 =	vld [tilespmem:s9+$0xFFFFFF50]  }
0x10e: {  	v11 =	vld [tilespmem:s9+$0xFFFFFFD0]  }
0x10f: {  	v9 =	vadd.f32 v9, v10;
	v10 =	vld [tilespmem:s9+$0x50]  }
0x110: {  	v13 =	vld [tilespmem:s9+$0xD0]  }
0x111: {  	v5 =	vadd.f32 v9, v5;
	v9 =	vld [tilespmem:s9+$0x150];
	v7 =	vadd.f32 v12, v7  }
0x112: {  	v12 =	vld [tilespmem:s9+$0x1D0]  }
0x113: {  	v5 =	vadd.f32 v5, v6;
	v6 =	vadd.f32 v11, v8;
	v8 =	vld [tilespmem:s9+$0xFFFFFE60]  }
0x114: {  	v11 =	vld [tilespmem:s9+$0xFFFFFEE0]  }
0x115: {  	[tilespmem:s29+$0x0] =	vst v5;
	v10 =	vadd.f32 v13, v10;
	v13 =	vadd.f32 v6, v7;
	v14 =	vld [tilespmem:s9+$0xFFFFFF60]  }
0x116: {  	v15 =	vld [tilespmem:s9+$0xFFFFFFE0]  }
.Ltmp2:
0x117: {  	v7 =	vadd.f32 v12, v9;
	v5 =	vld [tilespmem:s9+$0x60];
	(pc) =	sbr.rel @p1 .LBB2_3-.Ltmp2, $4  }
0x118: {  	v6 =	vld [tilespmem:s9+$0xE0]  }
0x119: {  	v12 =	vadd.f32 v7, v10;
	v7 =	vld [tilespmem:s9+$0x160];
	v8 =	vadd.f32 v11, v8  }
0x11a: {  	v9 =	vld [tilespmem:s9+$0x1E0]  }
0x11b: {  	v10 =	vld [tilespmem:s9+$0xFFFFFE00];
	v11 =	vadd.f32 v12, v13;
	v12 =	vadd.f32 v15, v14;
	s9 =	sadd.s32 $0x400, s9  }
0x11c: {  	_ =	sdelay $0x2  }
0x11d: {  	v5 =	vadd.f32 v6, v5;
	v62 =	vadd.f32 v9, v7  }
0x11e: {  	v2 =	vadd.f32 v2, v10  }
0x11f: {  	v63 =	vadd.f32 v12, v8;
	v5 =	vadd.f32 v62, v5  }
0x120: {  	v2 =	vadd.f32 v3, v2  }
0x121: {  	v3 =	vadd.f32 v5, v63  }
0x122: {  	p1 =	sne.s32 s26, $0x3F;
	[tilespmem:s29+$0x10] =	vst v11;
	v2 =	vadd.f32 v4, v2  }
.Ltmp3:
0x123: {  	[tilespmem:s29+$0x20] =	vst v3;
	(pc) =	sbr.rel @p1 .LBB2_6-.Ltmp3, $4  }
0x124: {  	s9 =	rddreg [dreg:$0x6];
	[tilespmem:s29+$0xFFFFFFC0] =	vst v2  }
0x125: {  	s28 =	sadd.s32 s9, s4;
	s29 =	rddreg [dreg:$0x4]  }
0x126: {  	s4 =	sadd.s32 s29, s28  }
0x127: {  	[hbm4b:s4+s18] =	stream.strided.scatter [tilespmem:s31], [sflag:$0x9], $0x400, s19, s18, $0x38;
	[tilespmem:$0x11800] =	vst v63  }
.Ltmp4:
0x128: {  	(pc) =	sbr.rel .LBB2_7-.Ltmp4, $4  }
0x129: {  	_ = 	snop  }
0x12a: {  	_ =	swait.ge [sflag:s0], $0x2000  }
0x12b: {  	[sflag:s0] =	ssyncset.done $0x0  }
0x12c: {  	[sflag:s0] =	ssyncadd.s32 $0xFFFFE000  }
.LBB2_6:
0x12d: {  	s4 =	sshll.u32 s26, $0x6  }
0x12e: {  	s4 =	sand.u32 $0x3FFFFFC0, s4  }
0x12f: {  	v2 =	vld.msk [tilespmem:s4+$0x40], $0xff;
	_ =	sdelay $0x4  }
0x130: {  	v3 =	vshll.u32 v2, $0x3  }
0x131: {  	v2 =	vand.u32 $0x7, v2;
	v3 =	vand.u32 $0xFFFFFFC0, v3  }
0x132: {  	v2 =	vor.u32 v2, v3  }
0x133: {  	v2 =	vperm.xlane v2, v0;
	_ =	sdelay $0x1  }
0x134: {  	v2 =	vadd.s32 v1, v2;
	_ =	sdelay $0x3  }
0x135: {  	s29 =	simm.s32 $0x1000  }
0x136: {  	[tilespmem:s29], [sflag:$0x1] =	stream.indirect_vreg.gather [hbm4b:s1+s3], $0x80, v2, vm0, $0xb8;
	[tilespmem:$0x11800] =	vst v63  }
0x137: {  	s9 =	simm.s32 $0x1800  }
0x138: {  	[tilespmem:s9], [sflag:$0x1] =	stream.indirect_vreg.gather [hbm4b:s6+s3], $0x80, v2, vm0, $0xb8;
	[tilespmem:$0x11800] =	vst v63  }
0x139: {  	s10 =	simm.s32 $0x2000  }
0x13a: {  	[tilespmem:s10], [sflag:$0x1] =	stream.indirect_vreg.gather [hbm4b:s7+s3], $0x80, v2, vm0, $0xb8;
	[tilespmem:$0x11800] =	vst v63  }
.Ltmp5:
0x13b: {  	s29 =	simm.s32 $0x2800;
	(pc) =	sbr.rel @p0 .LBB2_8-.Ltmp5, $4  }
0x13c: {  	[tilespmem:s29], [sflag:$0x1] =	stream.indirect_vreg.gather [hbm4b:s8+s3], $0x80, v2, vm0, $0xb8;
	[tilespmem:$0x11800] =	vst v63  }
0x13d: {  	_ =	swait.ge [sflag:s0], $0x2000  }
0x13e: {  	[sflag:s0] =	ssyncset.done $0x0  }
0x13f: {  	[sflag:s0] =	ssyncadd.s32 $0xFFFFE000  }
.LBB2_7:
0x140: {  	_ =	swait.ge [sflag:s2], $0x400  }
0x141: {  	[sflag:s2] =	ssyncset.done $0x0  }
0x142: {  	[sflag:s2] =	ssyncadd.s32 $0xFFFFFC00  }
.LBB2_8:
0x143: {  	s9 =	simm.s32 $0x3200  }
0x144: {  	v3 =	vld [tilespmem:s9+$0xFFFFFE70]  }
0x145: {  	v4 =	vld [tilespmem:s9+$0xFFFFFEF0]  }
0x146: {  	v5 =	vld [tilespmem:s9+$0xFFFFFF70]  }
0x147: {  	v6 =	vld [tilespmem:s9+$0xFFFFFFF0]  }
0x148: {  	v7 =	vld [tilespmem:s9+$0x70]  }
0x149: {  	v8 =	vld [tilespmem:s9+$0xF0]  }
0x14a: {  	v9 =	vld [tilespmem:s9+$0x170]  }
0x14b: {  	v10 =	vld [tilespmem:s9+$0x1F0]  }
0x14c: {  	v2 =	vld [tilespmem:s9+$0xFFFFFE80]  }
0x14d: {  	v11 =	vld [tilespmem:s9+$0xFFFFFF00]  }
0x14e: {  	v12 =	vld [tilespmem:s9+$0xFFFFFF80]  }
0x14f: {  	v13 =	vld [tilespmem:s9+$0x0]  }
0x150: {  	v14 =	vld [tilespmem:s9+$0x80]  }
0x151: {  	v15 =	vld [tilespmem:s9+$0x100]  }
0x152: {  	v16 =	vld [tilespmem:s9+$0x180]  }
0x153: {  	v17 =	vld [tilespmem:s9+$0xFFFFFE10]  }
0x154: {  	v18 =	vld [tilespmem:s9+$0xFFFFFE90]  }
0x155: {  	v19 =	vld [tilespmem:s9+$0xFFFFFF10]  }
0x156: {  	v20 =	vld [tilespmem:s9+$0xFFFFFF90]  }
0x157: {  	v21 =	vld [tilespmem:s9+$0x10]  }
0x158: {  	v22 =	vld [tilespmem:s9+$0x90]  }
0x159: {  	v23 =	vld [tilespmem:s9+$0x110]  }
0x15a: {  	v24 =	vld [tilespmem:s9+$0x190]  }
0x15b: {  	v25 =	vld [tilespmem:s9+$0xFFFFFE20]  }
0x15c: {  	v26 =	vld [tilespmem:s9+$0xFFFFFEA0]  }
0x15d: {  	v27 =	vld [tilespmem:s9+$0xFFFFFF20]  }
0x15e: {  	v28 =	vld [tilespmem:s9+$0xFFFFFFA0]  }
0x15f: {  	v29 =	vld [tilespmem:s9+$0x20]  }
0x160: {  	v30 =	vld [tilespmem:s9+$0xA0]  }
0x161: {  	v31 =	vld [tilespmem:s9+$0x120]  }
0x162: {  	v32 =	vld [tilespmem:s9+$0x1A0]  }
0x163: {  	v33 =	vld [tilespmem:s9+$0xFFFFFE30]  }
0x164: {  	v34 =	vld [tilespmem:s9+$0xFFFFFEB0]  }
0x165: {  	v35 =	vld [tilespmem:s9+$0xFFFFFF30]  }
0x166: {  	v36 =	vld [tilespmem:s9+$0xFFFFFFB0]  }
0x167: {  	v37 =	vld [tilespmem:s9+$0x30]  }
0x168: {  	v38 =	vld [tilespmem:s9+$0xB0]  }
0x169: {  	v39 =	vld [tilespmem:s9+$0x130]  }
0x16a: {  	v63 =	vld [tilespmem:s9+$0x140]  }
0x16b: {  	v42 =	vld [tilespmem:s9+$0x1C0]  }
0x16c: {  	v45 =	vld [tilespmem:s9+$0xFFFFFE50];
	v3 =	vadd.f32 v4, v3;
	v4 =	vadd.f32 v6, v5  }
0x16d: {  	v48 =	vld [tilespmem:s9+$0xFFFFFED0];
	v6 =	vadd.f32 v8, v7;
	v7 =	vadd.f32 v10, v9  }
0x16e: {  	v49 =	vld [tilespmem:s9+$0xFFFFFF50];
	v40 =	vadd.f32 v22, v21;
	v41 =	vadd.f32 v24, v23  }
0x16f: {  	v53 =	vld [tilespmem:s9+$0x50];
	v43 =	vadd.f32 v26, v25;
	v44 =	vadd.f32 v28, v27  }
0x170: {  	v55 =	vld [tilespmem:s9+$0xD0];
	v46 =	vadd.f32 v30, v29;
	v47 =	vadd.f32 v32, v31  }
0x171: {  	v5 =	vld [tilespmem:s9+$0x1B0];
	v54 =	vadd.f32 v36, v35;
	v56 =	vadd.f32 v38, v37  }
0x172: {  	v8 =	vld [tilespmem:s9+$0xFFFFFE40];
	v4 =	vadd.f32 v4, v3;
	v6 =	vadd.f32 v7, v6  }
0x173: {  	v9 =	vld [tilespmem:s9+$0xFFFFFEC0];
	v3 =	vadd.f32 v12, v11;
	v11 =	vadd.f32 v14, v13  }
0x174: {  	v10 =	vld [tilespmem:s9+$0xFFFFFFC0];
	v12 =	vadd.f32 v16, v15;
	v14 =	vadd.f32 v18, v17  }
0x175: {  	v7 =	vld [tilespmem:s9+$0xFFFFFF40];
	v15 =	vadd.f32 v20, v19;
	v50 =	vadd.f32 v44, v43  }
0x176: {  	v13 =	vld [tilespmem:s9+$0xC0];
	v51 =	vadd.f32 v47, v46;
	v4 =	vadd.f32 v6, v4  }
0x177: {  	v6 =	vld [tilespmem:s9+$0x40];
	v14 =	vadd.f32 v15, v14;
	v15 =	vadd.f32 v41, v40  }
0x178: {  	v52 =	vld [tilespmem:s9+$0xFFFFFFD0];
	v18 =	vadd.f32 v51, v50;
	v5 =	vadd.f32 v5, v39  }
0x179: {  	s29 =	simm.s32 $0x11440;
	v57 =	vld [tilespmem:s9+$0x150];
	v8 =	vadd.f32 v9, v8;
	v14 =	vadd.f32 v15, v14  }
0x17a: {  	v9 =	vld [tilespmem:s9+$0x1D0];
	v15 =	vadd.f32 v34, v33;
	[tilespmem:s29+$0x30] =	vst v4;
	v4 =	vadd.f32 v55, v53  }
0x17b: {  	v59 =	vld [tilespmem:s9+$0xFFFFFEE0];
	v7 =	vadd.f32 v10, v7;
	v10 =	vadd.f32 v42, v63  }
0x17c: {  	v60 =	vld [tilespmem:s9+$0xFFFFFF60];
	v58 =	vadd.f32 v5, v56;
	v6 =	vadd.f32 v13, v6  }
0x17d: {  	v61 =	vld [tilespmem:s9+$0xFFFFFFE0];
	v15 =	vadd.f32 v54, v15;
	v7 =	vadd.f32 v7, v8  }
0x17e: {  	v13 =	vld [tilespmem:s9+$0xFFFFFE60];
	v8 =	vadd.f32 v48, v45;
	v6 =	vadd.f32 v10, v6  }
0x17f: {  	v5 =	vld [tilespmem:s9+$0x60];
	v9 =	vadd.f32 v9, v57;
	v10 =	vadd.f32 v52, v49  }
0x180: {  	[tilespmem:s29+$0xFFFFFFD0] =	vst v14;
	v14 =	vadd.f32 v58, v15;
	v15 =	vadd.f32 v6, v7;
	v6 =	vld [tilespmem:s9+$0xE0]  }
0x181: {  	[tilespmem:s29+$0xFFFFFFE0] =	vst v18;
	v63 =	vadd.f32 v9, v4;
	v9 =	vld [tilespmem:s9+$0x1E0];
	v62 =	vadd.f32 v10, v8  }
0x182: {  	v4 =	vadd.f32 v12, v11;
	[tilespmem:s29+$0xFFFFFFF0] =	vst v14;
	v12 =	vadd.f32 v61, v60;
	v7 =	vld [tilespmem:s9+$0x160]  }
0x183: {  	s4 =	simm.s32 $0x0;
	v10 =	vld [tilespmem:s9+$0xFFFFFE00];
	s9 =	simm.s32 $0x3600;
	v8 =	vadd.f32 v59, v13;
	[tilespmem:s29+$0x0] =	vst v15;
	v11 =	vadd.f32 v63, v62  }
.LBB2_9:
0x184: {  	v13 =	vld [tilespmem:s9+$0xFFFFFE70]  }
0x185: {  	v14 =	vld [tilespmem:s9+$0xFFFFFEF0];
	[tilespmem:s29+$0x10] =	vst v11;
	v5 =	vadd.f32 v6, v5;
	v6 =	vadd.f32 v12, v8  }
0x186: {  	v8 =	vld [tilespmem:s9+$0xFFFFFF70]  }
0x187: {  	v11 =	vld [tilespmem:s9+$0xFFFFFFF0];
	v7 =	vadd.f32 v9, v7  }
0x188: {  	v9 =	vld [tilespmem:s9+$0x70];
	v2 =	vadd.f32 v2, v10  }
0x189: {  	v10 =	vld [tilespmem:s9+$0xF0];
	v5 =	vadd.f32 v7, v5  }
0x18a: {  	v7 =	vld [tilespmem:s9+$0x170];
	v3 =	vadd.f32 v3, v2  }
0x18b: {  	s4 =	sadd.s32 $0x8, s4;
	v12 =	vld [tilespmem:s9+$0x1F0];
	v5 =	vadd.f32 v5, v6  }
0x18c: {  	p0 =	slt.u32 s4, $0x38;
	v2 =	vld [tilespmem:s9+$0xFFFFFE80];
	v3 =	vadd.f32 v4, v3  }
0x18d: {  	v4 =	vld [tilespmem:s9+$0xFFFFFF00];
	[tilespmem:s29+$0x20] =	vst v5  }
0x18e: {  	v5 =	vld [tilespmem:s9+$0xFFFFFF80];
	[tilespmem:s29+$0xFFFFFFC0] =	vst v3  }
0x18f: {  	v8 =	vadd.f32 v11, v8;
	v3 =	vadd.f32 v14, v13;
	v6 =	vld [tilespmem:s9+$0x0]  }
0x190: {  	v9 =	vadd.f32 v10, v9;
	v11 =	vld [tilespmem:s9+$0x80];
	v7 =	vadd.f32 v12, v7  }
0x191: {  	v10 =	vld [tilespmem:s9+$0x100]  }
0x192: {  	v8 =	vadd.f32 v8, v3;
	v12 =	vld [tilespmem:s9+$0x180];
	v7 =	vadd.f32 v7, v9  }
0x193: {  	v3 =	vadd.f32 v5, v4;
	v5 =	vld [tilespmem:s9+$0xFFFFFE10]  }
0x194: {  	v9 =	vld [tilespmem:s9+$0xFFFFFE90];
	v4 =	vadd.f32 v7, v8  }
0x195: {  	s29 =	sadd.s32 $0x80, s29;
	v6 =	vadd.f32 v11, v6;
	v7 =	vld [tilespmem:s9+$0xFFFFFF10]  }
0x196: {  	v8 =	vld [tilespmem:s9+$0xFFFFFF90];
	[tilespmem:s29+$0x30] =	vst v4  }
0x197: {  	v4 =	vadd.f32 v12, v10;
	v10 =	vld [tilespmem:s9+$0x10]  }
0x198: {  	v11 =	vld [tilespmem:s9+$0x90]  }
0x199: {  	v4 =	vadd.f32 v4, v6;
	v6 =	vld [tilespmem:s9+$0x110];
	v5 =	vadd.f32 v9, v5  }
0x19a: {  	v9 =	vld [tilespmem:s9+$0x190]  }
0x19b: {  	v7 =	vadd.f32 v8, v7;
	v8 =	vld [tilespmem:s9+$0xFFFFFE20]  }
0x19c: {  	v12 =	vld [tilespmem:s9+$0xFFFFFEA0]  }
0x19d: {  	v10 =	vadd.f32 v11, v10;
	v5 =	vadd.f32 v7, v5;
	v7 =	vld [tilespmem:s9+$0xFFFFFF20]  }
0x19e: {  	v11 =	vld [tilespmem:s9+$0xFFFFFFA0]  }
0x19f: {  	v6 =	vadd.f32 v9, v6;
	v9 =	vld [tilespmem:s9+$0x20]  }
0x1a0: {  	v13 =	vld [tilespmem:s9+$0xA0]  }
0x1a1: {  	v6 =	vadd.f32 v6, v10;
	v10 =	vld [tilespmem:s9+$0x120];
	v8 =	vadd.f32 v12, v8  }
0x1a2: {  	v12 =	vld [tilespmem:s9+$0x1A0]  }
0x1a3: {  	v5 =	vadd.f32 v6, v5;
	v6 =	vadd.f32 v11, v7;
	v7 =	vld [tilespmem:s9+$0xFFFFFE30]  }
0x1a4: {  	v11 =	vld [tilespmem:s9+$0xFFFFFEB0]  }
0x1a5: {  	[tilespmem:s29+$0xFFFFFFD0] =	vst v5;
	v5 =	vadd.f32 v13, v9;
	v6 =	vadd.f32 v6, v8;
	v8 =	vld [tilespmem:s9+$0xFFFFFF30]  }
0x1a6: {  	v9 =	vld [tilespmem:s9+$0xFFFFFFB0]  }
0x1a7: {  	v10 =	vadd.f32 v12, v10;
	v12 =	vld [tilespmem:s9+$0x30]  }
0x1a8: {  	v13 =	vld [tilespmem:s9+$0xB0]  }
0x1a9: {  	v5 =	vadd.f32 v10, v5;
	v10 =	vld [tilespmem:s9+$0x130];
	v7 =	vadd.f32 v11, v7  }
0x1aa: {  	v11 =	vld [tilespmem:s9+$0x1B0]  }
0x1ab: {  	v5 =	vadd.f32 v5, v6;
	v6 =	vadd.f32 v9, v8;
	v8 =	vld [tilespmem:s9+$0xFFFFFE40]  }
0x1ac: {  	v9 =	vld [tilespmem:s9+$0xFFFFFEC0]  }
0x1ad: {  	[tilespmem:s29+$0xFFFFFFE0] =	vst v5;
	v5 =	vadd.f32 v13, v12;
	v6 =	vadd.f32 v6, v7;
	v7 =	vld [tilespmem:s9+$0xFFFFFF40]  }
0x1ae: {  	v12 =	vld [tilespmem:s9+$0xFFFFFFC0]  }
0x1af: {  	v10 =	vadd.f32 v11, v10;
	v11 =	vld [tilespmem:s9+$0x40]  }
0x1b0: {  	v13 =	vld [tilespmem:s9+$0xC0]  }
0x1b1: {  	v5 =	vadd.f32 v10, v5;
	v10 =	vld [tilespmem:s9+$0x140];
	v8 =	vadd.f32 v9, v8  }
0x1b2: {  	v9 =	vld [tilespmem:s9+$0x1C0]  }
0x1b3: {  	v5 =	vadd.f32 v5, v6;
	v6 =	vadd.f32 v12, v7;
	v7 =	vld [tilespmem:s9+$0xFFFFFE50]  }
0x1b4: {  	v12 =	vld [tilespmem:s9+$0xFFFFFED0]  }
0x1b5: {  	[tilespmem:s29+$0xFFFFFFF0] =	vst v5;
	v5 =	vadd.f32 v13, v11;
	v6 =	vadd.f32 v6, v8;
	v8 =	vld [tilespmem:s9+$0xFFFFFF50]  }
0x1b6: {  	v11 =	vld [tilespmem:s9+$0xFFFFFFD0]  }
0x1b7: {  	v9 =	vadd.f32 v9, v10;
	v10 =	vld [tilespmem:s9+$0x50]  }
0x1b8: {  	v13 =	vld [tilespmem:s9+$0xD0]  }
0x1b9: {  	v5 =	vadd.f32 v9, v5;
	v9 =	vld [tilespmem:s9+$0x150];
	v7 =	vadd.f32 v12, v7  }
0x1ba: {  	v12 =	vld [tilespmem:s9+$0x1D0]  }
0x1bb: {  	v5 =	vadd.f32 v5, v6;
	v6 =	vadd.f32 v11, v8;
	v8 =	vld [tilespmem:s9+$0xFFFFFE60]  }
0x1bc: {  	v11 =	vld [tilespmem:s9+$0xFFFFFEE0]  }
0x1bd: {  	[tilespmem:s29+$0x0] =	vst v5;
	v10 =	vadd.f32 v13, v10;
	v13 =	vadd.f32 v6, v7;
	v14 =	vld [tilespmem:s9+$0xFFFFFF60]  }
0x1be: {  	v15 =	vld [tilespmem:s9+$0xFFFFFFE0]  }
.Ltmp6:
0x1bf: {  	v7 =	vadd.f32 v12, v9;
	v5 =	vld [tilespmem:s9+$0x60];
	(pc) =	sbr.rel @p0 .LBB2_9-.Ltmp6, $4  }
0x1c0: {  	v6 =	vld [tilespmem:s9+$0xE0]  }
0x1c1: {  	v12 =	vadd.f32 v7, v10;
	v7 =	vld [tilespmem:s9+$0x160];
	v8 =	vadd.f32 v11, v8  }
0x1c2: {  	v9 =	vld [tilespmem:s9+$0x1E0]  }
0x1c3: {  	v10 =	vld [tilespmem:s9+$0xFFFFFE00];
	v11 =	vadd.f32 v12, v13;
	v12 =	vadd.f32 v15, v14;
	s9 =	sadd.s32 $0x400, s9  }
0x1c4: {  	_ =	sdelay $0x2  }
0x1c5: {  	v5 =	vadd.f32 v6, v5;
	v6 =	vadd.f32 v9, v7  }
0x1c6: {  	v2 =	vadd.f32 v2, v10  }
0x1c7: {  	v7 =	vadd.f32 v12, v8;
	v5 =	vadd.f32 v6, v5  }
0x1c8: {  	v2 =	vadd.f32 v3, v2  }
0x1c9: {  	v3 =	vadd.f32 v5, v7  }
0x1ca: {  	[tilespmem:s29+$0x10] =	vst v11;
	v2 =	vadd.f32 v4, v2  }
0x1cb: {  	[tilespmem:s29+$0x20] =	vst v3  }
0x1cc: {  	[tilespmem:s29+$0xFFFFFFC0] =	vst v2  }
0x1cd: {  	s4 =	rddreg [dreg:$0x7]  }
0x1ce: {  	p0 =	seq.s32 s26, $0x3F;
	s4 =	sadd.s32 s28, s4  }
0x1cf: {  	[hbm4b:s4+s18] =	stream.strided.scatter [tilespmem:s5], [sflag:$0xA], $0x400, s19, s18, $0x38;
	[tilespmem:$0x11800] =	vst v63  }
0x1d0: {  	s4 =	sshll.u32 @!p0 s26, $0x6  }
0x1d1: {  	s29 =	sand.u32 @!p0 $0x3FFFFFC0, s4  }
0x1d2: {  	v2 =	vld.msk @!p0 [tilespmem:s29+$0x48], $0xff;
	_ =	sdelay $0x4  }
0x1d3: {  	v3 =	vshll.u32 @!p0 v2, $0x3  }
0x1d4: {  	v4 =	vlaneseq.u32 @!p0;
	v2 =	vand.u32 @!p0 $0x7, v2;
	v3 =	vand.u32 @!p0 $0xFFFFFFC0, v3  }
0x1d5: {  	v2 =	vor.u32 @!p0 v2, v3;
	v3 =	vand.u32 @!p0 $0x7, v4;
	v4 =	vshrl.u32 @!p0 v4, $0x3  }
0x1d6: {  	v2 =	vperm.xlane @!p0 v2, v3;
	v3 =	vmul.u32 @!p0 $0x8, v4;
	_ =	sdelay $0x1  }
0x1d7: {  	v2 =	vadd.s32 @!p0 v3, v2;
	_ =	sdelay $0x3  }
0x1d8: {  	vm1 =	vmmov @!p0 $0xffff;
	s9 =	simm.s32 @!p0 $0x3000;
	s4 =	simm.s32 @!p0 $0x0  }
0x1d9: {  	[tilespmem:s9], [sflag:$0x2] =	stream.indirect_vreg.gather @!p0 [hbm4b:s1+s4], $0x80, v2, vm1, $0xb8;
	[tilespmem:$0x11800] =	vst v63  }
0x1da: {  	s9 =	simm.s32 @!p0 $0x3800  }
0x1db: {  	[tilespmem:s9], [sflag:$0x2] =	stream.indirect_vreg.gather @!p0 [hbm4b:s6+s4], $0x80, v2, vm1, $0xb8;
	[tilespmem:$0x11800] =	vst v63  }
0x1dc: {  	s9 =	simm.s32 @!p0 $0x4000  }
0x1dd: {  	[tilespmem:s9], [sflag:$0x2] =	stream.indirect_vreg.gather @!p0 [hbm4b:s7+s4], $0x80, v2, vm1, $0xb8;
	[tilespmem:$0x11800] =	vst v63  }
0x1de: {  	s9 =	simm.s32 @!p0 $0x4800  }
0x1df: {  	[tilespmem:s9], [sflag:$0x2] =	stream.indirect_vreg.gather @!p0 [hbm4b:s8+s4], $0x80, v2, vm1, $0xb8;
	[tilespmem:$0x11800] =	vst v63  }
0x1e0: {  	_ =	swait.ge [sflag:s17], $0x2000  }
0x1e1: {  	[sflag:s17] =	ssyncset.done $0x0  }
0x1e2: {  	[sflag:s17] =	ssyncadd.s32 $0xFFFFE000  }
0x1e3: {  	_ =	swait.ge [sflag:s20], $0x400  }
0x1e4: {  	[sflag:s20] =	ssyncset.done $0x0  }
0x1e5: {  	s10 =	simm.s32 $0x5200;
	[sflag:s20] =	ssyncadd.s32 $0xFFFFFC00  }
0x1e6: {  	v3 =	vld [tilespmem:s10+$0xFFFFFE70]  }
0x1e7: {  	v4 =	vld [tilespmem:s10+$0xFFFFFEF0]  }
0x1e8: {  	v5 =	vld [tilespmem:s10+$0xFFFFFF70]  }
0x1e9: {  	v6 =	vld [tilespmem:s10+$0xFFFFFFF0]  }
0x1ea: {  	v7 =	vld [tilespmem:s10+$0x70]  }
0x1eb: {  	v8 =	vld [tilespmem:s10+$0xF0]  }
0x1ec: {  	v9 =	vld [tilespmem:s10+$0x170]  }
0x1ed: {  	v10 =	vld [tilespmem:s10+$0x1F0]  }
0x1ee: {  	v2 =	vld [tilespmem:s10+$0xFFFFFE80]  }
0x1ef: {  	v11 =	vld [tilespmem:s10+$0xFFFFFF00]  }
0x1f0: {  	v12 =	vld [tilespmem:s10+$0xFFFFFF80]  }
0x1f1: {  	v13 =	vld [tilespmem:s10+$0x0]  }
0x1f2: {  	v14 =	vld [tilespmem:s10+$0x80]  }
0x1f3: {  	v15 =	vld [tilespmem:s10+$0x100]  }
0x1f4: {  	v16 =	vld [tilespmem:s10+$0x180]  }
0x1f5: {  	v17 =	vld [tilespmem:s10+$0xFFFFFE10]  }
0x1f6: {  	v18 =	vld [tilespmem:s10+$0xFFFFFE90]  }
0x1f7: {  	v19 =	vld [tilespmem:s10+$0xFFFFFF10]  }
0x1f8: {  	v20 =	vld [tilespmem:s10+$0xFFFFFF90]  }
0x1f9: {  	v21 =	vld [tilespmem:s10+$0x10]  }
0x1fa: {  	v22 =	vld [tilespmem:s10+$0x90]  }
0x1fb: {  	v23 =	vld [tilespmem:s10+$0x110]  }
0x1fc: {  	v24 =	vld [tilespmem:s10+$0x190]  }
0x1fd: {  	v25 =	vld [tilespmem:s10+$0xFFFFFE20]  }
0x1fe: {  	v26 =	vld [tilespmem:s10+$0xFFFFFEA0]  }
0x1ff: {  	v27 =	vld [tilespmem:s10+$0xFFFFFF20]  }
0x200: {  	v28 =	vld [tilespmem:s10+$0xFFFFFFA0]  }
0x201: {  	v29 =	vld [tilespmem:s10+$0x20]  }
0x202: {  	v30 =	vld [tilespmem:s10+$0xA0]  }
0x203: {  	v31 =	vld [tilespmem:s10+$0x120]  }
0x204: {  	v32 =	vld [tilespmem:s10+$0x1A0]  }
0x205: {  	v33 =	vld [tilespmem:s10+$0xFFFFFE30]  }
0x206: {  	v34 =	vld [tilespmem:s10+$0xFFFFFEB0]  }
0x207: {  	v35 =	vld [tilespmem:s10+$0xFFFFFF30]  }
0x208: {  	v36 =	vld [tilespmem:s10+$0xFFFFFFB0]  }
0x209: {  	v37 =	vld [tilespmem:s10+$0x30]  }
0x20a: {  	v38 =	vld [tilespmem:s10+$0xB0]  }
0x20b: {  	v39 =	vld [tilespmem:s10+$0x130]  }
0x20c: {  	v63 =	vld [tilespmem:s10+$0x140]  }
0x20d: {  	v42 =	vld [tilespmem:s10+$0x1C0]  }
0x20e: {  	v45 =	vld [tilespmem:s10+$0xFFFFFE50];
	v3 =	vadd.f32 v4, v3;
	v4 =	vadd.f32 v6, v5  }
0x20f: {  	v48 =	vld [tilespmem:s10+$0xFFFFFED0];
	v6 =	vadd.f32 v8, v7;
	v7 =	vadd.f32 v10, v9  }
0x210: {  	v49 =	vld [tilespmem:s10+$0xFFFFFF50];
	v40 =	vadd.f32 v22, v21;
	v41 =	vadd.f32 v24, v23  }
0x211: {  	v53 =	vld [tilespmem:s10+$0x50];
	v43 =	vadd.f32 v26, v25;
	v44 =	vadd.f32 v28, v27  }
0x212: {  	v55 =	vld [tilespmem:s10+$0xD0];
	v46 =	vadd.f32 v30, v29;
	v47 =	vadd.f32 v32, v31  }
0x213: {  	v5 =	vld [tilespmem:s10+$0x1B0];
	v54 =	vadd.f32 v36, v35;
	v56 =	vadd.f32 v38, v37  }
0x214: {  	v8 =	vld [tilespmem:s10+$0xFFFFFE40];
	v4 =	vadd.f32 v4, v3;
	v6 =	vadd.f32 v7, v6  }
0x215: {  	v9 =	vld [tilespmem:s10+$0xFFFFFEC0];
	v3 =	vadd.f32 v12, v11;
	v11 =	vadd.f32 v14, v13  }
0x216: {  	v10 =	vld [tilespmem:s10+$0xFFFFFFC0];
	v12 =	vadd.f32 v16, v15;
	v14 =	vadd.f32 v18, v17  }
0x217: {  	v7 =	vld [tilespmem:s10+$0xFFFFFF40];
	v15 =	vadd.f32 v20, v19;
	v50 =	vadd.f32 v44, v43  }
0x218: {  	v13 =	vld [tilespmem:s10+$0xC0];
	v51 =	vadd.f32 v47, v46;
	v4 =	vadd.f32 v6, v4  }
0x219: {  	v6 =	vld [tilespmem:s10+$0x40];
	v14 =	vadd.f32 v15, v14;
	v15 =	vadd.f32 v41, v40  }
0x21a: {  	v52 =	vld [tilespmem:s10+$0xFFFFFFD0];
	v18 =	vadd.f32 v51, v50;
	v5 =	vadd.f32 v5, v39  }
0x21b: {  	s4 =	simm.s32 $0x11040;
	v57 =	vld [tilespmem:s10+$0x150];
	v8 =	vadd.f32 v9, v8;
	v14 =	vadd.f32 v15, v14  }
0x21c: {  	v9 =	vld [tilespmem:s10+$0x1D0];
	v15 =	vadd.f32 v34, v33;
	[tilespmem:s4+$0x30] =	vst v4;
	v4 =	vadd.f32 v55, v53  }
0x21d: {  	v59 =	vld [tilespmem:s10+$0xFFFFFEE0];
	v7 =	vadd.f32 v10, v7;
	v10 =	vadd.f32 v42, v63  }
0x21e: {  	v60 =	vld [tilespmem:s10+$0xFFFFFF60];
	v58 =	vadd.f32 v5, v56;
	v6 =	vadd.f32 v13, v6  }
0x21f: {  	v61 =	vld [tilespmem:s10+$0xFFFFFFE0];
	v15 =	vadd.f32 v54, v15;
	v7 =	vadd.f32 v7, v8  }
0x220: {  	v13 =	vld [tilespmem:s10+$0xFFFFFE60];
	v8 =	vadd.f32 v48, v45;
	v6 =	vadd.f32 v10, v6  }
0x221: {  	v5 =	vld [tilespmem:s10+$0x60];
	v9 =	vadd.f32 v9, v57;
	v10 =	vadd.f32 v52, v49  }
0x222: {  	[tilespmem:s4+$0xFFFFFFD0] =	vst v14;
	v14 =	vadd.f32 v58, v15;
	v15 =	vadd.f32 v6, v7;
	v6 =	vld [tilespmem:s10+$0xE0]  }
0x223: {  	[tilespmem:s4+$0xFFFFFFE0] =	vst v18;
	v63 =	vadd.f32 v9, v4;
	v9 =	vld [tilespmem:s10+$0x1E0];
	v62 =	vadd.f32 v10, v8  }
0x224: {  	v4 =	vadd.f32 v12, v11;
	[tilespmem:s4+$0xFFFFFFF0] =	vst v14;
	v12 =	vadd.f32 v61, v60;
	v7 =	vld [tilespmem:s10+$0x160]  }
0x225: {  	s9 =	simm.s32 $0x0;
	v10 =	vld [tilespmem:s10+$0xFFFFFE00];
	s10 =	simm.s32 $0x5600;
	v8 =	vadd.f32 v59, v13;
	[tilespmem:s4+$0x0] =	vst v15;
	v11 =	vadd.f32 v63, v62  }
.LBB2_11:
0x226: {  	v13 =	vld [tilespmem:s10+$0xFFFFFE70]  }
0x227: {  	v14 =	vld [tilespmem:s10+$0xFFFFFEF0];
	[tilespmem:s4+$0x10] =	vst v11;
	v5 =	vadd.f32 v6, v5;
	v6 =	vadd.f32 v12, v8  }
0x228: {  	v8 =	vld [tilespmem:s10+$0xFFFFFF70]  }
0x229: {  	v11 =	vld [tilespmem:s10+$0xFFFFFFF0];
	v7 =	vadd.f32 v9, v7  }
0x22a: {  	v9 =	vld [tilespmem:s10+$0x70];
	v2 =	vadd.f32 v2, v10  }
0x22b: {  	v10 =	vld [tilespmem:s10+$0xF0];
	v5 =	vadd.f32 v7, v5  }
0x22c: {  	v7 =	vld [tilespmem:s10+$0x170];
	v3 =	vadd.f32 v3, v2  }
0x22d: {  	s9 =	sadd.s32 $0x8, s9;
	v12 =	vld [tilespmem:s10+$0x1F0];
	v5 =	vadd.f32 v5, v6  }
0x22e: {  	p1 =	slt.u32 s9, $0x38;
	v2 =	vld [tilespmem:s10+$0xFFFFFE80];
	v3 =	vadd.f32 v4, v3  }
0x22f: {  	v4 =	vld [tilespmem:s10+$0xFFFFFF00];
	[tilespmem:s4+$0x20] =	vst v5  }
0x230: {  	v5 =	vld [tilespmem:s10+$0xFFFFFF80];
	[tilespmem:s4+$0xFFFFFFC0] =	vst v3  }
0x231: {  	v8 =	vadd.f32 v11, v8;
	v3 =	vadd.f32 v14, v13;
	v6 =	vld [tilespmem:s10+$0x0]  }
0x232: {  	v9 =	vadd.f32 v10, v9;
	v11 =	vld [tilespmem:s10+$0x80];
	v7 =	vadd.f32 v12, v7  }
0x233: {  	v10 =	vld [tilespmem:s10+$0x100]  }
0x234: {  	v8 =	vadd.f32 v8, v3;
	v12 =	vld [tilespmem:s10+$0x180];
	v7 =	vadd.f32 v7, v9  }
0x235: {  	v3 =	vadd.f32 v5, v4;
	v5 =	vld [tilespmem:s10+$0xFFFFFE10]  }
0x236: {  	v9 =	vld [tilespmem:s10+$0xFFFFFE90];
	v4 =	vadd.f32 v7, v8  }
0x237: {  	s4 =	sadd.s32 $0x80, s4;
	v6 =	vadd.f32 v11, v6;
	v7 =	vld [tilespmem:s10+$0xFFFFFF10]  }
0x238: {  	v8 =	vld [tilespmem:s10+$0xFFFFFF90];
	[tilespmem:s4+$0x30] =	vst v4  }
0x239: {  	v4 =	vadd.f32 v12, v10;
	v10 =	vld [tilespmem:s10+$0x10]  }
0x23a: {  	v11 =	vld [tilespmem:s10+$0x90]  }
0x23b: {  	v4 =	vadd.f32 v4, v6;
	v6 =	vld [tilespmem:s10+$0x110];
	v5 =	vadd.f32 v9, v5  }
0x23c: {  	v9 =	vld [tilespmem:s10+$0x190]  }
0x23d: {  	v7 =	vadd.f32 v8, v7;
	v8 =	vld [tilespmem:s10+$0xFFFFFE20]  }
0x23e: {  	v12 =	vld [tilespmem:s10+$0xFFFFFEA0]  }
0x23f: {  	v10 =	vadd.f32 v11, v10;
	v5 =	vadd.f32 v7, v5;
	v7 =	vld [tilespmem:s10+$0xFFFFFF20]  }
0x240: {  	v11 =	vld [tilespmem:s10+$0xFFFFFFA0]  }
0x241: {  	v6 =	vadd.f32 v9, v6;
	v9 =	vld [tilespmem:s10+$0x20]  }
0x242: {  	v13 =	vld [tilespmem:s10+$0xA0]  }
0x243: {  	v6 =	vadd.f32 v6, v10;
	v10 =	vld [tilespmem:s10+$0x120];
	v8 =	vadd.f32 v12, v8  }
0x244: {  	v12 =	vld [tilespmem:s10+$0x1A0]  }
0x245: {  	v5 =	vadd.f32 v6, v5;
	v6 =	vadd.f32 v11, v7;
	v7 =	vld [tilespmem:s10+$0xFFFFFE30]  }
0x246: {  	v11 =	vld [tilespmem:s10+$0xFFFFFEB0]  }
0x247: {  	[tilespmem:s4+$0xFFFFFFD0] =	vst v5;
	v5 =	vadd.f32 v13, v9;
	v6 =	vadd.f32 v6, v8;
	v8 =	vld [tilespmem:s10+$0xFFFFFF30]  }
0x248: {  	v9 =	vld [tilespmem:s10+$0xFFFFFFB0]  }
0x249: {  	v10 =	vadd.f32 v12, v10;
	v12 =	vld [tilespmem:s10+$0x30]  }
0x24a: {  	v13 =	vld [tilespmem:s10+$0xB0]  }
0x24b: {  	v5 =	vadd.f32 v10, v5;
	v10 =	vld [tilespmem:s10+$0x130];
	v7 =	vadd.f32 v11, v7  }
0x24c: {  	v11 =	vld [tilespmem:s10+$0x1B0]  }
0x24d: {  	v5 =	vadd.f32 v5, v6;
	v6 =	vadd.f32 v9, v8;
	v8 =	vld [tilespmem:s10+$0xFFFFFE40]  }
0x24e: {  	v9 =	vld [tilespmem:s10+$0xFFFFFEC0]  }
0x24f: {  	[tilespmem:s4+$0xFFFFFFE0] =	vst v5;
	v5 =	vadd.f32 v13, v12;
	v6 =	vadd.f32 v6, v7;
	v7 =	vld [tilespmem:s10+$0xFFFFFF40]  }
0x250: {  	v12 =	vld [tilespmem:s10+$0xFFFFFFC0]  }
0x251: {  	v10 =	vadd.f32 v11, v10;
	v11 =	vld [tilespmem:s10+$0x40]  }
0x252: {  	v13 =	vld [tilespmem:s10+$0xC0]  }
0x253: {  	v5 =	vadd.f32 v10, v5;
	v10 =	vld [tilespmem:s10+$0x140];
	v8 =	vadd.f32 v9, v8  }
0x254: {  	v9 =	vld [tilespmem:s10+$0x1C0]  }
0x255: {  	v5 =	vadd.f32 v5, v6;
	v6 =	vadd.f32 v12, v7;
	v7 =	vld [tilespmem:s10+$0xFFFFFE50]  }
0x256: {  	v12 =	vld [tilespmem:s10+$0xFFFFFED0]  }
0x257: {  	[tilespmem:s4+$0xFFFFFFF0] =	vst v5;
	v5 =	vadd.f32 v13, v11;
	v6 =	vadd.f32 v6, v8;
	v8 =	vld [tilespmem:s10+$0xFFFFFF50]  }
0x258: {  	v11 =	vld [tilespmem:s10+$0xFFFFFFD0]  }
0x259: {  	v9 =	vadd.f32 v9, v10;
	v10 =	vld [tilespmem:s10+$0x50]  }
0x25a: {  	v13 =	vld [tilespmem:s10+$0xD0]  }
0x25b: {  	v5 =	vadd.f32 v9, v5;
	v9 =	vld [tilespmem:s10+$0x150];
	v7 =	vadd.f32 v12, v7  }
0x25c: {  	v12 =	vld [tilespmem:s10+$0x1D0]  }
0x25d: {  	v5 =	vadd.f32 v5, v6;
	v6 =	vadd.f32 v11, v8;
	v8 =	vld [tilespmem:s10+$0xFFFFFE60]  }
0x25e: {  	v11 =	vld [tilespmem:s10+$0xFFFFFEE0]  }
0x25f: {  	[tilespmem:s4+$0x0] =	vst v5;
	v10 =	vadd.f32 v13, v10;
	v13 =	vadd.f32 v6, v7;
	v14 =	vld [tilespmem:s10+$0xFFFFFF60]  }
0x260: {  	v15 =	vld [tilespmem:s10+$0xFFFFFFE0]  }
.Ltmp7:
0x261: {  	v7 =	vadd.f32 v12, v9;
	v5 =	vld [tilespmem:s10+$0x60];
	(pc) =	sbr.rel @p1 .LBB2_11-.Ltmp7, $4  }
0x262: {  	v6 =	vld [tilespmem:s10+$0xE0]  }
0x263: {  	v12 =	vadd.f32 v7, v10;
	v7 =	vld [tilespmem:s10+$0x160];
	v8 =	vadd.f32 v11, v8  }
0x264: {  	v9 =	vld [tilespmem:s10+$0x1E0]  }
0x265: {  	v10 =	vld [tilespmem:s10+$0xFFFFFE00];
	v11 =	vadd.f32 v12, v13;
	v12 =	vadd.f32 v15, v14;
	s10 =	sadd.s32 $0x400, s10  }
0x266: {  	_ =	sdelay $0x2  }
0x267: {  	v5 =	vadd.f32 v6, v5;
	v6 =	vadd.f32 v9, v7  }
0x268: {  	v2 =	vadd.f32 v2, v10  }
0x269: {  	v7 =	vadd.f32 v12, v8;
	v5 =	vadd.f32 v6, v5  }
0x26a: {  	v2 =	vadd.f32 v3, v2  }
0x26b: {  	v3 =	vadd.f32 v5, v7  }
0x26c: {  	[tilespmem:s4+$0x10] =	vst v11;
	v2 =	vadd.f32 v4, v2  }
0x26d: {  	[tilespmem:s4+$0x20] =	vst v3  }
0x26e: {  	s10 =	sadd.s32 s28, s11;
	[tilespmem:s4+$0xFFFFFFC0] =	vst v2  }
0x26f: {  	[hbm4b:s10+s18] =	stream.strided.scatter [tilespmem:s31], [sflag:$0x9], $0x400, s19, s18, $0x38;
	[tilespmem:$0x11800] =	vst v63  }
0x270: {  	v2 =	vld.msk @!p0 [tilespmem:s29+$0x50], $0xff;
	_ =	sdelay $0x4  }
0x271: {  	v3 =	vshll.u32 @!p0 v2, $0x3  }
0x272: {  	v4 =	vlaneseq.u32 @!p0;
	v2 =	vand.u32 @!p0 $0x7, v2;
	v3 =	vand.u32 @!p0 $0xFFFFFFC0, v3  }
0x273: {  	v2 =	vor.u32 @!p0 v2, v3;
	v3 =	vand.u32 @!p0 $0x7, v4;
	v4 =	vshrl.u32 @!p0 v4, $0x3  }
0x274: {  	v2 =	vperm.xlane @!p0 v2, v3;
	v3 =	vmul.u32 @!p0 $0x8, v4;
	_ =	sdelay $0x1  }
0x275: {  	v2 =	vadd.s32 @!p0 v3, v2;
	_ =	sdelay $0x3  }
0x276: {  	s9 =	simm.s32 @!p0 $0x5000;
	s4 =	simm.s32 @!p0 $0x0  }
0x277: {  	[tilespmem:s9], [sflag:$0x3] =	stream.indirect_vreg.gather @!p0 [hbm4b:s1+s4], $0x80, v2, vm1, $0xb8;
	[tilespmem:$0x11800] =	vst v63  }
0x278: {  	s9 =	simm.s32 @!p0 $0x5800  }
0x279: {  	[tilespmem:s9], [sflag:$0x3] =	stream.indirect_vreg.gather @!p0 [hbm4b:s6+s4], $0x80, v2, vm1, $0xb8;
	[tilespmem:$0x11800] =	vst v63  }
0x27a: {  	s9 =	simm.s32 @!p0 $0x6000  }
0x27b: {  	[tilespmem:s9], [sflag:$0x3] =	stream.indirect_vreg.gather @!p0 [hbm4b:s7+s4], $0x80, v2, vm1, $0xb8;
	[tilespmem:$0x11800] =	vst v63  }
0x27c: {  	s9 =	simm.s32 @!p0 $0x6800  }
0x27d: {  	[tilespmem:s9], [sflag:$0x3] =	stream.indirect_vreg.gather @!p0 [hbm4b:s8+s4], $0x80, v2, vm1, $0xb8;
	[tilespmem:$0x11800] =	vst v63  }
0x27e: {  	_ =	swait.ge [sflag:s21], $0x2000  }
0x27f: {  	[sflag:s21] =	ssyncset.done $0x0  }
0x280: {  	[sflag:s21] =	ssyncadd.s32 $0xFFFFE000  }
0x281: {  	_ =	swait.ge [sflag:s2], $0x400  }
0x282: {  	[sflag:s2] =	ssyncset.done $0x0  }
0x283: {  	s10 =	simm.s32 $0x7200;
	[sflag:s2] =	ssyncadd.s32 $0xFFFFFC00  }
0x284: {  	v3 =	vld [tilespmem:s10+$0xFFFFFE70]  }
0x285: {  	v4 =	vld [tilespmem:s10+$0xFFFFFEF0]  }
0x286: {  	v5 =	vld [tilespmem:s10+$0xFFFFFF70]  }
0x287: {  	v6 =	vld [tilespmem:s10+$0xFFFFFFF0]  }
0x288: {  	v7 =	vld [tilespmem:s10+$0x70]  }
0x289: {  	v8 =	vld [tilespmem:s10+$0xF0]  }
0x28a: {  	v9 =	vld [tilespmem:s10+$0x170]  }
0x28b: {  	v10 =	vld [tilespmem:s10+$0x1F0]  }
0x28c: {  	v2 =	vld [tilespmem:s10+$0xFFFFFE80]  }
0x28d: {  	v11 =	vld [tilespmem:s10+$0xFFFFFF00]  }
0x28e: {  	v12 =	vld [tilespmem:s10+$0xFFFFFF80]  }
0x28f: {  	v13 =	vld [tilespmem:s10+$0x0]  }
0x290: {  	v14 =	vld [tilespmem:s10+$0x80]  }
0x291: {  	v15 =	vld [tilespmem:s10+$0x100]  }
0x292: {  	v16 =	vld [tilespmem:s10+$0x180]  }
0x293: {  	v17 =	vld [tilespmem:s10+$0xFFFFFE10]  }
0x294: {  	v18 =	vld [tilespmem:s10+$0xFFFFFE90]  }
0x295: {  	v19 =	vld [tilespmem:s10+$0xFFFFFF10]  }
0x296: {  	v20 =	vld [tilespmem:s10+$0xFFFFFF90]  }
0x297: {  	v21 =	vld [tilespmem:s10+$0x10]  }
0x298: {  	v22 =	vld [tilespmem:s10+$0x90]  }
0x299: {  	v23 =	vld [tilespmem:s10+$0x110]  }
0x29a: {  	v24 =	vld [tilespmem:s10+$0x190]  }
0x29b: {  	v25 =	vld [tilespmem:s10+$0xFFFFFE20]  }
0x29c: {  	v26 =	vld [tilespmem:s10+$0xFFFFFEA0]  }
0x29d: {  	v27 =	vld [tilespmem:s10+$0xFFFFFF20]  }
0x29e: {  	v28 =	vld [tilespmem:s10+$0xFFFFFFA0]  }
0x29f: {  	v29 =	vld [tilespmem:s10+$0x20]  }
0x2a0: {  	v30 =	vld [tilespmem:s10+$0xA0]  }
0x2a1: {  	v31 =	vld [tilespmem:s10+$0x120]  }
0x2a2: {  	v32 =	vld [tilespmem:s10+$0x1A0]  }
0x2a3: {  	v33 =	vld [tilespmem:s10+$0xFFFFFE30]  }
0x2a4: {  	v34 =	vld [tilespmem:s10+$0xFFFFFEB0]  }
0x2a5: {  	v35 =	vld [tilespmem:s10+$0xFFFFFF30]  }
0x2a6: {  	v36 =	vld [tilespmem:s10+$0xFFFFFFB0]  }
0x2a7: {  	v37 =	vld [tilespmem:s10+$0x30]  }
0x2a8: {  	v38 =	vld [tilespmem:s10+$0xB0]  }
0x2a9: {  	v39 =	vld [tilespmem:s10+$0x130]  }
0x2aa: {  	v63 =	vld [tilespmem:s10+$0x140]  }
0x2ab: {  	v42 =	vld [tilespmem:s10+$0x1C0]  }
0x2ac: {  	v45 =	vld [tilespmem:s10+$0xFFFFFE50];
	v3 =	vadd.f32 v4, v3;
	v4 =	vadd.f32 v6, v5  }
0x2ad: {  	v48 =	vld [tilespmem:s10+$0xFFFFFED0];
	v6 =	vadd.f32 v8, v7;
	v7 =	vadd.f32 v10, v9  }
0x2ae: {  	v49 =	vld [tilespmem:s10+$0xFFFFFF50];
	v40 =	vadd.f32 v22, v21;
	v41 =	vadd.f32 v24, v23  }
0x2af: {  	v53 =	vld [tilespmem:s10+$0x50];
	v43 =	vadd.f32 v26, v25;
	v44 =	vadd.f32 v28, v27  }
0x2b0: {  	v55 =	vld [tilespmem:s10+$0xD0];
	v46 =	vadd.f32 v30, v29;
	v47 =	vadd.f32 v32, v31  }
0x2b1: {  	v5 =	vld [tilespmem:s10+$0x1B0];
	v54 =	vadd.f32 v36, v35;
	v56 =	vadd.f32 v38, v37  }
0x2b2: {  	v8 =	vld [tilespmem:s10+$0xFFFFFE40];
	v4 =	vadd.f32 v4, v3;
	v6 =	vadd.f32 v7, v6  }
0x2b3: {  	v9 =	vld [tilespmem:s10+$0xFFFFFEC0];
	v3 =	vadd.f32 v12, v11;
	v11 =	vadd.f32 v14, v13  }
0x2b4: {  	v10 =	vld [tilespmem:s10+$0xFFFFFFC0];
	v12 =	vadd.f32 v16, v15;
	v14 =	vadd.f32 v18, v17  }
0x2b5: {  	v7 =	vld [tilespmem:s10+$0xFFFFFF40];
	v15 =	vadd.f32 v20, v19;
	v50 =	vadd.f32 v44, v43  }
0x2b6: {  	v13 =	vld [tilespmem:s10+$0xC0];
	v51 =	vadd.f32 v47, v46;
	v4 =	vadd.f32 v6, v4  }
0x2b7: {  	v6 =	vld [tilespmem:s10+$0x40];
	v14 =	vadd.f32 v15, v14;
	v15 =	vadd.f32 v41, v40  }
0x2b8: {  	v52 =	vld [tilespmem:s10+$0xFFFFFFD0];
	v18 =	vadd.f32 v51, v50;
	v5 =	vadd.f32 v5, v39  }
0x2b9: {  	s4 =	simm.s32 $0x11440;
	v57 =	vld [tilespmem:s10+$0x150];
	v8 =	vadd.f32 v9, v8;
	v14 =	vadd.f32 v15, v14  }
0x2ba: {  	v9 =	vld [tilespmem:s10+$0x1D0];
	v15 =	vadd.f32 v34, v33;
	[tilespmem:s4+$0x30] =	vst v4;
	v4 =	vadd.f32 v55, v53  }
0x2bb: {  	v59 =	vld [tilespmem:s10+$0xFFFFFEE0];
	v7 =	vadd.f32 v10, v7;
	v10 =	vadd.f32 v42, v63  }
0x2bc: {  	v60 =	vld [tilespmem:s10+$0xFFFFFF60];
	v58 =	vadd.f32 v5, v56;
	v6 =	vadd.f32 v13, v6  }
0x2bd: {  	v61 =	vld [tilespmem:s10+$0xFFFFFFE0];
	v15 =	vadd.f32 v54, v15;
	v7 =	vadd.f32 v7, v8  }
0x2be: {  	v13 =	vld [tilespmem:s10+$0xFFFFFE60];
	v8 =	vadd.f32 v48, v45;
	v6 =	vadd.f32 v10, v6  }
0x2bf: {  	v5 =	vld [tilespmem:s10+$0x60];
	v9 =	vadd.f32 v9, v57;
	v10 =	vadd.f32 v52, v49  }
0x2c0: {  	[tilespmem:s4+$0xFFFFFFD0] =	vst v14;
	v14 =	vadd.f32 v58, v15;
	v15 =	vadd.f32 v6, v7;
	v6 =	vld [tilespmem:s10+$0xE0]  }
0x2c1: {  	[tilespmem:s4+$0xFFFFFFE0] =	vst v18;
	v63 =	vadd.f32 v9, v4;
	v9 =	vld [tilespmem:s10+$0x1E0];
	v62 =	vadd.f32 v10, v8  }
0x2c2: {  	v4 =	vadd.f32 v12, v11;
	[tilespmem:s4+$0xFFFFFFF0] =	vst v14;
	v12 =	vadd.f32 v61, v60;
	v7 =	vld [tilespmem:s10+$0x160]  }
0x2c3: {  	s9 =	simm.s32 $0x0;
	v10 =	vld [tilespmem:s10+$0xFFFFFE00];
	s10 =	simm.s32 $0x7600;
	v8 =	vadd.f32 v59, v13;
	[tilespmem:s4+$0x0] =	vst v15;
	v11 =	vadd.f32 v63, v62  }
.LBB2_13:
0x2c4: {  	v13 =	vld [tilespmem:s10+$0xFFFFFE70]  }
0x2c5: {  	v14 =	vld [tilespmem:s10+$0xFFFFFEF0];
	[tilespmem:s4+$0x10] =	vst v11;
	v5 =	vadd.f32 v6, v5;
	v6 =	vadd.f32 v12, v8  }
0x2c6: {  	v8 =	vld [tilespmem:s10+$0xFFFFFF70]  }
0x2c7: {  	v11 =	vld [tilespmem:s10+$0xFFFFFFF0];
	v7 =	vadd.f32 v9, v7  }
0x2c8: {  	v9 =	vld [tilespmem:s10+$0x70];
	v2 =	vadd.f32 v2, v10  }
0x2c9: {  	v10 =	vld [tilespmem:s10+$0xF0];
	v5 =	vadd.f32 v7, v5  }
0x2ca: {  	v7 =	vld [tilespmem:s10+$0x170];
	v3 =	vadd.f32 v3, v2  }
0x2cb: {  	s9 =	sadd.s32 $0x8, s9;
	v12 =	vld [tilespmem:s10+$0x1F0];
	v5 =	vadd.f32 v5, v6  }
0x2cc: {  	p1 =	slt.u32 s9, $0x38;
	v2 =	vld [tilespmem:s10+$0xFFFFFE80];
	v3 =	vadd.f32 v4, v3  }
0x2cd: {  	v4 =	vld [tilespmem:s10+$0xFFFFFF00];
	[tilespmem:s4+$0x20] =	vst v5  }
0x2ce: {  	v5 =	vld [tilespmem:s10+$0xFFFFFF80];
	[tilespmem:s4+$0xFFFFFFC0] =	vst v3  }
0x2cf: {  	v8 =	vadd.f32 v11, v8;
	v3 =	vadd.f32 v14, v13;
	v6 =	vld [tilespmem:s10+$0x0]  }
0x2d0: {  	v9 =	vadd.f32 v10, v9;
	v11 =	vld [tilespmem:s10+$0x80];
	v7 =	vadd.f32 v12, v7  }
0x2d1: {  	v10 =	vld [tilespmem:s10+$0x100]  }
0x2d2: {  	v8 =	vadd.f32 v8, v3;
	v12 =	vld [tilespmem:s10+$0x180];
	v7 =	vadd.f32 v7, v9  }
0x2d3: {  	v3 =	vadd.f32 v5, v4;
	v5 =	vld [tilespmem:s10+$0xFFFFFE10]  }
0x2d4: {  	v9 =	vld [tilespmem:s10+$0xFFFFFE90];
	v4 =	vadd.f32 v7, v8  }
0x2d5: {  	s4 =	sadd.s32 $0x80, s4;
	v6 =	vadd.f32 v11, v6;
	v7 =	vld [tilespmem:s10+$0xFFFFFF10]  }
0x2d6: {  	v8 =	vld [tilespmem:s10+$0xFFFFFF90];
	[tilespmem:s4+$0x30] =	vst v4  }
0x2d7: {  	v4 =	vadd.f32 v12, v10;
	v10 =	vld [tilespmem:s10+$0x10]  }
0x2d8: {  	v11 =	vld [tilespmem:s10+$0x90]  }
0x2d9: {  	v4 =	vadd.f32 v4, v6;
	v6 =	vld [tilespmem:s10+$0x110];
	v5 =	vadd.f32 v9, v5  }
0x2da: {  	v9 =	vld [tilespmem:s10+$0x190]  }
0x2db: {  	v7 =	vadd.f32 v8, v7;
	v8 =	vld [tilespmem:s10+$0xFFFFFE20]  }
0x2dc: {  	v12 =	vld [tilespmem:s10+$0xFFFFFEA0]  }
0x2dd: {  	v10 =	vadd.f32 v11, v10;
	v5 =	vadd.f32 v7, v5;
	v7 =	vld [tilespmem:s10+$0xFFFFFF20]  }
0x2de: {  	v11 =	vld [tilespmem:s10+$0xFFFFFFA0]  }
0x2df: {  	v6 =	vadd.f32 v9, v6;
	v9 =	vld [tilespmem:s10+$0x20]  }
0x2e0: {  	v13 =	vld [tilespmem:s10+$0xA0]  }
0x2e1: {  	v6 =	vadd.f32 v6, v10;
	v10 =	vld [tilespmem:s10+$0x120];
	v8 =	vadd.f32 v12, v8  }
0x2e2: {  	v12 =	vld [tilespmem:s10+$0x1A0]  }
0x2e3: {  	v5 =	vadd.f32 v6, v5;
	v6 =	vadd.f32 v11, v7;
	v7 =	vld [tilespmem:s10+$0xFFFFFE30]  }
0x2e4: {  	v11 =	vld [tilespmem:s10+$0xFFFFFEB0]  }
0x2e5: {  	[tilespmem:s4+$0xFFFFFFD0] =	vst v5;
	v5 =	vadd.f32 v13, v9;
	v6 =	vadd.f32 v6, v8;
	v8 =	vld [tilespmem:s10+$0xFFFFFF30]  }
0x2e6: {  	v9 =	vld [tilespmem:s10+$0xFFFFFFB0]  }
0x2e7: {  	v10 =	vadd.f32 v12, v10;
	v12 =	vld [tilespmem:s10+$0x30]  }
0x2e8: {  	v13 =	vld [tilespmem:s10+$0xB0]  }
0x2e9: {  	v5 =	vadd.f32 v10, v5;
	v10 =	vld [tilespmem:s10+$0x130];
	v7 =	vadd.f32 v11, v7  }
0x2ea: {  	v11 =	vld [tilespmem:s10+$0x1B0]  }
0x2eb: {  	v5 =	vadd.f32 v5, v6;
	v6 =	vadd.f32 v9, v8;
	v8 =	vld [tilespmem:s10+$0xFFFFFE40]  }
0x2ec: {  	v9 =	vld [tilespmem:s10+$0xFFFFFEC0]  }
0x2ed: {  	[tilespmem:s4+$0xFFFFFFE0] =	vst v5;
	v5 =	vadd.f32 v13, v12;
	v6 =	vadd.f32 v6, v7;
	v7 =	vld [tilespmem:s10+$0xFFFFFF40]  }
0x2ee: {  	v12 =	vld [tilespmem:s10+$0xFFFFFFC0]  }
0x2ef: {  	v10 =	vadd.f32 v11, v10;
	v11 =	vld [tilespmem:s10+$0x40]  }
0x2f0: {  	v13 =	vld [tilespmem:s10+$0xC0]  }
0x2f1: {  	v5 =	vadd.f32 v10, v5;
	v10 =	vld [tilespmem:s10+$0x140];
	v8 =	vadd.f32 v9, v8  }
0x2f2: {  	v9 =	vld [tilespmem:s10+$0x1C0]  }
0x2f3: {  	v5 =	vadd.f32 v5, v6;
	v6 =	vadd.f32 v12, v7;
	v7 =	vld [tilespmem:s10+$0xFFFFFE50]  }
0x2f4: {  	v12 =	vld [tilespmem:s10+$0xFFFFFED0]  }
0x2f5: {  	[tilespmem:s4+$0xFFFFFFF0] =	vst v5;
	v5 =	vadd.f32 v13, v11;
	v6 =	vadd.f32 v6, v8;
	v8 =	vld [tilespmem:s10+$0xFFFFFF50]  }
0x2f6: {  	v11 =	vld [tilespmem:s10+$0xFFFFFFD0]  }
0x2f7: {  	v9 =	vadd.f32 v9, v10;
	v10 =	vld [tilespmem:s10+$0x50]  }
0x2f8: {  	v13 =	vld [tilespmem:s10+$0xD0]  }
0x2f9: {  	v5 =	vadd.f32 v9, v5;
	v9 =	vld [tilespmem:s10+$0x150];
	v7 =	vadd.f32 v12, v7  }
0x2fa: {  	v12 =	vld [tilespmem:s10+$0x1D0]  }
0x2fb: {  	v5 =	vadd.f32 v5, v6;
	v6 =	vadd.f32 v11, v8;
	v8 =	vld [tilespmem:s10+$0xFFFFFE60]  }
0x2fc: {  	v11 =	vld [tilespmem:s10+$0xFFFFFEE0]  }
0x2fd: {  	[tilespmem:s4+$0x0] =	vst v5;
	v10 =	vadd.f32 v13, v10;
	v13 =	vadd.f32 v6, v7;
	v14 =	vld [tilespmem:s10+$0xFFFFFF60]  }
0x2fe: {  	v15 =	vld [tilespmem:s10+$0xFFFFFFE0]  }
.Ltmp8:
0x2ff: {  	v7 =	vadd.f32 v12, v9;
	v5 =	vld [tilespmem:s10+$0x60];
	(pc) =	sbr.rel @p1 .LBB2_13-.Ltmp8, $4  }
0x300: {  	v6 =	vld [tilespmem:s10+$0xE0]  }
0x301: {  	v12 =	vadd.f32 v7, v10;
	v7 =	vld [tilespmem:s10+$0x160];
	v8 =	vadd.f32 v11, v8  }
0x302: {  	v9 =	vld [tilespmem:s10+$0x1E0]  }
0x303: {  	v10 =	vld [tilespmem:s10+$0xFFFFFE00];
	v11 =	vadd.f32 v12, v13;
	v12 =	vadd.f32 v15, v14;
	s10 =	sadd.s32 $0x400, s10  }
0x304: {  	_ =	sdelay $0x2  }
0x305: {  	v5 =	vadd.f32 v6, v5;
	v6 =	vadd.f32 v9, v7  }
0x306: {  	v2 =	vadd.f32 v2, v10  }
0x307: {  	v7 =	vadd.f32 v12, v8;
	v5 =	vadd.f32 v6, v5  }
0x308: {  	v2 =	vadd.f32 v3, v2  }
0x309: {  	v3 =	vadd.f32 v5, v7  }
0x30a: {  	[tilespmem:s4+$0x10] =	vst v11;
	v2 =	vadd.f32 v4, v2  }
0x30b: {  	[tilespmem:s4+$0x20] =	vst v3  }
0x30c: {  	s10 =	sadd.s32 s28, s12;
	[tilespmem:s4+$0xFFFFFFC0] =	vst v2  }
0x30d: {  	[hbm4b:s10+s18] =	stream.strided.scatter [tilespmem:s5], [sflag:$0xA], $0x400, s19, s18, $0x38;
	[tilespmem:$0x11800] =	vst v63  }
0x30e: {  	v2 =	vld.msk @!p0 [tilespmem:s29+$0x58], $0xff;
	_ =	sdelay $0x4  }
0x30f: {  	v3 =	vshll.u32 @!p0 v2, $0x3  }
0x310: {  	v4 =	vlaneseq.u32 @!p0;
	v2 =	vand.u32 @!p0 $0x7, v2;
	v3 =	vand.u32 @!p0 $0xFFFFFFC0, v3  }
0x311: {  	v2 =	vor.u32 @!p0 v2, v3;
	v3 =	vand.u32 @!p0 $0x7, v4;
	v4 =	vshrl.u32 @!p0 v4, $0x3  }
0x312: {  	v2 =	vperm.xlane @!p0 v2, v3;
	v3 =	vmul.u32 @!p0 $0x8, v4;
	_ =	sdelay $0x1  }
0x313: {  	v2 =	vadd.s32 @!p0 v3, v2;
	_ =	sdelay $0x3  }
0x314: {  	s9 =	simm.s32 @!p0 $0x7000;
	s4 =	simm.s32 @!p0 $0x0  }
0x315: {  	[tilespmem:s9], [sflag:$0x4] =	stream.indirect_vreg.gather @!p0 [hbm4b:s1+s4], $0x80, v2, vm1, $0xb8;
	[tilespmem:$0x11800] =	vst v63  }
0x316: {  	s9 =	simm.s32 @!p0 $0x7800  }
0x317: {  	[tilespmem:s9], [sflag:$0x4] =	stream.indirect_vreg.gather @!p0 [hbm4b:s6+s4], $0x80, v2, vm1, $0xb8;
	[tilespmem:$0x11800] =	vst v63  }
0x318: {  	s9 =	simm.s32 @!p0 $0x8000  }
0x319: {  	[tilespmem:s9], [sflag:$0x4] =	stream.indirect_vreg.gather @!p0 [hbm4b:s7+s4], $0x80, v2, vm1, $0xb8;
	[tilespmem:$0x11800] =	vst v63  }
0x31a: {  	s9 =	simm.s32 @!p0 $0x8800  }
0x31b: {  	[tilespmem:s9], [sflag:$0x4] =	stream.indirect_vreg.gather @!p0 [hbm4b:s8+s4], $0x80, v2, vm1, $0xb8;
	[tilespmem:$0x11800] =	vst v63  }
0x31c: {  	_ =	swait.ge [sflag:s22], $0x2000  }
0x31d: {  	[sflag:s22] =	ssyncset.done $0x0  }
0x31e: {  	[sflag:s22] =	ssyncadd.s32 $0xFFFFE000  }
0x31f: {  	_ =	swait.ge [sflag:s20], $0x400  }
0x320: {  	[sflag:s20] =	ssyncset.done $0x0  }
0x321: {  	s10 =	simm.s32 $0x9200;
	[sflag:s20] =	ssyncadd.s32 $0xFFFFFC00  }
0x322: {  	v3 =	vld [tilespmem:s10+$0xFFFFFE70]  }
0x323: {  	v4 =	vld [tilespmem:s10+$0xFFFFFEF0]  }
0x324: {  	v5 =	vld [tilespmem:s10+$0xFFFFFF70]  }
0x325: {  	v6 =	vld [tilespmem:s10+$0xFFFFFFF0]  }
0x326: {  	v7 =	vld [tilespmem:s10+$0x70]  }
0x327: {  	v8 =	vld [tilespmem:s10+$0xF0]  }
0x328: {  	v9 =	vld [tilespmem:s10+$0x170]  }
0x329: {  	v10 =	vld [tilespmem:s10+$0x1F0]  }
0x32a: {  	v2 =	vld [tilespmem:s10+$0xFFFFFE80]  }
0x32b: {  	v11 =	vld [tilespmem:s10+$0xFFFFFF00]  }
0x32c: {  	v12 =	vld [tilespmem:s10+$0xFFFFFF80]  }
0x32d: {  	v13 =	vld [tilespmem:s10+$0x0]  }
0x32e: {  	v14 =	vld [tilespmem:s10+$0x80]  }
0x32f: {  	v15 =	vld [tilespmem:s10+$0x100]  }
0x330: {  	v16 =	vld [tilespmem:s10+$0x180]  }
0x331: {  	v17 =	vld [tilespmem:s10+$0xFFFFFE10]  }
0x332: {  	v18 =	vld [tilespmem:s10+$0xFFFFFE90]  }
0x333: {  	v19 =	vld [tilespmem:s10+$0xFFFFFF10]  }
0x334: {  	v20 =	vld [tilespmem:s10+$0xFFFFFF90]  }
0x335: {  	v21 =	vld [tilespmem:s10+$0x10]  }
0x336: {  	v22 =	vld [tilespmem:s10+$0x90]  }
0x337: {  	v23 =	vld [tilespmem:s10+$0x110]  }
0x338: {  	v24 =	vld [tilespmem:s10+$0x190]  }
0x339: {  	v25 =	vld [tilespmem:s10+$0xFFFFFE20]  }
0x33a: {  	v26 =	vld [tilespmem:s10+$0xFFFFFEA0]  }
0x33b: {  	v27 =	vld [tilespmem:s10+$0xFFFFFF20]  }
0x33c: {  	v28 =	vld [tilespmem:s10+$0xFFFFFFA0]  }
0x33d: {  	v29 =	vld [tilespmem:s10+$0x20]  }
0x33e: {  	v30 =	vld [tilespmem:s10+$0xA0]  }
0x33f: {  	v31 =	vld [tilespmem:s10+$0x120]  }
0x340: {  	v32 =	vld [tilespmem:s10+$0x1A0]  }
0x341: {  	v33 =	vld [tilespmem:s10+$0xFFFFFE30]  }
0x342: {  	v34 =	vld [tilespmem:s10+$0xFFFFFEB0]  }
0x343: {  	v35 =	vld [tilespmem:s10+$0xFFFFFF30]  }
0x344: {  	v36 =	vld [tilespmem:s10+$0xFFFFFFB0]  }
0x345: {  	v37 =	vld [tilespmem:s10+$0x30]  }
0x346: {  	v38 =	vld [tilespmem:s10+$0xB0]  }
0x347: {  	v39 =	vld [tilespmem:s10+$0x130]  }
0x348: {  	v63 =	vld [tilespmem:s10+$0x140]  }
0x349: {  	v42 =	vld [tilespmem:s10+$0x1C0]  }
0x34a: {  	v45 =	vld [tilespmem:s10+$0xFFFFFE50];
	v3 =	vadd.f32 v4, v3;
	v4 =	vadd.f32 v6, v5  }
0x34b: {  	v48 =	vld [tilespmem:s10+$0xFFFFFED0];
	v6 =	vadd.f32 v8, v7;
	v7 =	vadd.f32 v10, v9  }
0x34c: {  	v49 =	vld [tilespmem:s10+$0xFFFFFF50];
	v40 =	vadd.f32 v22, v21;
	v41 =	vadd.f32 v24, v23  }
0x34d: {  	v53 =	vld [tilespmem:s10+$0x50];
	v43 =	vadd.f32 v26, v25;
	v44 =	vadd.f32 v28, v27  }
0x34e: {  	v55 =	vld [tilespmem:s10+$0xD0];
	v46 =	vadd.f32 v30, v29;
	v47 =	vadd.f32 v32, v31  }
0x34f: {  	v5 =	vld [tilespmem:s10+$0x1B0];
	v54 =	vadd.f32 v36, v35;
	v56 =	vadd.f32 v38, v37  }
0x350: {  	v8 =	vld [tilespmem:s10+$0xFFFFFE40];
	v4 =	vadd.f32 v4, v3;
	v6 =	vadd.f32 v7, v6  }
0x351: {  	v9 =	vld [tilespmem:s10+$0xFFFFFEC0];
	v3 =	vadd.f32 v12, v11;
	v11 =	vadd.f32 v14, v13  }
0x352: {  	v10 =	vld [tilespmem:s10+$0xFFFFFFC0];
	v12 =	vadd.f32 v16, v15;
	v14 =	vadd.f32 v18, v17  }
0x353: {  	v7 =	vld [tilespmem:s10+$0xFFFFFF40];
	v15 =	vadd.f32 v20, v19;
	v50 =	vadd.f32 v44, v43  }
0x354: {  	v13 =	vld [tilespmem:s10+$0xC0];
	v51 =	vadd.f32 v47, v46;
	v4 =	vadd.f32 v6, v4  }
0x355: {  	v6 =	vld [tilespmem:s10+$0x40];
	v14 =	vadd.f32 v15, v14;
	v15 =	vadd.f32 v41, v40  }
0x356: {  	v52 =	vld [tilespmem:s10+$0xFFFFFFD0];
	v18 =	vadd.f32 v51, v50;
	v5 =	vadd.f32 v5, v39  }
0x357: {  	s4 =	simm.s32 $0x11040;
	v57 =	vld [tilespmem:s10+$0x150];
	v8 =	vadd.f32 v9, v8;
	v14 =	vadd.f32 v15, v14  }
0x358: {  	v9 =	vld [tilespmem:s10+$0x1D0];
	v15 =	vadd.f32 v34, v33;
	[tilespmem:s4+$0x30] =	vst v4;
	v4 =	vadd.f32 v55, v53  }
0x359: {  	v59 =	vld [tilespmem:s10+$0xFFFFFEE0];
	v7 =	vadd.f32 v10, v7;
	v10 =	vadd.f32 v42, v63  }
0x35a: {  	v60 =	vld [tilespmem:s10+$0xFFFFFF60];
	v58 =	vadd.f32 v5, v56;
	v6 =	vadd.f32 v13, v6  }
0x35b: {  	v61 =	vld [tilespmem:s10+$0xFFFFFFE0];
	v15 =	vadd.f32 v54, v15;
	v7 =	vadd.f32 v7, v8  }
0x35c: {  	v13 =	vld [tilespmem:s10+$0xFFFFFE60];
	v8 =	vadd.f32 v48, v45;
	v6 =	vadd.f32 v10, v6  }
0x35d: {  	v5 =	vld [tilespmem:s10+$0x60];
	v9 =	vadd.f32 v9, v57;
	v10 =	vadd.f32 v52, v49  }
0x35e: {  	[tilespmem:s4+$0xFFFFFFD0] =	vst v14;
	v14 =	vadd.f32 v58, v15;
	v15 =	vadd.f32 v6, v7;
	v6 =	vld [tilespmem:s10+$0xE0]  }
0x35f: {  	[tilespmem:s4+$0xFFFFFFE0] =	vst v18;
	v63 =	vadd.f32 v9, v4;
	v9 =	vld [tilespmem:s10+$0x1E0];
	v62 =	vadd.f32 v10, v8  }
0x360: {  	v4 =	vadd.f32 v12, v11;
	[tilespmem:s4+$0xFFFFFFF0] =	vst v14;
	v12 =	vadd.f32 v61, v60;
	v7 =	vld [tilespmem:s10+$0x160]  }
0x361: {  	s9 =	simm.s32 $0x0;
	v10 =	vld [tilespmem:s10+$0xFFFFFE00];
	s10 =	simm.s32 $0x9600;
	v8 =	vadd.f32 v59, v13;
	[tilespmem:s4+$0x0] =	vst v15;
	v11 =	vadd.f32 v63, v62  }
.LBB2_15:
0x362: {  	v13 =	vld [tilespmem:s10+$0xFFFFFE70]  }
0x363: {  	v14 =	vld [tilespmem:s10+$0xFFFFFEF0];
	[tilespmem:s4+$0x10] =	vst v11;
	v5 =	vadd.f32 v6, v5;
	v6 =	vadd.f32 v12, v8  }
0x364: {  	v8 =	vld [tilespmem:s10+$0xFFFFFF70]  }
0x365: {  	v11 =	vld [tilespmem:s10+$0xFFFFFFF0];
	v7 =	vadd.f32 v9, v7  }
0x366: {  	v9 =	vld [tilespmem:s10+$0x70];
	v2 =	vadd.f32 v2, v10  }
0x367: {  	v10 =	vld [tilespmem:s10+$0xF0];
	v5 =	vadd.f32 v7, v5  }
0x368: {  	v7 =	vld [tilespmem:s10+$0x170];
	v3 =	vadd.f32 v3, v2  }
0x369: {  	s9 =	sadd.s32 $0x8, s9;
	v12 =	vld [tilespmem:s10+$0x1F0];
	v5 =	vadd.f32 v5, v6  }
0x36a: {  	p1 =	slt.u32 s9, $0x38;
	v2 =	vld [tilespmem:s10+$0xFFFFFE80];
	v3 =	vadd.f32 v4, v3  }
0x36b: {  	v4 =	vld [tilespmem:s10+$0xFFFFFF00];
	[tilespmem:s4+$0x20] =	vst v5  }
0x36c: {  	v5 =	vld [tilespmem:s10+$0xFFFFFF80];
	[tilespmem:s4+$0xFFFFFFC0] =	vst v3  }
0x36d: {  	v8 =	vadd.f32 v11, v8;
	v3 =	vadd.f32 v14, v13;
	v6 =	vld [tilespmem:s10+$0x0]  }
0x36e: {  	v9 =	vadd.f32 v10, v9;
	v11 =	vld [tilespmem:s10+$0x80];
	v7 =	vadd.f32 v12, v7  }
0x36f: {  	v10 =	vld [tilespmem:s10+$0x100]  }
0x370: {  	v8 =	vadd.f32 v8, v3;
	v12 =	vld [tilespmem:s10+$0x180];
	v7 =	vadd.f32 v7, v9  }
0x371: {  	v3 =	vadd.f32 v5, v4;
	v5 =	vld [tilespmem:s10+$0xFFFFFE10]  }
0x372: {  	v9 =	vld [tilespmem:s10+$0xFFFFFE90];
	v4 =	vadd.f32 v7, v8  }
0x373: {  	s4 =	sadd.s32 $0x80, s4;
	v6 =	vadd.f32 v11, v6;
	v7 =	vld [tilespmem:s10+$0xFFFFFF10]  }
0x374: {  	v8 =	vld [tilespmem:s10+$0xFFFFFF90];
	[tilespmem:s4+$0x30] =	vst v4  }
0x375: {  	v4 =	vadd.f32 v12, v10;
	v10 =	vld [tilespmem:s10+$0x10]  }
0x376: {  	v11 =	vld [tilespmem:s10+$0x90]  }
0x377: {  	v4 =	vadd.f32 v4, v6;
	v6 =	vld [tilespmem:s10+$0x110];
	v5 =	vadd.f32 v9, v5  }
0x378: {  	v9 =	vld [tilespmem:s10+$0x190]  }
0x379: {  	v7 =	vadd.f32 v8, v7;
	v8 =	vld [tilespmem:s10+$0xFFFFFE20]  }
0x37a: {  	v12 =	vld [tilespmem:s10+$0xFFFFFEA0]  }
0x37b: {  	v10 =	vadd.f32 v11, v10;
	v5 =	vadd.f32 v7, v5;
	v7 =	vld [tilespmem:s10+$0xFFFFFF20]  }
0x37c: {  	v11 =	vld [tilespmem:s10+$0xFFFFFFA0]  }
0x37d: {  	v6 =	vadd.f32 v9, v6;
	v9 =	vld [tilespmem:s10+$0x20]  }
0x37e: {  	v13 =	vld [tilespmem:s10+$0xA0]  }
0x37f: {  	v6 =	vadd.f32 v6, v10;
	v10 =	vld [tilespmem:s10+$0x120];
	v8 =	vadd.f32 v12, v8  }
0x380: {  	v12 =	vld [tilespmem:s10+$0x1A0]  }
0x381: {  	v5 =	vadd.f32 v6, v5;
	v6 =	vadd.f32 v11, v7;
	v7 =	vld [tilespmem:s10+$0xFFFFFE30]  }
0x382: {  	v11 =	vld [tilespmem:s10+$0xFFFFFEB0]  }
0x383: {  	[tilespmem:s4+$0xFFFFFFD0] =	vst v5;
	v5 =	vadd.f32 v13, v9;
	v6 =	vadd.f32 v6, v8;
	v8 =	vld [tilespmem:s10+$0xFFFFFF30]  }
0x384: {  	v9 =	vld [tilespmem:s10+$0xFFFFFFB0]  }
0x385: {  	v10 =	vadd.f32 v12, v10;
	v12 =	vld [tilespmem:s10+$0x30]  }
0x386: {  	v13 =	vld [tilespmem:s10+$0xB0]  }
0x387: {  	v5 =	vadd.f32 v10, v5;
	v10 =	vld [tilespmem:s10+$0x130];
	v7 =	vadd.f32 v11, v7  }
0x388: {  	v11 =	vld [tilespmem:s10+$0x1B0]  }
0x389: {  	v5 =	vadd.f32 v5, v6;
	v6 =	vadd.f32 v9, v8;
	v8 =	vld [tilespmem:s10+$0xFFFFFE40]  }
0x38a: {  	v9 =	vld [tilespmem:s10+$0xFFFFFEC0]  }
0x38b: {  	[tilespmem:s4+$0xFFFFFFE0] =	vst v5;
	v5 =	vadd.f32 v13, v12;
	v6 =	vadd.f32 v6, v7;
	v7 =	vld [tilespmem:s10+$0xFFFFFF40]  }
0x38c: {  	v12 =	vld [tilespmem:s10+$0xFFFFFFC0]  }
0x38d: {  	v10 =	vadd.f32 v11, v10;
	v11 =	vld [tilespmem:s10+$0x40]  }
0x38e: {  	v13 =	vld [tilespmem:s10+$0xC0]  }
0x38f: {  	v5 =	vadd.f32 v10, v5;
	v10 =	vld [tilespmem:s10+$0x140];
	v8 =	vadd.f32 v9, v8  }
0x390: {  	v9 =	vld [tilespmem:s10+$0x1C0]  }
0x391: {  	v5 =	vadd.f32 v5, v6;
	v6 =	vadd.f32 v12, v7;
	v7 =	vld [tilespmem:s10+$0xFFFFFE50]  }
0x392: {  	v12 =	vld [tilespmem:s10+$0xFFFFFED0]  }
0x393: {  	[tilespmem:s4+$0xFFFFFFF0] =	vst v5;
	v5 =	vadd.f32 v13, v11;
	v6 =	vadd.f32 v6, v8;
	v8 =	vld [tilespmem:s10+$0xFFFFFF50]  }
0x394: {  	v11 =	vld [tilespmem:s10+$0xFFFFFFD0]  }
0x395: {  	v9 =	vadd.f32 v9, v10;
	v10 =	vld [tilespmem:s10+$0x50]  }
0x396: {  	v13 =	vld [tilespmem:s10+$0xD0]  }
0x397: {  	v5 =	vadd.f32 v9, v5;
	v9 =	vld [tilespmem:s10+$0x150];
	v7 =	vadd.f32 v12, v7  }
0x398: {  	v12 =	vld [tilespmem:s10+$0x1D0]  }
0x399: {  	v5 =	vadd.f32 v5, v6;
	v6 =	vadd.f32 v11, v8;
	v8 =	vld [tilespmem:s10+$0xFFFFFE60]  }
0x39a: {  	v11 =	vld [tilespmem:s10+$0xFFFFFEE0]  }
0x39b: {  	[tilespmem:s4+$0x0] =	vst v5;
	v10 =	vadd.f32 v13, v10;
	v13 =	vadd.f32 v6, v7;
	v14 =	vld [tilespmem:s10+$0xFFFFFF60]  }
0x39c: {  	v15 =	vld [tilespmem:s10+$0xFFFFFFE0]  }
.Ltmp9:
0x39d: {  	v7 =	vadd.f32 v12, v9;
	v5 =	vld [tilespmem:s10+$0x60];
	(pc) =	sbr.rel @p1 .LBB2_15-.Ltmp9, $4  }
0x39e: {  	v6 =	vld [tilespmem:s10+$0xE0]  }
0x39f: {  	v12 =	vadd.f32 v7, v10;
	v7 =	vld [tilespmem:s10+$0x160];
	v8 =	vadd.f32 v11, v8  }
0x3a0: {  	v9 =	vld [tilespmem:s10+$0x1E0]  }
0x3a1: {  	v10 =	vld [tilespmem:s10+$0xFFFFFE00];
	v11 =	vadd.f32 v12, v13;
	v12 =	vadd.f32 v15, v14;
	s10 =	sadd.s32 $0x400, s10  }
0x3a2: {  	_ =	sdelay $0x2  }
0x3a3: {  	v5 =	vadd.f32 v6, v5;
	v6 =	vadd.f32 v9, v7  }
0x3a4: {  	v2 =	vadd.f32 v2, v10  }
0x3a5: {  	v7 =	vadd.f32 v12, v8;
	v5 =	vadd.f32 v6, v5  }
0x3a6: {  	v2 =	vadd.f32 v3, v2  }
0x3a7: {  	v3 =	vadd.f32 v5, v7  }
0x3a8: {  	[tilespmem:s4+$0x10] =	vst v11;
	v2 =	vadd.f32 v4, v2  }
0x3a9: {  	[tilespmem:s4+$0x20] =	vst v3  }
0x3aa: {  	s10 =	sadd.s32 s28, s13;
	[tilespmem:s4+$0xFFFFFFC0] =	vst v2  }
0x3ab: {  	[hbm4b:s10+s18] =	stream.strided.scatter [tilespmem:s31], [sflag:$0x9], $0x400, s19, s18, $0x38;
	[tilespmem:$0x11800] =	vst v63  }
0x3ac: {  	v2 =	vld.msk @!p0 [tilespmem:s29+$0x60], $0xff;
	_ =	sdelay $0x4  }
0x3ad: {  	v3 =	vshll.u32 @!p0 v2, $0x3  }
0x3ae: {  	v4 =	vlaneseq.u32 @!p0;
	v2 =	vand.u32 @!p0 $0x7, v2;
	v3 =	vand.u32 @!p0 $0xFFFFFFC0, v3  }
0x3af: {  	v2 =	vor.u32 @!p0 v2, v3;
	v3 =	vand.u32 @!p0 $0x7, v4;
	v4 =	vshrl.u32 @!p0 v4, $0x3  }
0x3b0: {  	v2 =	vperm.xlane @!p0 v2, v3;
	v3 =	vmul.u32 @!p0 $0x8, v4;
	_ =	sdelay $0x1  }
0x3b1: {  	v2 =	vadd.s32 @!p0 v3, v2;
	_ =	sdelay $0x3  }
0x3b2: {  	s9 =	simm.s32 @!p0 $0x9000;
	s4 =	simm.s32 @!p0 $0x0  }
0x3b3: {  	[tilespmem:s9], [sflag:$0x5] =	stream.indirect_vreg.gather @!p0 [hbm4b:s1+s4], $0x80, v2, vm1, $0xb8;
	[tilespmem:$0x11800] =	vst v63  }
0x3b4: {  	s9 =	simm.s32 @!p0 $0x9800  }
0x3b5: {  	[tilespmem:s9], [sflag:$0x5] =	stream.indirect_vreg.gather @!p0 [hbm4b:s6+s4], $0x80, v2, vm1, $0xb8;
	[tilespmem:$0x11800] =	vst v63  }
0x3b6: {  	s9 =	simm.s32 @!p0 $0xA000  }
0x3b7: {  	[tilespmem:s9], [sflag:$0x5] =	stream.indirect_vreg.gather @!p0 [hbm4b:s7+s4], $0x80, v2, vm1, $0xb8;
	[tilespmem:$0x11800] =	vst v63  }
0x3b8: {  	s9 =	simm.s32 @!p0 $0xA800  }
0x3b9: {  	[tilespmem:s9], [sflag:$0x5] =	stream.indirect_vreg.gather @!p0 [hbm4b:s8+s4], $0x80, v2, vm1, $0xb8;
	[tilespmem:$0x11800] =	vst v63  }
0x3ba: {  	_ =	swait.ge [sflag:s23], $0x2000  }
0x3bb: {  	[sflag:s23] =	ssyncset.done $0x0  }
0x3bc: {  	[sflag:s23] =	ssyncadd.s32 $0xFFFFE000  }
0x3bd: {  	_ =	swait.ge [sflag:s2], $0x400  }
0x3be: {  	[sflag:s2] =	ssyncset.done $0x0  }
0x3bf: {  	s10 =	simm.s32 $0xB200;
	[sflag:s2] =	ssyncadd.s32 $0xFFFFFC00  }
0x3c0: {  	v3 =	vld [tilespmem:s10+$0xFFFFFE70]  }
0x3c1: {  	v4 =	vld [tilespmem:s10+$0xFFFFFEF0]  }
0x3c2: {  	v5 =	vld [tilespmem:s10+$0xFFFFFF70]  }
0x3c3: {  	v6 =	vld [tilespmem:s10+$0xFFFFFFF0]  }
0x3c4: {  	v7 =	vld [tilespmem:s10+$0x70]  }
0x3c5: {  	v8 =	vld [tilespmem:s10+$0xF0]  }
0x3c6: {  	v9 =	vld [tilespmem:s10+$0x170]  }
0x3c7: {  	v10 =	vld [tilespmem:s10+$0x1F0]  }
0x3c8: {  	v2 =	vld [tilespmem:s10+$0xFFFFFE80]  }
0x3c9: {  	v11 =	vld [tilespmem:s10+$0xFFFFFF00]  }
0x3ca: {  	v12 =	vld [tilespmem:s10+$0xFFFFFF80]  }
0x3cb: {  	v13 =	vld [tilespmem:s10+$0x0]  }
0x3cc: {  	v14 =	vld [tilespmem:s10+$0x80]  }
0x3cd: {  	v15 =	vld [tilespmem:s10+$0x100]  }
0x3ce: {  	v16 =	vld [tilespmem:s10+$0x180]  }
0x3cf: {  	v17 =	vld [tilespmem:s10+$0xFFFFFE10]  }
0x3d0: {  	v18 =	vld [tilespmem:s10+$0xFFFFFE90]  }
0x3d1: {  	v19 =	vld [tilespmem:s10+$0xFFFFFF10]  }
0x3d2: {  	v20 =	vld [tilespmem:s10+$0xFFFFFF90]  }
0x3d3: {  	v21 =	vld [tilespmem:s10+$0x10]  }
0x3d4: {  	v22 =	vld [tilespmem:s10+$0x90]  }
0x3d5: {  	v23 =	vld [tilespmem:s10+$0x110]  }
0x3d6: {  	v24 =	vld [tilespmem:s10+$0x190]  }
0x3d7: {  	v25 =	vld [tilespmem:s10+$0xFFFFFE20]  }
0x3d8: {  	v26 =	vld [tilespmem:s10+$0xFFFFFEA0]  }
0x3d9: {  	v27 =	vld [tilespmem:s10+$0xFFFFFF20]  }
0x3da: {  	v28 =	vld [tilespmem:s10+$0xFFFFFFA0]  }
0x3db: {  	v29 =	vld [tilespmem:s10+$0x20]  }
0x3dc: {  	v30 =	vld [tilespmem:s10+$0xA0]  }
0x3dd: {  	v31 =	vld [tilespmem:s10+$0x120]  }
0x3de: {  	v32 =	vld [tilespmem:s10+$0x1A0]  }
0x3df: {  	v33 =	vld [tilespmem:s10+$0xFFFFFE30]  }
0x3e0: {  	v34 =	vld [tilespmem:s10+$0xFFFFFEB0]  }
0x3e1: {  	v35 =	vld [tilespmem:s10+$0xFFFFFF30]  }
0x3e2: {  	v36 =	vld [tilespmem:s10+$0xFFFFFFB0]  }
0x3e3: {  	v37 =	vld [tilespmem:s10+$0x30]  }
0x3e4: {  	v38 =	vld [tilespmem:s10+$0xB0]  }
0x3e5: {  	v39 =	vld [tilespmem:s10+$0x130]  }
0x3e6: {  	v63 =	vld [tilespmem:s10+$0x140]  }
0x3e7: {  	v42 =	vld [tilespmem:s10+$0x1C0]  }
0x3e8: {  	v45 =	vld [tilespmem:s10+$0xFFFFFE50];
	v3 =	vadd.f32 v4, v3;
	v4 =	vadd.f32 v6, v5  }
0x3e9: {  	v48 =	vld [tilespmem:s10+$0xFFFFFED0];
	v6 =	vadd.f32 v8, v7;
	v7 =	vadd.f32 v10, v9  }
0x3ea: {  	v49 =	vld [tilespmem:s10+$0xFFFFFF50];
	v40 =	vadd.f32 v22, v21;
	v41 =	vadd.f32 v24, v23  }
0x3eb: {  	v53 =	vld [tilespmem:s10+$0x50];
	v43 =	vadd.f32 v26, v25;
	v44 =	vadd.f32 v28, v27  }
0x3ec: {  	v55 =	vld [tilespmem:s10+$0xD0];
	v46 =	vadd.f32 v30, v29;
	v47 =	vadd.f32 v32, v31  }
0x3ed: {  	v5 =	vld [tilespmem:s10+$0x1B0];
	v54 =	vadd.f32 v36, v35;
	v56 =	vadd.f32 v38, v37  }
0x3ee: {  	v8 =	vld [tilespmem:s10+$0xFFFFFE40];
	v4 =	vadd.f32 v4, v3;
	v6 =	vadd.f32 v7, v6  }
0x3ef: {  	v9 =	vld [tilespmem:s10+$0xFFFFFEC0];
	v3 =	vadd.f32 v12, v11;
	v11 =	vadd.f32 v14, v13  }
0x3f0: {  	v10 =	vld [tilespmem:s10+$0xFFFFFFC0];
	v12 =	vadd.f32 v16, v15;
	v14 =	vadd.f32 v18, v17  }
0x3f1: {  	v7 =	vld [tilespmem:s10+$0xFFFFFF40];
	v15 =	vadd.f32 v20, v19;
	v50 =	vadd.f32 v44, v43  }
0x3f2: {  	v13 =	vld [tilespmem:s10+$0xC0];
	v51 =	vadd.f32 v47, v46;
	v4 =	vadd.f32 v6, v4  }
0x3f3: {  	v6 =	vld [tilespmem:s10+$0x40];
	v14 =	vadd.f32 v15, v14;
	v15 =	vadd.f32 v41, v40  }
0x3f4: {  	v52 =	vld [tilespmem:s10+$0xFFFFFFD0];
	v18 =	vadd.f32 v51, v50;
	v5 =	vadd.f32 v5, v39  }
0x3f5: {  	s4 =	simm.s32 $0x11440;
	v57 =	vld [tilespmem:s10+$0x150];
	v8 =	vadd.f32 v9, v8;
	v14 =	vadd.f32 v15, v14  }
0x3f6: {  	v9 =	vld [tilespmem:s10+$0x1D0];
	v15 =	vadd.f32 v34, v33;
	[tilespmem:s4+$0x30] =	vst v4;
	v4 =	vadd.f32 v55, v53  }
0x3f7: {  	v59 =	vld [tilespmem:s10+$0xFFFFFEE0];
	v7 =	vadd.f32 v10, v7;
	v10 =	vadd.f32 v42, v63  }
0x3f8: {  	v60 =	vld [tilespmem:s10+$0xFFFFFF60];
	v58 =	vadd.f32 v5, v56;
	v6 =	vadd.f32 v13, v6  }
0x3f9: {  	v61 =	vld [tilespmem:s10+$0xFFFFFFE0];
	v15 =	vadd.f32 v54, v15;
	v7 =	vadd.f32 v7, v8  }
0x3fa: {  	v13 =	vld [tilespmem:s10+$0xFFFFFE60];
	v8 =	vadd.f32 v48, v45;
	v6 =	vadd.f32 v10, v6  }
0x3fb: {  	v5 =	vld [tilespmem:s10+$0x60];
	v9 =	vadd.f32 v9, v57;
	v10 =	vadd.f32 v52, v49  }
0x3fc: {  	[tilespmem:s4+$0xFFFFFFD0] =	vst v14;
	v14 =	vadd.f32 v58, v15;
	v15 =	vadd.f32 v6, v7;
	v6 =	vld [tilespmem:s10+$0xE0]  }
0x3fd: {  	[tilespmem:s4+$0xFFFFFFE0] =	vst v18;
	v63 =	vadd.f32 v9, v4;
	v9 =	vld [tilespmem:s10+$0x1E0];
	v62 =	vadd.f32 v10, v8  }
0x3fe: {  	v4 =	vadd.f32 v12, v11;
	[tilespmem:s4+$0xFFFFFFF0] =	vst v14;
	v12 =	vadd.f32 v61, v60;
	v7 =	vld [tilespmem:s10+$0x160]  }
0x3ff: {  	s9 =	simm.s32 $0x0;
	v10 =	vld [tilespmem:s10+$0xFFFFFE00];
	s10 =	simm.s32 $0xB600;
	v8 =	vadd.f32 v59, v13;
	[tilespmem:s4+$0x0] =	vst v15;
	v11 =	vadd.f32 v63, v62  }
.LBB2_17:
0x400: {  	v13 =	vld [tilespmem:s10+$0xFFFFFE70]  }
0x401: {  	v14 =	vld [tilespmem:s10+$0xFFFFFEF0];
	[tilespmem:s4+$0x10] =	vst v11;
	v5 =	vadd.f32 v6, v5;
	v6 =	vadd.f32 v12, v8  }
0x402: {  	v8 =	vld [tilespmem:s10+$0xFFFFFF70]  }
0x403: {  	v11 =	vld [tilespmem:s10+$0xFFFFFFF0];
	v7 =	vadd.f32 v9, v7  }
0x404: {  	v9 =	vld [tilespmem:s10+$0x70];
	v2 =	vadd.f32 v2, v10  }
0x405: {  	v10 =	vld [tilespmem:s10+$0xF0];
	v5 =	vadd.f32 v7, v5  }
0x406: {  	v7 =	vld [tilespmem:s10+$0x170];
	v3 =	vadd.f32 v3, v2  }
0x407: {  	s9 =	sadd.s32 $0x8, s9;
	v12 =	vld [tilespmem:s10+$0x1F0];
	v5 =	vadd.f32 v5, v6  }
0x408: {  	p1 =	slt.u32 s9, $0x38;
	v2 =	vld [tilespmem:s10+$0xFFFFFE80];
	v3 =	vadd.f32 v4, v3  }
0x409: {  	v4 =	vld [tilespmem:s10+$0xFFFFFF00];
	[tilespmem:s4+$0x20] =	vst v5  }
0x40a: {  	v5 =	vld [tilespmem:s10+$0xFFFFFF80];
	[tilespmem:s4+$0xFFFFFFC0] =	vst v3  }
0x40b: {  	v8 =	vadd.f32 v11, v8;
	v3 =	vadd.f32 v14, v13;
	v6 =	vld [tilespmem:s10+$0x0]  }
0x40c: {  	v9 =	vadd.f32 v10, v9;
	v11 =	vld [tilespmem:s10+$0x80];
	v7 =	vadd.f32 v12, v7  }
0x40d: {  	v10 =	vld [tilespmem:s10+$0x100]  }
0x40e: {  	v8 =	vadd.f32 v8, v3;
	v12 =	vld [tilespmem:s10+$0x180];
	v7 =	vadd.f32 v7, v9  }
0x40f: {  	v3 =	vadd.f32 v5, v4;
	v5 =	vld [tilespmem:s10+$0xFFFFFE10]  }
0x410: {  	v9 =	vld [tilespmem:s10+$0xFFFFFE90];
	v4 =	vadd.f32 v7, v8  }
0x411: {  	s4 =	sadd.s32 $0x80, s4;
	v6 =	vadd.f32 v11, v6;
	v7 =	vld [tilespmem:s10+$0xFFFFFF10]  }
0x412: {  	v8 =	vld [tilespmem:s10+$0xFFFFFF90];
	[tilespmem:s4+$0x30] =	vst v4  }
0x413: {  	v4 =	vadd.f32 v12, v10;
	v10 =	vld [tilespmem:s10+$0x10]  }
0x414: {  	v11 =	vld [tilespmem:s10+$0x90]  }
0x415: {  	v4 =	vadd.f32 v4, v6;
	v6 =	vld [tilespmem:s10+$0x110];
	v5 =	vadd.f32 v9, v5  }
0x416: {  	v9 =	vld [tilespmem:s10+$0x190]  }
0x417: {  	v7 =	vadd.f32 v8, v7;
	v8 =	vld [tilespmem:s10+$0xFFFFFE20]  }
0x418: {  	v12 =	vld [tilespmem:s10+$0xFFFFFEA0]  }
0x419: {  	v10 =	vadd.f32 v11, v10;
	v5 =	vadd.f32 v7, v5;
	v7 =	vld [tilespmem:s10+$0xFFFFFF20]  }
0x41a: {  	v11 =	vld [tilespmem:s10+$0xFFFFFFA0]  }
0x41b: {  	v6 =	vadd.f32 v9, v6;
	v9 =	vld [tilespmem:s10+$0x20]  }
0x41c: {  	v13 =	vld [tilespmem:s10+$0xA0]  }
0x41d: {  	v6 =	vadd.f32 v6, v10;
	v10 =	vld [tilespmem:s10+$0x120];
	v8 =	vadd.f32 v12, v8  }
0x41e: {  	v12 =	vld [tilespmem:s10+$0x1A0]  }
0x41f: {  	v5 =	vadd.f32 v6, v5;
	v6 =	vadd.f32 v11, v7;
	v7 =	vld [tilespmem:s10+$0xFFFFFE30]  }
0x420: {  	v11 =	vld [tilespmem:s10+$0xFFFFFEB0]  }
0x421: {  	[tilespmem:s4+$0xFFFFFFD0] =	vst v5;
	v5 =	vadd.f32 v13, v9;
	v6 =	vadd.f32 v6, v8;
	v8 =	vld [tilespmem:s10+$0xFFFFFF30]  }
0x422: {  	v9 =	vld [tilespmem:s10+$0xFFFFFFB0]  }
0x423: {  	v10 =	vadd.f32 v12, v10;
	v12 =	vld [tilespmem:s10+$0x30]  }
0x424: {  	v13 =	vld [tilespmem:s10+$0xB0]  }
0x425: {  	v5 =	vadd.f32 v10, v5;
	v10 =	vld [tilespmem:s10+$0x130];
	v7 =	vadd.f32 v11, v7  }
0x426: {  	v11 =	vld [tilespmem:s10+$0x1B0]  }
0x427: {  	v5 =	vadd.f32 v5, v6;
	v6 =	vadd.f32 v9, v8;
	v8 =	vld [tilespmem:s10+$0xFFFFFE40]  }
0x428: {  	v9 =	vld [tilespmem:s10+$0xFFFFFEC0]  }
0x429: {  	[tilespmem:s4+$0xFFFFFFE0] =	vst v5;
	v5 =	vadd.f32 v13, v12;
	v6 =	vadd.f32 v6, v7;
	v7 =	vld [tilespmem:s10+$0xFFFFFF40]  }
0x42a: {  	v12 =	vld [tilespmem:s10+$0xFFFFFFC0]  }
0x42b: {  	v10 =	vadd.f32 v11, v10;
	v11 =	vld [tilespmem:s10+$0x40]  }
0x42c: {  	v13 =	vld [tilespmem:s10+$0xC0]  }
0x42d: {  	v5 =	vadd.f32 v10, v5;
	v10 =	vld [tilespmem:s10+$0x140];
	v8 =	vadd.f32 v9, v8  }
0x42e: {  	v9 =	vld [tilespmem:s10+$0x1C0]  }
0x42f: {  	v5 =	vadd.f32 v5, v6;
	v6 =	vadd.f32 v12, v7;
	v7 =	vld [tilespmem:s10+$0xFFFFFE50]  }
0x430: {  	v12 =	vld [tilespmem:s10+$0xFFFFFED0]  }
0x431: {  	[tilespmem:s4+$0xFFFFFFF0] =	vst v5;
	v5 =	vadd.f32 v13, v11;
	v6 =	vadd.f32 v6, v8;
	v8 =	vld [tilespmem:s10+$0xFFFFFF50]  }
0x432: {  	v11 =	vld [tilespmem:s10+$0xFFFFFFD0]  }
0x433: {  	v9 =	vadd.f32 v9, v10;
	v10 =	vld [tilespmem:s10+$0x50]  }
0x434: {  	v13 =	vld [tilespmem:s10+$0xD0]  }
0x435: {  	v5 =	vadd.f32 v9, v5;
	v9 =	vld [tilespmem:s10+$0x150];
	v7 =	vadd.f32 v12, v7  }
0x436: {  	v12 =	vld [tilespmem:s10+$0x1D0]  }
0x437: {  	v5 =	vadd.f32 v5, v6;
	v6 =	vadd.f32 v11, v8;
	v8 =	vld [tilespmem:s10+$0xFFFFFE60]  }
0x438: {  	v11 =	vld [tilespmem:s10+$0xFFFFFEE0]  }
0x439: {  	[tilespmem:s4+$0x0] =	vst v5;
	v10 =	vadd.f32 v13, v10;
	v13 =	vadd.f32 v6, v7;
	v14 =	vld [tilespmem:s10+$0xFFFFFF60]  }
0x43a: {  	v15 =	vld [tilespmem:s10+$0xFFFFFFE0]  }
.Ltmp10:
0x43b: {  	v7 =	vadd.f32 v12, v9;
	v5 =	vld [tilespmem:s10+$0x60];
	(pc) =	sbr.rel @p1 .LBB2_17-.Ltmp10, $4  }
0x43c: {  	v6 =	vld [tilespmem:s10+$0xE0]  }
0x43d: {  	v12 =	vadd.f32 v7, v10;
	v7 =	vld [tilespmem:s10+$0x160];
	v8 =	vadd.f32 v11, v8  }
0x43e: {  	v9 =	vld [tilespmem:s10+$0x1E0]  }
0x43f: {  	v10 =	vld [tilespmem:s10+$0xFFFFFE00];
	v11 =	vadd.f32 v12, v13;
	v12 =	vadd.f32 v15, v14;
	s10 =	sadd.s32 $0x400, s10  }
0x440: {  	_ =	sdelay $0x2  }
0x441: {  	v5 =	vadd.f32 v6, v5;
	v6 =	vadd.f32 v9, v7  }
0x442: {  	v2 =	vadd.f32 v2, v10  }
0x443: {  	v7 =	vadd.f32 v12, v8;
	v5 =	vadd.f32 v6, v5  }
0x444: {  	v2 =	vadd.f32 v3, v2  }
0x445: {  	v3 =	vadd.f32 v5, v7  }
0x446: {  	[tilespmem:s4+$0x10] =	vst v11;
	v2 =	vadd.f32 v4, v2  }
0x447: {  	[tilespmem:s4+$0x20] =	vst v3  }
0x448: {  	s10 =	sadd.s32 s28, s14;
	[tilespmem:s4+$0xFFFFFFC0] =	vst v2  }
0x449: {  	[hbm4b:s10+s18] =	stream.strided.scatter [tilespmem:s5], [sflag:$0xA], $0x400, s19, s18, $0x38;
	[tilespmem:$0x11800] =	vst v63  }
0x44a: {  	v2 =	vld.msk @!p0 [tilespmem:s29+$0x68], $0xff;
	_ =	sdelay $0x4  }
0x44b: {  	v3 =	vshll.u32 @!p0 v2, $0x3  }
0x44c: {  	v4 =	vlaneseq.u32 @!p0;
	v2 =	vand.u32 @!p0 $0x7, v2;
	v3 =	vand.u32 @!p0 $0xFFFFFFC0, v3  }
0x44d: {  	v2 =	vor.u32 @!p0 v2, v3;
	v3 =	vand.u32 @!p0 $0x7, v4;
	v4 =	vshrl.u32 @!p0 v4, $0x3  }
0x44e: {  	v2 =	vperm.xlane @!p0 v2, v3;
	v3 =	vmul.u32 @!p0 $0x8, v4;
	_ =	sdelay $0x1  }
0x44f: {  	v2 =	vadd.s32 @!p0 v3, v2;
	_ =	sdelay $0x3  }
0x450: {  	s9 =	simm.s32 @!p0 $0xB000;
	s4 =	simm.s32 @!p0 $0x0  }
0x451: {  	[tilespmem:s9], [sflag:$0x6] =	stream.indirect_vreg.gather @!p0 [hbm4b:s1+s4], $0x80, v2, vm1, $0xb8;
	[tilespmem:$0x11800] =	vst v63  }
0x452: {  	s9 =	simm.s32 @!p0 $0xB800  }
0x453: {  	[tilespmem:s9], [sflag:$0x6] =	stream.indirect_vreg.gather @!p0 [hbm4b:s6+s4], $0x80, v2, vm1, $0xb8;
	[tilespmem:$0x11800] =	vst v63  }
0x454: {  	s9 =	simm.s32 @!p0 $0xC000  }
0x455: {  	[tilespmem:s9], [sflag:$0x6] =	stream.indirect_vreg.gather @!p0 [hbm4b:s7+s4], $0x80, v2, vm1, $0xb8;
	[tilespmem:$0x11800] =	vst v63  }
0x456: {  	s9 =	simm.s32 @!p0 $0xC800  }
0x457: {  	[tilespmem:s9], [sflag:$0x6] =	stream.indirect_vreg.gather @!p0 [hbm4b:s8+s4], $0x80, v2, vm1, $0xb8;
	[tilespmem:$0x11800] =	vst v63  }
0x458: {  	_ =	swait.ge [sflag:s24], $0x2000  }
0x459: {  	[sflag:s24] =	ssyncset.done $0x0  }
0x45a: {  	[sflag:s24] =	ssyncadd.s32 $0xFFFFE000  }
0x45b: {  	_ =	swait.ge [sflag:s20], $0x400  }
0x45c: {  	[sflag:s20] =	ssyncset.done $0x0  }
0x45d: {  	s10 =	simm.s32 $0xD200;
	[sflag:s20] =	ssyncadd.s32 $0xFFFFFC00  }
0x45e: {  	v3 =	vld [tilespmem:s10+$0xFFFFFE70]  }
0x45f: {  	v4 =	vld [tilespmem:s10+$0xFFFFFEF0]  }
0x460: {  	v5 =	vld [tilespmem:s10+$0xFFFFFF70]  }
0x461: {  	v6 =	vld [tilespmem:s10+$0xFFFFFFF0]  }
0x462: {  	v7 =	vld [tilespmem:s10+$0x70]  }
0x463: {  	v8 =	vld [tilespmem:s10+$0xF0]  }
0x464: {  	v9 =	vld [tilespmem:s10+$0x170]  }
0x465: {  	v10 =	vld [tilespmem:s10+$0x1F0]  }
0x466: {  	v2 =	vld [tilespmem:s10+$0xFFFFFE80]  }
0x467: {  	v11 =	vld [tilespmem:s10+$0xFFFFFF00]  }
0x468: {  	v12 =	vld [tilespmem:s10+$0xFFFFFF80]  }
0x469: {  	v13 =	vld [tilespmem:s10+$0x0]  }
0x46a: {  	v14 =	vld [tilespmem:s10+$0x80]  }
0x46b: {  	v15 =	vld [tilespmem:s10+$0x100]  }
0x46c: {  	v16 =	vld [tilespmem:s10+$0x180]  }
0x46d: {  	v17 =	vld [tilespmem:s10+$0xFFFFFE10]  }
0x46e: {  	v18 =	vld [tilespmem:s10+$0xFFFFFE90]  }
0x46f: {  	v19 =	vld [tilespmem:s10+$0xFFFFFF10]  }
0x470: {  	v20 =	vld [tilespmem:s10+$0xFFFFFF90]  }
0x471: {  	v21 =	vld [tilespmem:s10+$0x10]  }
0x472: {  	v22 =	vld [tilespmem:s10+$0x90]  }
0x473: {  	v23 =	vld [tilespmem:s10+$0x110]  }
0x474: {  	v24 =	vld [tilespmem:s10+$0x190]  }
0x475: {  	v25 =	vld [tilespmem:s10+$0xFFFFFE20]  }
0x476: {  	v26 =	vld [tilespmem:s10+$0xFFFFFEA0]  }
0x477: {  	v27 =	vld [tilespmem:s10+$0xFFFFFF20]  }
0x478: {  	v28 =	vld [tilespmem:s10+$0xFFFFFFA0]  }
0x479: {  	v29 =	vld [tilespmem:s10+$0x20]  }
0x47a: {  	v30 =	vld [tilespmem:s10+$0xA0]  }
0x47b: {  	v31 =	vld [tilespmem:s10+$0x120]  }
0x47c: {  	v32 =	vld [tilespmem:s10+$0x1A0]  }
0x47d: {  	v33 =	vld [tilespmem:s10+$0xFFFFFE30]  }
0x47e: {  	v34 =	vld [tilespmem:s10+$0xFFFFFEB0]  }
0x47f: {  	v35 =	vld [tilespmem:s10+$0xFFFFFF30]  }
0x480: {  	v36 =	vld [tilespmem:s10+$0xFFFFFFB0]  }
0x481: {  	v37 =	vld [tilespmem:s10+$0x30]  }
0x482: {  	v38 =	vld [tilespmem:s10+$0xB0]  }
0x483: {  	v39 =	vld [tilespmem:s10+$0x130]  }
0x484: {  	v63 =	vld [tilespmem:s10+$0x140]  }
0x485: {  	v42 =	vld [tilespmem:s10+$0x1C0]  }
0x486: {  	v45 =	vld [tilespmem:s10+$0xFFFFFE50];
	v3 =	vadd.f32 v4, v3;
	v4 =	vadd.f32 v6, v5  }
0x487: {  	v48 =	vld [tilespmem:s10+$0xFFFFFED0];
	v6 =	vadd.f32 v8, v7;
	v7 =	vadd.f32 v10, v9  }
0x488: {  	v49 =	vld [tilespmem:s10+$0xFFFFFF50];
	v40 =	vadd.f32 v22, v21;
	v41 =	vadd.f32 v24, v23  }
0x489: {  	v53 =	vld [tilespmem:s10+$0x50];
	v43 =	vadd.f32 v26, v25;
	v44 =	vadd.f32 v28, v27  }
0x48a: {  	v55 =	vld [tilespmem:s10+$0xD0];
	v46 =	vadd.f32 v30, v29;
	v47 =	vadd.f32 v32, v31  }
0x48b: {  	v5 =	vld [tilespmem:s10+$0x1B0];
	v54 =	vadd.f32 v36, v35;
	v56 =	vadd.f32 v38, v37  }
0x48c: {  	v8 =	vld [tilespmem:s10+$0xFFFFFE40];
	v4 =	vadd.f32 v4, v3;
	v6 =	vadd.f32 v7, v6  }
0x48d: {  	v9 =	vld [tilespmem:s10+$0xFFFFFEC0];
	v3 =	vadd.f32 v12, v11;
	v11 =	vadd.f32 v14, v13  }
0x48e: {  	v10 =	vld [tilespmem:s10+$0xFFFFFFC0];
	v12 =	vadd.f32 v16, v15;
	v14 =	vadd.f32 v18, v17  }
0x48f: {  	v7 =	vld [tilespmem:s10+$0xFFFFFF40];
	v15 =	vadd.f32 v20, v19;
	v50 =	vadd.f32 v44, v43  }
0x490: {  	v13 =	vld [tilespmem:s10+$0xC0];
	v51 =	vadd.f32 v47, v46;
	v4 =	vadd.f32 v6, v4  }
0x491: {  	v6 =	vld [tilespmem:s10+$0x40];
	v14 =	vadd.f32 v15, v14;
	v15 =	vadd.f32 v41, v40  }
0x492: {  	v52 =	vld [tilespmem:s10+$0xFFFFFFD0];
	v18 =	vadd.f32 v51, v50;
	v5 =	vadd.f32 v5, v39  }
0x493: {  	s4 =	simm.s32 $0x11040;
	v57 =	vld [tilespmem:s10+$0x150];
	v8 =	vadd.f32 v9, v8;
	v14 =	vadd.f32 v15, v14  }
0x494: {  	v9 =	vld [tilespmem:s10+$0x1D0];
	v15 =	vadd.f32 v34, v33;
	[tilespmem:s4+$0x30] =	vst v4;
	v4 =	vadd.f32 v55, v53  }
0x495: {  	v59 =	vld [tilespmem:s10+$0xFFFFFEE0];
	v7 =	vadd.f32 v10, v7;
	v10 =	vadd.f32 v42, v63  }
0x496: {  	v60 =	vld [tilespmem:s10+$0xFFFFFF60];
	v58 =	vadd.f32 v5, v56;
	v6 =	vadd.f32 v13, v6  }
0x497: {  	v61 =	vld [tilespmem:s10+$0xFFFFFFE0];
	v15 =	vadd.f32 v54, v15;
	v7 =	vadd.f32 v7, v8  }
0x498: {  	v13 =	vld [tilespmem:s10+$0xFFFFFE60];
	v8 =	vadd.f32 v48, v45;
	v6 =	vadd.f32 v10, v6  }
0x499: {  	v5 =	vld [tilespmem:s10+$0x60];
	v9 =	vadd.f32 v9, v57;
	v10 =	vadd.f32 v52, v49  }
0x49a: {  	[tilespmem:s4+$0xFFFFFFD0] =	vst v14;
	v14 =	vadd.f32 v58, v15;
	v15 =	vadd.f32 v6, v7;
	v6 =	vld [tilespmem:s10+$0xE0]  }
0x49b: {  	[tilespmem:s4+$0xFFFFFFE0] =	vst v18;
	v63 =	vadd.f32 v9, v4;
	v9 =	vld [tilespmem:s10+$0x1E0];
	v62 =	vadd.f32 v10, v8  }
0x49c: {  	v4 =	vadd.f32 v12, v11;
	[tilespmem:s4+$0xFFFFFFF0] =	vst v14;
	v12 =	vadd.f32 v61, v60;
	v7 =	vld [tilespmem:s10+$0x160]  }
0x49d: {  	s9 =	simm.s32 $0x0;
	v10 =	vld [tilespmem:s10+$0xFFFFFE00];
	s10 =	simm.s32 $0xD600;
	v8 =	vadd.f32 v59, v13;
	[tilespmem:s4+$0x0] =	vst v15;
	v11 =	vadd.f32 v63, v62  }
.LBB2_19:
0x49e: {  	v13 =	vld [tilespmem:s10+$0xFFFFFE70]  }
0x49f: {  	v14 =	vld [tilespmem:s10+$0xFFFFFEF0];
	[tilespmem:s4+$0x10] =	vst v11;
	v5 =	vadd.f32 v6, v5;
	v6 =	vadd.f32 v12, v8  }
0x4a0: {  	v8 =	vld [tilespmem:s10+$0xFFFFFF70]  }
0x4a1: {  	v11 =	vld [tilespmem:s10+$0xFFFFFFF0];
	v7 =	vadd.f32 v9, v7  }
0x4a2: {  	v9 =	vld [tilespmem:s10+$0x70];
	v2 =	vadd.f32 v2, v10  }
0x4a3: {  	v10 =	vld [tilespmem:s10+$0xF0];
	v5 =	vadd.f32 v7, v5  }
0x4a4: {  	v7 =	vld [tilespmem:s10+$0x170];
	v3 =	vadd.f32 v3, v2  }
0x4a5: {  	s9 =	sadd.s32 $0x8, s9;
	v12 =	vld [tilespmem:s10+$0x1F0];
	v5 =	vadd.f32 v5, v6  }
0x4a6: {  	p1 =	slt.u32 s9, $0x38;
	v2 =	vld [tilespmem:s10+$0xFFFFFE80];
	v3 =	vadd.f32 v4, v3  }
0x4a7: {  	v4 =	vld [tilespmem:s10+$0xFFFFFF00];
	[tilespmem:s4+$0x20] =	vst v5  }
0x4a8: {  	v5 =	vld [tilespmem:s10+$0xFFFFFF80];
	[tilespmem:s4+$0xFFFFFFC0] =	vst v3  }
0x4a9: {  	v8 =	vadd.f32 v11, v8;
	v3 =	vadd.f32 v14, v13;
	v6 =	vld [tilespmem:s10+$0x0]  }
0x4aa: {  	v9 =	vadd.f32 v10, v9;
	v11 =	vld [tilespmem:s10+$0x80];
	v7 =	vadd.f32 v12, v7  }
0x4ab: {  	v10 =	vld [tilespmem:s10+$0x100]  }
0x4ac: {  	v8 =	vadd.f32 v8, v3;
	v12 =	vld [tilespmem:s10+$0x180];
	v7 =	vadd.f32 v7, v9  }
0x4ad: {  	v3 =	vadd.f32 v5, v4;
	v5 =	vld [tilespmem:s10+$0xFFFFFE10]  }
0x4ae: {  	v9 =	vld [tilespmem:s10+$0xFFFFFE90];
	v4 =	vadd.f32 v7, v8  }
0x4af: {  	s4 =	sadd.s32 $0x80, s4;
	v6 =	vadd.f32 v11, v6;
	v7 =	vld [tilespmem:s10+$0xFFFFFF10]  }
0x4b0: {  	v8 =	vld [tilespmem:s10+$0xFFFFFF90];
	[tilespmem:s4+$0x30] =	vst v4  }
0x4b1: {  	v4 =	vadd.f32 v12, v10;
	v10 =	vld [tilespmem:s10+$0x10]  }
0x4b2: {  	v11 =	vld [tilespmem:s10+$0x90]  }
0x4b3: {  	v4 =	vadd.f32 v4, v6;
	v6 =	vld [tilespmem:s10+$0x110];
	v5 =	vadd.f32 v9, v5  }
0x4b4: {  	v9 =	vld [tilespmem:s10+$0x190]  }
0x4b5: {  	v7 =	vadd.f32 v8, v7;
	v8 =	vld [tilespmem:s10+$0xFFFFFE20]  }
0x4b6: {  	v12 =	vld [tilespmem:s10+$0xFFFFFEA0]  }
0x4b7: {  	v10 =	vadd.f32 v11, v10;
	v5 =	vadd.f32 v7, v5;
	v7 =	vld [tilespmem:s10+$0xFFFFFF20]  }
0x4b8: {  	v11 =	vld [tilespmem:s10+$0xFFFFFFA0]  }
0x4b9: {  	v6 =	vadd.f32 v9, v6;
	v9 =	vld [tilespmem:s10+$0x20]  }
0x4ba: {  	v13 =	vld [tilespmem:s10+$0xA0]  }
0x4bb: {  	v6 =	vadd.f32 v6, v10;
	v10 =	vld [tilespmem:s10+$0x120];
	v8 =	vadd.f32 v12, v8  }
0x4bc: {  	v12 =	vld [tilespmem:s10+$0x1A0]  }
0x4bd: {  	v5 =	vadd.f32 v6, v5;
	v6 =	vadd.f32 v11, v7;
	v7 =	vld [tilespmem:s10+$0xFFFFFE30]  }
0x4be: {  	v11 =	vld [tilespmem:s10+$0xFFFFFEB0]  }
0x4bf: {  	[tilespmem:s4+$0xFFFFFFD0] =	vst v5;
	v5 =	vadd.f32 v13, v9;
	v6 =	vadd.f32 v6, v8;
	v8 =	vld [tilespmem:s10+$0xFFFFFF30]  }
0x4c0: {  	v9 =	vld [tilespmem:s10+$0xFFFFFFB0]  }
0x4c1: {  	v10 =	vadd.f32 v12, v10;
	v12 =	vld [tilespmem:s10+$0x30]  }
0x4c2: {  	v13 =	vld [tilespmem:s10+$0xB0]  }
0x4c3: {  	v5 =	vadd.f32 v10, v5;
	v10 =	vld [tilespmem:s10+$0x130];
	v7 =	vadd.f32 v11, v7  }
0x4c4: {  	v11 =	vld [tilespmem:s10+$0x1B0]  }
0x4c5: {  	v5 =	vadd.f32 v5, v6;
	v6 =	vadd.f32 v9, v8;
	v8 =	vld [tilespmem:s10+$0xFFFFFE40]  }
0x4c6: {  	v9 =	vld [tilespmem:s10+$0xFFFFFEC0]  }
0x4c7: {  	[tilespmem:s4+$0xFFFFFFE0] =	vst v5;
	v5 =	vadd.f32 v13, v12;
	v6 =	vadd.f32 v6, v7;
	v7 =	vld [tilespmem:s10+$0xFFFFFF40]  }
0x4c8: {  	v12 =	vld [tilespmem:s10+$0xFFFFFFC0]  }
0x4c9: {  	v10 =	vadd.f32 v11, v10;
	v11 =	vld [tilespmem:s10+$0x40]  }
0x4ca: {  	v13 =	vld [tilespmem:s10+$0xC0]  }
0x4cb: {  	v5 =	vadd.f32 v10, v5;
	v10 =	vld [tilespmem:s10+$0x140];
	v8 =	vadd.f32 v9, v8  }
0x4cc: {  	v9 =	vld [tilespmem:s10+$0x1C0]  }
0x4cd: {  	v5 =	vadd.f32 v5, v6;
	v6 =	vadd.f32 v12, v7;
	v7 =	vld [tilespmem:s10+$0xFFFFFE50]  }
0x4ce: {  	v12 =	vld [tilespmem:s10+$0xFFFFFED0]  }
0x4cf: {  	[tilespmem:s4+$0xFFFFFFF0] =	vst v5;
	v5 =	vadd.f32 v13, v11;
	v6 =	vadd.f32 v6, v8;
	v8 =	vld [tilespmem:s10+$0xFFFFFF50]  }
0x4d0: {  	v11 =	vld [tilespmem:s10+$0xFFFFFFD0]  }
0x4d1: {  	v9 =	vadd.f32 v9, v10;
	v10 =	vld [tilespmem:s10+$0x50]  }
0x4d2: {  	v13 =	vld [tilespmem:s10+$0xD0]  }
0x4d3: {  	v5 =	vadd.f32 v9, v5;
	v9 =	vld [tilespmem:s10+$0x150];
	v7 =	vadd.f32 v12, v7  }
0x4d4: {  	v12 =	vld [tilespmem:s10+$0x1D0]  }
0x4d5: {  	v5 =	vadd.f32 v5, v6;
	v6 =	vadd.f32 v11, v8;
	v8 =	vld [tilespmem:s10+$0xFFFFFE60]  }
0x4d6: {  	v11 =	vld [tilespmem:s10+$0xFFFFFEE0]  }
0x4d7: {  	[tilespmem:s4+$0x0] =	vst v5;
	v10 =	vadd.f32 v13, v10;
	v13 =	vadd.f32 v6, v7;
	v14 =	vld [tilespmem:s10+$0xFFFFFF60]  }
0x4d8: {  	v15 =	vld [tilespmem:s10+$0xFFFFFFE0]  }
.Ltmp11:
0x4d9: {  	v7 =	vadd.f32 v12, v9;
	v5 =	vld [tilespmem:s10+$0x60];
	(pc) =	sbr.rel @p1 .LBB2_19-.Ltmp11, $4  }
0x4da: {  	v6 =	vld [tilespmem:s10+$0xE0]  }
0x4db: {  	v12 =	vadd.f32 v7, v10;
	v7 =	vld [tilespmem:s10+$0x160];
	v8 =	vadd.f32 v11, v8  }
0x4dc: {  	v9 =	vld [tilespmem:s10+$0x1E0]  }
0x4dd: {  	v10 =	vld [tilespmem:s10+$0xFFFFFE00];
	v11 =	vadd.f32 v12, v13;
	v12 =	vadd.f32 v15, v14;
	s10 =	sadd.s32 $0x400, s10  }
0x4de: {  	_ =	sdelay $0x2  }
0x4df: {  	v5 =	vadd.f32 v6, v5;
	v6 =	vadd.f32 v9, v7  }
0x4e0: {  	v2 =	vadd.f32 v2, v10  }
0x4e1: {  	v7 =	vadd.f32 v12, v8;
	v5 =	vadd.f32 v6, v5  }
0x4e2: {  	v2 =	vadd.f32 v3, v2  }
0x4e3: {  	v3 =	vadd.f32 v5, v7  }
0x4e4: {  	[tilespmem:s4+$0x10] =	vst v11;
	v2 =	vadd.f32 v4, v2  }
0x4e5: {  	[tilespmem:s4+$0x20] =	vst v3  }
0x4e6: {  	s10 =	sadd.s32 s28, s15;
	[tilespmem:s4+$0xFFFFFFC0] =	vst v2  }
0x4e7: {  	[hbm4b:s10+s18] =	stream.strided.scatter [tilespmem:s31], [sflag:$0x9], $0x400, s19, s18, $0x38;
	[tilespmem:$0x11800] =	vst v63  }
0x4e8: {  	v2 =	vld.msk @!p0 [tilespmem:s29+$0x70], $0xff;
	_ =	sdelay $0x4  }
0x4e9: {  	v3 =	vshll.u32 @!p0 v2, $0x3  }
0x4ea: {  	v4 =	vlaneseq.u32 @!p0;
	v2 =	vand.u32 @!p0 $0x7, v2;
	v3 =	vand.u32 @!p0 $0xFFFFFFC0, v3  }
0x4eb: {  	v2 =	vor.u32 @!p0 v2, v3;
	v3 =	vand.u32 @!p0 $0x7, v4;
	v4 =	vshrl.u32 @!p0 v4, $0x3  }
0x4ec: {  	v2 =	vperm.xlane @!p0 v2, v3;
	v3 =	vmul.u32 @!p0 $0x8, v4;
	_ =	sdelay $0x1  }
0x4ed: {  	v2 =	vadd.s32 @!p0 v3, v2;
	_ =	sdelay $0x3  }
0x4ee: {  	s9 =	simm.s32 @!p0 $0xD000;
	s4 =	simm.s32 @!p0 $0x0  }
0x4ef: {  	[tilespmem:s9], [sflag:$0x7] =	stream.indirect_vreg.gather @!p0 [hbm4b:s1+s4], $0x80, v2, vm1, $0xb8;
	[tilespmem:$0x11800] =	vst v63  }
0x4f0: {  	s9 =	simm.s32 @!p0 $0xD800  }
0x4f1: {  	[tilespmem:s9], [sflag:$0x7] =	stream.indirect_vreg.gather @!p0 [hbm4b:s6+s4], $0x80, v2, vm1, $0xb8;
	[tilespmem:$0x11800] =	vst v63  }
0x4f2: {  	s9 =	simm.s32 @!p0 $0xE000  }
0x4f3: {  	[tilespmem:s9], [sflag:$0x7] =	stream.indirect_vreg.gather @!p0 [hbm4b:s7+s4], $0x80, v2, vm1, $0xb8;
	[tilespmem:$0x11800] =	vst v63  }
0x4f4: {  	s9 =	simm.s32 @!p0 $0xE800  }
0x4f5: {  	[tilespmem:s9], [sflag:$0x7] =	stream.indirect_vreg.gather @!p0 [hbm4b:s8+s4], $0x80, v2, vm1, $0xb8;
	[tilespmem:$0x11800] =	vst v63  }
0x4f6: {  	_ =	swait.ge [sflag:s25], $0x2000  }
0x4f7: {  	[sflag:s25] =	ssyncset.done $0x0  }
0x4f8: {  	[sflag:s25] =	ssyncadd.s32 $0xFFFFE000  }
0x4f9: {  	_ =	swait.ge [sflag:s2], $0x400  }
0x4fa: {  	[sflag:s2] =	ssyncset.done $0x0  }
0x4fb: {  	s10 =	simm.s32 $0xF200;
	[sflag:s2] =	ssyncadd.s32 $0xFFFFFC00  }
0x4fc: {  	v3 =	vld [tilespmem:s10+$0xFFFFFE70]  }
0x4fd: {  	v4 =	vld [tilespmem:s10+$0xFFFFFEF0]  }
0x4fe: {  	v5 =	vld [tilespmem:s10+$0xFFFFFF70]  }
0x4ff: {  	v6 =	vld [tilespmem:s10+$0xFFFFFFF0]  }
0x500: {  	v7 =	vld [tilespmem:s10+$0x70]  }
0x501: {  	v8 =	vld [tilespmem:s10+$0xF0]  }
0x502: {  	v9 =	vld [tilespmem:s10+$0x170]  }
0x503: {  	v10 =	vld [tilespmem:s10+$0x1F0]  }
0x504: {  	v2 =	vld [tilespmem:s10+$0xFFFFFE80]  }
0x505: {  	v11 =	vld [tilespmem:s10+$0xFFFFFF00]  }
0x506: {  	v12 =	vld [tilespmem:s10+$0xFFFFFF80]  }
0x507: {  	v13 =	vld [tilespmem:s10+$0x0]  }
0x508: {  	v14 =	vld [tilespmem:s10+$0x80]  }
0x509: {  	v15 =	vld [tilespmem:s10+$0x100]  }
0x50a: {  	v16 =	vld [tilespmem:s10+$0x180]  }
0x50b: {  	v17 =	vld [tilespmem:s10+$0xFFFFFE10]  }
0x50c: {  	v18 =	vld [tilespmem:s10+$0xFFFFFE90]  }
0x50d: {  	v19 =	vld [tilespmem:s10+$0xFFFFFF10]  }
0x50e: {  	v20 =	vld [tilespmem:s10+$0xFFFFFF90]  }
0x50f: {  	v21 =	vld [tilespmem:s10+$0x10]  }
0x510: {  	v22 =	vld [tilespmem:s10+$0x90]  }
0x511: {  	v23 =	vld [tilespmem:s10+$0x110]  }
0x512: {  	v24 =	vld [tilespmem:s10+$0x190]  }
0x513: {  	v25 =	vld [tilespmem:s10+$0xFFFFFE20]  }
0x514: {  	v26 =	vld [tilespmem:s10+$0xFFFFFEA0]  }
0x515: {  	v27 =	vld [tilespmem:s10+$0xFFFFFF20]  }
0x516: {  	v28 =	vld [tilespmem:s10+$0xFFFFFFA0]  }
0x517: {  	v29 =	vld [tilespmem:s10+$0x20]  }
0x518: {  	v30 =	vld [tilespmem:s10+$0xA0]  }
0x519: {  	v31 =	vld [tilespmem:s10+$0x120]  }
0x51a: {  	v32 =	vld [tilespmem:s10+$0x1A0]  }
0x51b: {  	v33 =	vld [tilespmem:s10+$0xFFFFFE30]  }
0x51c: {  	v34 =	vld [tilespmem:s10+$0xFFFFFEB0]  }
0x51d: {  	v35 =	vld [tilespmem:s10+$0xFFFFFF30]  }
0x51e: {  	v36 =	vld [tilespmem:s10+$0xFFFFFFB0]  }
0x51f: {  	v37 =	vld [tilespmem:s10+$0x30]  }
0x520: {  	v38 =	vld [tilespmem:s10+$0xB0]  }
0x521: {  	v39 =	vld [tilespmem:s10+$0x130]  }
0x522: {  	v63 =	vld [tilespmem:s10+$0x140]  }
0x523: {  	v42 =	vld [tilespmem:s10+$0x1C0]  }
0x524: {  	v45 =	vld [tilespmem:s10+$0xFFFFFE50];
	v3 =	vadd.f32 v4, v3;
	v4 =	vadd.f32 v6, v5  }
0x525: {  	v48 =	vld [tilespmem:s10+$0xFFFFFED0];
	v6 =	vadd.f32 v8, v7;
	v7 =	vadd.f32 v10, v9  }
0x526: {  	v49 =	vld [tilespmem:s10+$0xFFFFFF50];
	v40 =	vadd.f32 v22, v21;
	v41 =	vadd.f32 v24, v23  }
0x527: {  	v53 =	vld [tilespmem:s10+$0x50];
	v43 =	vadd.f32 v26, v25;
	v44 =	vadd.f32 v28, v27  }
0x528: {  	v55 =	vld [tilespmem:s10+$0xD0];
	v46 =	vadd.f32 v30, v29;
	v47 =	vadd.f32 v32, v31  }
0x529: {  	v5 =	vld [tilespmem:s10+$0x1B0];
	v54 =	vadd.f32 v36, v35;
	v56 =	vadd.f32 v38, v37  }
0x52a: {  	v8 =	vld [tilespmem:s10+$0xFFFFFE40];
	v4 =	vadd.f32 v4, v3;
	v6 =	vadd.f32 v7, v6  }
0x52b: {  	v9 =	vld [tilespmem:s10+$0xFFFFFEC0];
	v3 =	vadd.f32 v12, v11;
	v11 =	vadd.f32 v14, v13  }
0x52c: {  	v10 =	vld [tilespmem:s10+$0xFFFFFFC0];
	v12 =	vadd.f32 v16, v15;
	v14 =	vadd.f32 v18, v17  }
0x52d: {  	v7 =	vld [tilespmem:s10+$0xFFFFFF40];
	v15 =	vadd.f32 v20, v19;
	v50 =	vadd.f32 v44, v43  }
0x52e: {  	v13 =	vld [tilespmem:s10+$0xC0];
	v51 =	vadd.f32 v47, v46;
	v4 =	vadd.f32 v6, v4  }
0x52f: {  	v6 =	vld [tilespmem:s10+$0x40];
	v14 =	vadd.f32 v15, v14;
	v15 =	vadd.f32 v41, v40  }
0x530: {  	v52 =	vld [tilespmem:s10+$0xFFFFFFD0];
	v18 =	vadd.f32 v51, v50;
	v5 =	vadd.f32 v5, v39  }
0x531: {  	s4 =	simm.s32 $0x11440;
	v57 =	vld [tilespmem:s10+$0x150];
	v8 =	vadd.f32 v9, v8;
	v14 =	vadd.f32 v15, v14  }
0x532: {  	v9 =	vld [tilespmem:s10+$0x1D0];
	v15 =	vadd.f32 v34, v33;
	[tilespmem:s4+$0x30] =	vst v4;
	v4 =	vadd.f32 v55, v53  }
0x533: {  	v59 =	vld [tilespmem:s10+$0xFFFFFEE0];
	v7 =	vadd.f32 v10, v7;
	v10 =	vadd.f32 v42, v63  }
0x534: {  	v60 =	vld [tilespmem:s10+$0xFFFFFF60];
	v58 =	vadd.f32 v5, v56;
	v6 =	vadd.f32 v13, v6  }
0x535: {  	v61 =	vld [tilespmem:s10+$0xFFFFFFE0];
	v15 =	vadd.f32 v54, v15;
	v7 =	vadd.f32 v7, v8  }
0x536: {  	v13 =	vld [tilespmem:s10+$0xFFFFFE60];
	v8 =	vadd.f32 v48, v45;
	v6 =	vadd.f32 v10, v6  }
0x537: {  	v5 =	vld [tilespmem:s10+$0x60];
	v9 =	vadd.f32 v9, v57;
	v10 =	vadd.f32 v52, v49  }
0x538: {  	[tilespmem:s4+$0xFFFFFFD0] =	vst v14;
	v14 =	vadd.f32 v58, v15;
	v15 =	vadd.f32 v6, v7;
	v6 =	vld [tilespmem:s10+$0xE0]  }
0x539: {  	[tilespmem:s4+$0xFFFFFFE0] =	vst v18;
	v63 =	vadd.f32 v9, v4;
	v9 =	vld [tilespmem:s10+$0x1E0];
	v62 =	vadd.f32 v10, v8  }
0x53a: {  	v4 =	vadd.f32 v12, v11;
	[tilespmem:s4+$0xFFFFFFF0] =	vst v14;
	v12 =	vadd.f32 v61, v60;
	v7 =	vld [tilespmem:s10+$0x160]  }
0x53b: {  	s9 =	simm.s32 $0x0;
	v10 =	vld [tilespmem:s10+$0xFFFFFE00];
	s10 =	simm.s32 $0xF600;
	v8 =	vadd.f32 v59, v13;
	[tilespmem:s4+$0x0] =	vst v15;
	v11 =	vadd.f32 v63, v62  }
.LBB2_21:
0x53c: {  	v13 =	vld [tilespmem:s10+$0xFFFFFE70]  }
0x53d: {  	v14 =	vld [tilespmem:s10+$0xFFFFFEF0];
	[tilespmem:s4+$0x10] =	vst v11;
	v5 =	vadd.f32 v6, v5;
	v6 =	vadd.f32 v12, v8  }
0x53e: {  	v8 =	vld [tilespmem:s10+$0xFFFFFF70]  }
0x53f: {  	v11 =	vld [tilespmem:s10+$0xFFFFFFF0];
	v7 =	vadd.f32 v9, v7  }
0x540: {  	v9 =	vld [tilespmem:s10+$0x70];
	v2 =	vadd.f32 v2, v10  }
0x541: {  	v10 =	vld [tilespmem:s10+$0xF0];
	v5 =	vadd.f32 v7, v5  }
0x542: {  	v7 =	vld [tilespmem:s10+$0x170];
	v3 =	vadd.f32 v3, v2  }
0x543: {  	s9 =	sadd.s32 $0x8, s9;
	v12 =	vld [tilespmem:s10+$0x1F0];
	v5 =	vadd.f32 v5, v6  }
0x544: {  	p1 =	slt.u32 s9, $0x38;
	v2 =	vld [tilespmem:s10+$0xFFFFFE80];
	v3 =	vadd.f32 v4, v3  }
0x545: {  	v4 =	vld [tilespmem:s10+$0xFFFFFF00];
	[tilespmem:s4+$0x20] =	vst v5  }
0x546: {  	v5 =	vld [tilespmem:s10+$0xFFFFFF80];
	[tilespmem:s4+$0xFFFFFFC0] =	vst v3  }
0x547: {  	v8 =	vadd.f32 v11, v8;
	v3 =	vadd.f32 v14, v13;
	v6 =	vld [tilespmem:s10+$0x0]  }
0x548: {  	v9 =	vadd.f32 v10, v9;
	v11 =	vld [tilespmem:s10+$0x80];
	v7 =	vadd.f32 v12, v7  }
0x549: {  	v10 =	vld [tilespmem:s10+$0x100]  }
0x54a: {  	v8 =	vadd.f32 v8, v3;
	v12 =	vld [tilespmem:s10+$0x180];
	v7 =	vadd.f32 v7, v9  }
0x54b: {  	v3 =	vadd.f32 v5, v4;
	v5 =	vld [tilespmem:s10+$0xFFFFFE10]  }
0x54c: {  	v9 =	vld [tilespmem:s10+$0xFFFFFE90];
	v4 =	vadd.f32 v7, v8  }
0x54d: {  	s4 =	sadd.s32 $0x80, s4;
	v6 =	vadd.f32 v11, v6;
	v7 =	vld [tilespmem:s10+$0xFFFFFF10]  }
0x54e: {  	v8 =	vld [tilespmem:s10+$0xFFFFFF90];
	[tilespmem:s4+$0x30] =	vst v4  }
0x54f: {  	v4 =	vadd.f32 v12, v10;
	v10 =	vld [tilespmem:s10+$0x10]  }
0x550: {  	v11 =	vld [tilespmem:s10+$0x90]  }
0x551: {  	v4 =	vadd.f32 v4, v6;
	v6 =	vld [tilespmem:s10+$0x110];
	v5 =	vadd.f32 v9, v5  }
0x552: {  	v9 =	vld [tilespmem:s10+$0x190]  }
0x553: {  	v7 =	vadd.f32 v8, v7;
	v8 =	vld [tilespmem:s10+$0xFFFFFE20]  }
0x554: {  	v12 =	vld [tilespmem:s10+$0xFFFFFEA0]  }
0x555: {  	v10 =	vadd.f32 v11, v10;
	v5 =	vadd.f32 v7, v5;
	v7 =	vld [tilespmem:s10+$0xFFFFFF20]  }
0x556: {  	v11 =	vld [tilespmem:s10+$0xFFFFFFA0]  }
0x557: {  	v6 =	vadd.f32 v9, v6;
	v9 =	vld [tilespmem:s10+$0x20]  }
0x558: {  	v13 =	vld [tilespmem:s10+$0xA0]  }
0x559: {  	v6 =	vadd.f32 v6, v10;
	v10 =	vld [tilespmem:s10+$0x120];
	v8 =	vadd.f32 v12, v8  }
0x55a: {  	v12 =	vld [tilespmem:s10+$0x1A0]  }
0x55b: {  	v5 =	vadd.f32 v6, v5;
	v6 =	vadd.f32 v11, v7;
	v7 =	vld [tilespmem:s10+$0xFFFFFE30]  }
0x55c: {  	v11 =	vld [tilespmem:s10+$0xFFFFFEB0]  }
0x55d: {  	[tilespmem:s4+$0xFFFFFFD0] =	vst v5;
	v5 =	vadd.f32 v13, v9;
	v6 =	vadd.f32 v6, v8;
	v8 =	vld [tilespmem:s10+$0xFFFFFF30]  }
0x55e: {  	v9 =	vld [tilespmem:s10+$0xFFFFFFB0]  }
0x55f: {  	v10 =	vadd.f32 v12, v10;
	v12 =	vld [tilespmem:s10+$0x30]  }
0x560: {  	v13 =	vld [tilespmem:s10+$0xB0]  }
0x561: {  	v5 =	vadd.f32 v10, v5;
	v10 =	vld [tilespmem:s10+$0x130];
	v7 =	vadd.f32 v11, v7  }
0x562: {  	v11 =	vld [tilespmem:s10+$0x1B0]  }
0x563: {  	v5 =	vadd.f32 v5, v6;
	v6 =	vadd.f32 v9, v8;
	v8 =	vld [tilespmem:s10+$0xFFFFFE40]  }
0x564: {  	v9 =	vld [tilespmem:s10+$0xFFFFFEC0]  }
0x565: {  	[tilespmem:s4+$0xFFFFFFE0] =	vst v5;
	v5 =	vadd.f32 v13, v12;
	v6 =	vadd.f32 v6, v7;
	v7 =	vld [tilespmem:s10+$0xFFFFFF40]  }
0x566: {  	v12 =	vld [tilespmem:s10+$0xFFFFFFC0]  }
0x567: {  	v10 =	vadd.f32 v11, v10;
	v11 =	vld [tilespmem:s10+$0x40]  }
0x568: {  	v13 =	vld [tilespmem:s10+$0xC0]  }
0x569: {  	v5 =	vadd.f32 v10, v5;
	v10 =	vld [tilespmem:s10+$0x140];
	v8 =	vadd.f32 v9, v8  }
0x56a: {  	v9 =	vld [tilespmem:s10+$0x1C0]  }
0x56b: {  	v5 =	vadd.f32 v5, v6;
	v6 =	vadd.f32 v12, v7;
	v7 =	vld [tilespmem:s10+$0xFFFFFE50]  }
0x56c: {  	v12 =	vld [tilespmem:s10+$0xFFFFFED0]  }
0x56d: {  	[tilespmem:s4+$0xFFFFFFF0] =	vst v5;
	v5 =	vadd.f32 v13, v11;
	v6 =	vadd.f32 v6, v8;
	v8 =	vld [tilespmem:s10+$0xFFFFFF50]  }
0x56e: {  	v11 =	vld [tilespmem:s10+$0xFFFFFFD0]  }
0x56f: {  	v9 =	vadd.f32 v9, v10;
	v10 =	vld [tilespmem:s10+$0x50]  }
0x570: {  	v13 =	vld [tilespmem:s10+$0xD0]  }
0x571: {  	v5 =	vadd.f32 v9, v5;
	v9 =	vld [tilespmem:s10+$0x150];
	v7 =	vadd.f32 v12, v7  }
0x572: {  	v12 =	vld [tilespmem:s10+$0x1D0]  }
0x573: {  	v5 =	vadd.f32 v5, v6;
	v6 =	vadd.f32 v11, v8;
	v8 =	vld [tilespmem:s10+$0xFFFFFE60]  }
0x574: {  	v11 =	vld [tilespmem:s10+$0xFFFFFEE0]  }
0x575: {  	[tilespmem:s4+$0x0] =	vst v5;
	v10 =	vadd.f32 v13, v10;
	v13 =	vadd.f32 v6, v7;
	v14 =	vld [tilespmem:s10+$0xFFFFFF60]  }
0x576: {  	v15 =	vld [tilespmem:s10+$0xFFFFFFE0]  }
.Ltmp12:
0x577: {  	v7 =	vadd.f32 v12, v9;
	v5 =	vld [tilespmem:s10+$0x60];
	(pc) =	sbr.rel @p1 .LBB2_21-.Ltmp12, $4  }
0x578: {  	v6 =	vld [tilespmem:s10+$0xE0]  }
0x579: {  	v12 =	vadd.f32 v7, v10;
	v7 =	vld [tilespmem:s10+$0x160];
	v8 =	vadd.f32 v11, v8  }
0x57a: {  	v9 =	vld [tilespmem:s10+$0x1E0]  }
0x57b: {  	v10 =	vld [tilespmem:s10+$0xFFFFFE00];
	v11 =	vadd.f32 v12, v13;
	v12 =	vadd.f32 v15, v14;
	s10 =	sadd.s32 $0x400, s10  }
0x57c: {  	_ =	sdelay $0x2  }
0x57d: {  	v5 =	vadd.f32 v6, v5;
	v62 =	vadd.f32 v9, v7  }
0x57e: {  	v2 =	vadd.f32 v2, v10  }
0x57f: {  	v63 =	vadd.f32 v12, v8;
	v5 =	vadd.f32 v62, v5  }
0x580: {  	v2 =	vadd.f32 v3, v2  }
.Ltmp13:
0x581: {  	v3 =	vadd.f32 v5, v63;
	(pc) =	sbr.rel @p0 .LBB2_24-.Ltmp13, $4  }
0x582: {  	[tilespmem:s4+$0x10] =	vst v11;
	v2 =	vadd.f32 v4, v2  }
0x583: {  	[tilespmem:s4+$0x20] =	vst v3  }
0x584: {  	s29 =	sadd.s32 s28, s16;
	[tilespmem:s4+$0xFFFFFFC0] =	vst v2  }
0x585: {  	[hbm4b:s29+s18] =	stream.strided.scatter [tilespmem:s5], [sflag:$0xA], $0x400, s19, s18, $0x38;
	[tilespmem:$0x11800] =	vst v63  }
0x586: {  	s4 =	sshll.u32 s26, $0x6  }
0x587: {  	s4 =	sand.u32 $0x3FFFFFC0, s4  }
0x588: {  	v2 =	vld.msk [tilespmem:s4+$0x78], $0xff;
	_ =	sdelay $0x4  }
0x589: {  	v3 =	vshll.u32 v2, $0x3  }
0x58a: {  	v2 =	vand.u32 $0x7, v2;
	v3 =	vand.u32 $0xFFFFFFC0, v3  }
0x58b: {  	v2 =	vor.u32 v2, v3  }
0x58c: {  	v2 =	vperm.xlane v2, v0;
	_ =	sdelay $0x1  }
0x58d: {  	v2 =	vadd.s32 v1, v2;
	_ =	sdelay $0x3  }
0x58e: {  	s9 =	simm.s32 $0xF000  }
0x58f: {  	[tilespmem:s9], [sflag:$0x8] =	stream.indirect_vreg.gather [hbm4b:s1+s3], $0x80, v2, vm0, $0xb8;
	[tilespmem:$0x11800] =	vst v63  }
0x590: {  	s10 =	simm.s32 $0xF800  }
0x591: {  	[tilespmem:s10], [sflag:$0x8] =	stream.indirect_vreg.gather [hbm4b:s6+s3], $0x80, v2, vm0, $0xb8;
	[tilespmem:$0x11800] =	vst v63  }
.Ltmp14:
0x592: {  	_ = 	snop;
	(pc) =	sbr.rel .LBB2_2-.Ltmp14, $4  }
0x593: {  	s28 =	simm.s32 $0x10000  }
0x594: {  	[tilespmem:s28], [sflag:$0x8] =	stream.indirect_vreg.gather [hbm4b:s7+s3], $0x80, v2, vm0, $0xb8;
	[tilespmem:$0x11800] =	vst v63  }
0x595: {  	s29 =	simm.s32 $0x10800;
	s26 =	sadd.s32 $0x1, s26  }
0x596: {  	[tilespmem:s29], [sflag:$0x8] =	stream.indirect_vreg.gather [hbm4b:s8+s3], $0x80, v2, vm0, $0xb8;
	[tilespmem:$0x11800] =	vst v63  }
.LBB2_25:
0x597: {  	_ =	sfence.sel $0x180000  }
0x598: {  	[bflag:$0x0] =	sbarrier.arrive $0xFFFF  }
0x599: {  	_ =	strace $0x90000047  }
0x59a: {  	s0 =	stileid.u32;
	[bflag:$0x2] =	sbarrier.arrive $0xFFFF  }
0x59b: {  	p0 =	sne.s32 s0, $0x0;
	s0 =	rddreg [dreg:$0x3]  }
0x59c: {  	s0 =	sadd.s32 @!p0 $0x100000, s0  }
0x59d: {  	[sflag:s0] =	ssyncadd.tile.s32 @!p0 $0x1;
	_ =	shalt  }
.Lfunc_end2:
_tile_overlayer_lowered:
.L_overlay_start_2:
0x59e: {  	(tag) =	ssettag $0x2  }
0x59f: {  	s0 =	rddreg [dreg:$0x0];
	s2 =	stileid.u32  }
0x5a0: {  	s1 =	rddreg [dreg:$0x1];
	p0 =	sne.s32 s2, $0x0  }
0x5a1: {  	s3 =	rddreg [dreg:$0x2];
	[bflag:$0x3] =	sbarrier.arrive $0xFFFF;
	s2 =	simm.s32 @!p0 $0x1C0B  }
0x5a2: {  	[timem:s3], [sflag:s2] =	dma.local @!p0 [hbm:s0], s1  }
0x5a3: {  	s0 =	simm.s32 @!p0 $0xB  }
0x5a4: {  	_ =	swait.ge @!p0 [sflag:s0], s1  }
0x5a5: {  	s1 =	ssub.s32 @!p0 $0x0, s1;
	[sflag:s0] =	ssyncset.done @!p0 $0x0  }
0x5a6: {  	[sflag:s0] =	ssyncadd.s32 @!p0 s1  }
0x5a7: {  	[bflag:$0x3] =	sbarrier.arrive $0xFFFF  }
0x5a8: {  	_ =	shalt  }

</sc_bundles>
